<compile_context>
chip_gen: v7x
topology: tpu7x:2x2x1
jax: 0.10.2.dev20260603
libtpu: 0.0.44.dev20260713+nightly
codegen_flags: <defaults>
</compile_context>

<pallas_src>
import functools

import jax
import jax.numpy as jnp
from jax import lax
from jax.experimental import pallas as pl
from jax.experimental.pallas import tpu as pltpu
from jax.experimental.pallas import tpu_sc as plsc

_L = 16
_NC = 2
_NSC = 16
_NW = _NC * _NSC
_ROWS = 2048
_K = 8
_V = 100000
_E = _ROWS * _K
_EPW = _E // _NW
_RPW = _ROWS // _NW


def _sc_body(pred_hbm, idx_hbm, st_hbm, mask_hbm, out_hbm,
             idx_v, st_v, wgt_v, mask_v, buf0_v, buf1_v, red_v, sem, sem2):
    wid = lax.axis_index("s") * _NC + lax.axis_index("c")
    lane = lax.iota(jnp.int32, _L)
    sub = lane >> 3

    pltpu.sync_copy(idx_hbm.at[wid], idx_v)
    pltpu.sync_copy(st_hbm.at[wid], st_v)
    pltpu.sync_copy(mask_hbm.at[wid], mask_v)

    for j in range(4):
        mrow = mask_v[0, pl.ds(j * _L, _L)]
        for k in range(8):
            seg = pl.ds(k * _L, _L)
            m0 = jnp.full((_L,), mrow[2 * k], jnp.float32)
            m1 = jnp.full((_L,), mrow[2 * k + 1], jnp.float32)
            wgt_v[j, seg] = st_v[j, seg] * jnp.where(sub == 0, m0, m1)

    base_r = wid * _RPW

    def load16(ref, h):
        return ref[h >> 3, pl.ds((h & 7) * _L, _L)]

    def fire(cvec, r, half, buf, sem_p):
        rb = pl.multiple_of((r >> 3) << 3, 8)
        for i in range(8):
            c = cvec[half * 8 + i]
            c128 = pl.multiple_of((c >> 7) << 7, 128)
            pltpu.make_async_copy(
                pred_hbm.at[pl.ds(0, 1), pl.ds(rb, 8), pl.ds(c128, 128)],
                buf.at[pl.ds(i, 1)], sem_p).start()

    def drain(buf, sem_p):
        for i in range(8):
            pltpu.make_async_copy(
                pred_hbm.at[pl.ds(0, 1),
                            pl.ds(pl.multiple_of(0, 8), 8),
                            pl.ds(pl.multiple_of(0, 128), 128)],
                buf.at[pl.ds(i, 1)], sem_p).wait()

    def compute(cvec, wvec, r, half, buf, acc):
        sr = r & 7
        for i in range(8):
            c = cvec[half * 8 + i]
            off = ((c >> 4) << 4) - ((c >> 7) << 7)
            win = buf[i, sr, pl.ds(off, _L)]
            cl = jnp.full((_L,), c & 15, jnp.int32)
            w16 = jnp.full((_L,), wvec[half * 8 + i], jnp.float32)
            acc = acc + jnp.where(lane == cl, win * w16,
                                  jnp.zeros((_L,), jnp.float32))
        return acc

    cvec0 = load16(idx_v, 0)
    fire(cvec0, base_r, 0, buf0_v, sem)

    def body(h, acc):
        cvec = load16(idx_v, h)
        wvec = load16(wgt_v, h)
        r0 = base_r + 2 * h
        fire(cvec, r0 + 1, 1, buf1_v, sem2)
        drain(buf0_v, sem)
        acc = compute(cvec, wvec, r0, 0, buf0_v, acc)

        @pl.when(h < 31)
        def _():
            fire(load16(idx_v, h + 1), r0 + 2, 0, buf0_v, sem)
        drain(buf1_v, sem2)
        return compute(cvec, wvec, r0 + 1, 1, buf1_v, acc)

    acc = lax.fori_loop(0, 32, body, jnp.zeros((_L,), jnp.float32))

    macc = jnp.zeros((_L,), jnp.float32)
    for k in range(4):
        macc = macc + mask_v[0, pl.ds(k * _L, _L)]

    s_t = jnp.sum(acc)
    m_t = jnp.sum(macc)
    partial = jnp.where(lane == 0, jnp.full((_L,), s_t, jnp.float32),
                        jnp.where(lane == 1, jnp.full((_L,), m_t, jnp.float32),
                                  jnp.zeros((_L,), jnp.float32)))
    red_v[0, pl.ds(0, _L)] = partial
    for k in range(1, 8):
        red_v[0, pl.ds(k * _L, _L)] = jnp.zeros((_L,), jnp.float32)
    pltpu.sync_copy(red_v, out_hbm.at[wid])


def _combine_body(p_ref, o_ref):
    p = p_ref[...]
    s = jnp.sum(p[:, 0])
    m = jnp.sum(p[:, 1])
    o_ref[...] = jnp.full((1, 1), -(s / m), jnp.float32)


def kernel(pred, idxs, soft_target, mask):
    pred2 = pred
    idx3 = jnp.pad(idxs.astype(jnp.int32).reshape(_NW, 4, 128),
                   ((0, 0), (0, 4), (0, 0)))
    st3 = jnp.pad(soft_target.astype(jnp.float32).reshape(_NW, 4, 128),
                  ((0, 0), (0, 4), (0, 0)))
    mask3 = jnp.pad(mask.astype(jnp.float32).reshape(_NW, 1, _RPW),
                    ((0, 0), (0, 0), (0, 128 - _RPW)))

    mesh = plsc.VectorSubcoreMesh(core_axis_name="c", subcore_axis_name="s")
    run = functools.partial(
        pl.kernel,
        mesh=mesh,
        compiler_params=pltpu.CompilerParams(
            needs_layout_passes=False, use_tc_tiling_on_sc=True),
        out_type=jax.ShapeDtypeStruct((_NW, 1, 128), jnp.float32),
        scratch_types=[
            pltpu.VMEM((8, 128), jnp.int32),
            pltpu.VMEM((8, 128), jnp.float32),
            pltpu.VMEM((8, 128), jnp.float32),
            pltpu.VMEM((1, 128), jnp.float32),
            pltpu.VMEM((8, 8, 128), jnp.float32),
            pltpu.VMEM((8, 8, 128), jnp.float32),
            pltpu.VMEM((1, 128), jnp.float32),
            pltpu.SemaphoreType.DMA,
            pltpu.SemaphoreType.DMA,
        ],
    )(_sc_body)
    partials = run(pred2, idx3, st3, mask3)

    out = pl.pallas_call(
        _combine_body,
        out_shape=jax.ShapeDtypeStruct((1, 1), jnp.float32),
    )(partials.reshape(_NW, 128))
    return out[0, 0]

# --- scband reference (transcript-rebuilt; emitter-appended) ---
"""Pipeline reference for scband-soft-criterion-24137716203564 (READ-ONLY COPY).

The authoritative reference and input builder live on the scoring server;
editing this copy changes nothing except your own understanding.
"""

import jax, jax.numpy as jnp
import numpy as np


def setup_inputs(seed: int = 0) -> dict:
    key = jax.random.key(seed)
    k1, k2, k3, k4 = jax.random.split(key, 4)
    pred = jax.random.normal(k1, (1, 2048, 100000), dtype=jnp.float32)
    idxs = jax.random.randint(k2, (1, 2048, 8), 0, 100000, dtype=jnp.int64)
    soft_target = jax.random.uniform(k3, (1, 2048, 8), dtype=jnp.float32)
    mask = jax.random.uniform(k4, (1, 2048), dtype=jnp.float32)
    return {"pred": pred, "idxs": idxs, "soft_target": soft_target, "mask": mask}


def reference(pred, idxs, soft_target, mask):
    # topk = -1.0 * pred.gather(-1, idxs) * mask[..., None]
    gathered = jnp.take_along_axis(pred, idxs, axis=-1)
    topk = -1.0 * gathered * mask[..., None]
    output = soft_target * topk
    output = jnp.sum(output) / jnp.sum(mask)
    return output.astype(jnp.float32)

if __name__ == "__main__":
    import jax
    _d = setup_inputs()
    print(jax.jit(kernel)(*tuple(_d.values())))

</pallas_src>

<mosaic_0001>
#map = affine_map<(d0, d1) -> (0, 0, 0)>
module attributes {stable_mosaic.version = 14 : i64} {
  func.func @_sc_body(%arg0: i32, %arg1: i32, %arg2: memref<1x2048x100000xf32, #tpu.memory_space<hbm>>, %arg3: memref<32x8x128xi32, #tpu.memory_space<hbm>>, %arg4: memref<32x8x128xf32, #tpu.memory_space<hbm>>, %arg5: memref<32x1x128xf32, #tpu.memory_space<hbm>>, %arg6: memref<32x1x128xf32, #tpu.memory_space<hbm>>, %arg7: memref<8x128xi32, #tpu.memory_space<vmem>>, %arg8: memref<8x128xf32, #tpu.memory_space<vmem>>, %arg9: memref<8x128xf32, #tpu.memory_space<vmem>>, %arg10: memref<1x128xf32, #tpu.memory_space<vmem>>, %arg11: memref<8x8x128xf32, #tpu.memory_space<vmem>>, %arg12: memref<8x8x128xf32, #tpu.memory_space<vmem>>, %arg13: memref<1x128xf32, #tpu.memory_space<vmem>>, %arg14: memref<!tpu.dma_semaphore, #tpu.memory_space<semaphore_mem>>, %arg15: memref<!tpu.dma_semaphore, #tpu.memory_space<semaphore_mem>>) attributes {dimension_semantics = [#tpu.dimension_semantics<core_parallel>, #tpu.dimension_semantics<subcore_parallel>], iteration_bounds = array<i64: 2, 16>, scalar_prefetch = 0 : i64, scratch_operands = 9 : i64, tpu.core_type = #tpu.core_type<sc_vector_subcore>, window_params = [{transform_indices = #map}, {transform_indices = #map}, {transform_indices = #map}, {transform_indices = #map}, {transform_indices = #map}]} {
    %mul3A = arith.constant 2 : i32
    %mul3A_0 = arith.muli %arg1, %mul3A : i32
    %add3A = arith.addi %mul3A_0, %arg0 : i32
    %iota3A = tpu.iota {dimensions = array<i32: 0>} : vector<16xi32>
    %shift_right_arithmetic3A = arith.constant 3 : i32
    %shift_right_arithmetic3A_1 = vector.broadcast %shift_right_arithmetic3A : i32 to vector<16xi32>
    %shift_right_arithmetic3A_2 = arith.shrsi %iota3A, %shift_right_arithmetic3A_1 : vector<16xi32>
    "tpu.region"() ({
      %run_scoped3A = tpu.sem_alloc : memref<!tpu.dma_semaphore, #tpu.memory_space<semaphore_mem>>
      %dma_start3A_874 = arith.constant 0 : i32
      %dma_start3A_875 = arith.constant 0 : i32
      %dma_start3A_876 = tpu.memref_slice %arg3[%add3A, %dma_start3A_874, %dma_start3A_875] : memref<32x8x128xi32, #tpu.memory_space<hbm>> -> memref<1x8x128xi32, #tpu.memory_space<hbm>>
      %dma_start3A_877 = tpu.memref_squeeze %dma_start3A_876 : memref<1x8x128xi32, #tpu.memory_space<hbm>> -> memref<8x128xi32, #tpu.memory_space<hbm>>
      %dma_start3A_878 = arith.constant 0 : i32
      %dma_start3A_879 = arith.constant 0 : i32
      %dma_start3A_880 = tpu.memref_slice %arg3[%add3A, %dma_start3A_878, %dma_start3A_879] : memref<32x8x128xi32, #tpu.memory_space<hbm>> -> memref<1x8x128xi32, #tpu.memory_space<hbm>>
      %dma_start3A_881 = tpu.memref_squeeze %dma_start3A_880 : memref<1x8x128xi32, #tpu.memory_space<hbm>> -> memref<8x128xi32, #tpu.memory_space<hbm>>
      tpu.enqueue_dma source(%dma_start3A_881 : memref<8x128xi32, #tpu.memory_space<hbm>>) target(%arg7 : memref<8x128xi32, #tpu.memory_space<vmem>>) target_semaphore(%run_scoped3A : memref<!tpu.dma_semaphore, #tpu.memory_space<semaphore_mem>>)
      %dma_wait3A = arith.constant 0 : i32
      %dma_wait3A_882 = arith.constant 0 : i32
      %dma_wait3A_883 = tpu.memref_slice %arg3[%add3A, %dma_wait3A, %dma_wait3A_882] : memref<32x8x128xi32, #tpu.memory_space<hbm>> -> memref<1x8x128xi32, #tpu.memory_space<hbm>>
      %dma_wait3A_884 = tpu.memref_squeeze %dma_wait3A_883 : memref<1x8x128xi32, #tpu.memory_space<hbm>> -> memref<8x128xi32, #tpu.memory_space<hbm>>
      %dma_wait3A_885 = arith.constant 0 : i32
      %dma_wait3A_886 = arith.constant 0 : i32
      %dma_wait3A_887 = tpu.memref_slice %arg3[%add3A, %dma_wait3A_885, %dma_wait3A_886] : memref<32x8x128xi32, #tpu.memory_space<hbm>> -> memref<1x8x128xi32, #tpu.memory_space<hbm>>
      %dma_wait3A_888 = tpu.memref_squeeze %dma_wait3A_887 : memref<1x8x128xi32, #tpu.memory_space<hbm>> -> memref<8x128xi32, #tpu.memory_space<hbm>>
      tpu.wait_dma2 semaphore(%run_scoped3A : memref<!tpu.dma_semaphore, #tpu.memory_space<semaphore_mem>>) src(%dma_wait3A_888 : memref<8x128xi32, #tpu.memory_space<hbm>>) dst(%arg7 : memref<8x128xi32, #tpu.memory_space<vmem>>)
      tpu.yield
    }) : () -> ()
    "tpu.region"() ({
      %run_scoped3A = tpu.sem_alloc : memref<!tpu.dma_semaphore, #tpu.memory_space<semaphore_mem>>
      %dma_start3A_874 = arith.constant 0 : i32
      %dma_start3A_875 = arith.constant 0 : i32
      %dma_start3A_876 = tpu.memref_slice %arg4[%add3A, %dma_start3A_874, %dma_start3A_875] : memref<32x8x128xf32, #tpu.memory_space<hbm>> -> memref<1x8x128xf32, #tpu.memory_space<hbm>>
      %dma_start3A_877 = tpu.memref_squeeze %dma_start3A_876 : memref<1x8x128xf32, #tpu.memory_space<hbm>> -> memref<8x128xf32, #tpu.memory_space<hbm>>
      %dma_start3A_878 = arith.constant 0 : i32
      %dma_start3A_879 = arith.constant 0 : i32
      %dma_start3A_880 = tpu.memref_slice %arg4[%add3A, %dma_start3A_878, %dma_start3A_879] : memref<32x8x128xf32, #tpu.memory_space<hbm>> -> memref<1x8x128xf32, #tpu.memory_space<hbm>>
      %dma_start3A_881 = tpu.memref_squeeze %dma_start3A_880 : memref<1x8x128xf32, #tpu.memory_space<hbm>> -> memref<8x128xf32, #tpu.memory_space<hbm>>
      tpu.enqueue_dma source(%dma_start3A_881 : memref<8x128xf32, #tpu.memory_space<hbm>>) target(%arg8 : memref<8x128xf32, #tpu.memory_space<vmem>>) target_semaphore(%run_scoped3A : memref<!tpu.dma_semaphore, #tpu.memory_space<semaphore_mem>>)
      %dma_wait3A = arith.constant 0 : i32
      %dma_wait3A_882 = arith.constant 0 : i32
      %dma_wait3A_883 = tpu.memref_slice %arg4[%add3A, %dma_wait3A, %dma_wait3A_882] : memref<32x8x128xf32, #tpu.memory_space<hbm>> -> memref<1x8x128xf32, #tpu.memory_space<hbm>>
      %dma_wait3A_884 = tpu.memref_squeeze %dma_wait3A_883 : memref<1x8x128xf32, #tpu.memory_space<hbm>> -> memref<8x128xf32, #tpu.memory_space<hbm>>
      %dma_wait3A_885 = arith.constant 0 : i32
      %dma_wait3A_886 = arith.constant 0 : i32
      %dma_wait3A_887 = tpu.memref_slice %arg4[%add3A, %dma_wait3A_885, %dma_wait3A_886] : memref<32x8x128xf32, #tpu.memory_space<hbm>> -> memref<1x8x128xf32, #tpu.memory_space<hbm>>
      %dma_wait3A_888 = tpu.memref_squeeze %dma_wait3A_887 : memref<1x8x128xf32, #tpu.memory_space<hbm>> -> memref<8x128xf32, #tpu.memory_space<hbm>>
      tpu.wait_dma2 semaphore(%run_scoped3A : memref<!tpu.dma_semaphore, #tpu.memory_space<semaphore_mem>>) src(%dma_wait3A_888 : memref<8x128xf32, #tpu.memory_space<hbm>>) dst(%arg8 : memref<8x128xf32, #tpu.memory_space<vmem>>)
      tpu.yield
    }) : () -> ()
    "tpu.region"() ({
      %run_scoped3A = tpu.sem_alloc : memref<!tpu.dma_semaphore, #tpu.memory_space<semaphore_mem>>
      %dma_start3A_874 = arith.constant 0 : i32
      %dma_start3A_875 = arith.constant 0 : i32
      %dma_start3A_876 = tpu.memref_slice %arg5[%add3A, %dma_start3A_874, %dma_start3A_875] : memref<32x1x128xf32, #tpu.memory_space<hbm>> -> memref<1x1x128xf32, #tpu.memory_space<hbm>>
      %dma_start3A_877 = tpu.memref_squeeze %dma_start3A_876 : memref<1x1x128xf32, #tpu.memory_space<hbm>> -> memref<1x128xf32, #tpu.memory_space<hbm>>
      %dma_start3A_878 = arith.constant 0 : i32
      %dma_start3A_879 = arith.constant 0 : i32
      %dma_start3A_880 = tpu.memref_slice %arg5[%add3A, %dma_start3A_878, %dma_start3A_879] : memref<32x1x128xf32, #tpu.memory_space<hbm>> -> memref<1x1x128xf32, #tpu.memory_space<hbm>>
      %dma_start3A_881 = tpu.memref_squeeze %dma_start3A_880 : memref<1x1x128xf32, #tpu.memory_space<hbm>> -> memref<1x128xf32, #tpu.memory_space<hbm>>
      tpu.enqueue_dma source(%dma_start3A_881 : memref<1x128xf32, #tpu.memory_space<hbm>>) target(%arg10 : memref<1x128xf32, #tpu.memory_space<vmem>>) target_semaphore(%run_scoped3A : memref<!tpu.dma_semaphore, #tpu.memory_space<semaphore_mem>>)
      %dma_wait3A = arith.constant 0 : i32
      %dma_wait3A_882 = arith.constant 0 : i32
      %dma_wait3A_883 = tpu.memref_slice %arg5[%add3A, %dma_wait3A, %dma_wait3A_882] : memref<32x1x128xf32, #tpu.memory_space<hbm>> -> memref<1x1x128xf32, #tpu.memory_space<hbm>>
      %dma_wait3A_884 = tpu.memref_squeeze %dma_wait3A_883 : memref<1x1x128xf32, #tpu.memory_space<hbm>> -> memref<1x128xf32, #tpu.memory_space<hbm>>
      %dma_wait3A_885 = arith.constant 0 : i32
      %dma_wait3A_886 = arith.constant 0 : i32
      %dma_wait3A_887 = tpu.memref_slice %arg5[%add3A, %dma_wait3A_885, %dma_wait3A_886] : memref<32x1x128xf32, #tpu.memory_space<hbm>> -> memref<1x1x128xf32, #tpu.memory_space<hbm>>
      %dma_wait3A_888 = tpu.memref_squeeze %dma_wait3A_887 : memref<1x1x128xf32, #tpu.memory_space<hbm>> -> memref<1x128xf32, #tpu.memory_space<hbm>>
      tpu.wait_dma2 semaphore(%run_scoped3A : memref<!tpu.dma_semaphore, #tpu.memory_space<semaphore_mem>>) src(%dma_wait3A_888 : memref<1x128xf32, #tpu.memory_space<hbm>>) dst(%arg10 : memref<1x128xf32, #tpu.memory_space<vmem>>)
      tpu.yield
    }) : () -> ()
    %get3A = arith.constant 0 : i32
    %get3A_3 = arith.index_cast %get3A : i32 to index
    %get3A_4 = arith.constant 0 : index
    %get3A_5 = tpu.vector_load %arg10[%get3A_3, %get3A_4] {strides = array<i32>} : memref<1x128xf32, #tpu.memory_space<vmem>>, vector<16xf32>,
    %slice3A = vector.extract_strided_slice %get3A_5 {offsets = [0], sizes = [1], strides = [1]} : vector<16xf32> to vector<1xf32>
    %squeeze3A = vector.extract %slice3A[0] : f32 from vector<1xf32>
    %broadcast_in_dim3A = vector.broadcast %squeeze3A : f32 to vector<16xf32>
    %slice3A_6 = vector.extract_strided_slice %get3A_5 {offsets = [1], sizes = [1], strides = [1]} : vector<16xf32> to vector<1xf32>
    %squeeze3A_7 = vector.extract %slice3A_6[0] : f32 from vector<1xf32>
    %broadcast_in_dim3A_8 = vector.broadcast %squeeze3A_7 : f32 to vector<16xf32>
    %get3A_9 = arith.constant 0 : i32
    %get3A_10 = arith.index_cast %get3A_9 : i32 to index
    %get3A_11 = arith.constant 0 : index
    %get3A_12 = tpu.vector_load %arg8[%get3A_10, %get3A_11] {strides = array<i32>} : memref<8x128xf32, #tpu.memory_space<vmem>>, vector<16xf32>,
    %eq3A = arith.constant 0 : i32
    %eq3A_13 = vector.broadcast %eq3A : i32 to vector<16xi32>
    %eq3A_14 = arith.cmpi eq, %shift_right_arithmetic3A_2, %eq3A_13 : vector<16xi32>
    %select_n3A = arith.select %eq3A_14, %broadcast_in_dim3A, %broadcast_in_dim3A_8 : vector<16xi1>, vector<16xf32>
    %mul3A_15 = arith.mulf %get3A_12, %select_n3A : vector<16xf32>
    %swap3A = arith.constant 0 : i32
    %swap3A_16 = arith.index_cast %swap3A : i32 to index
    %swap3A_17 = arith.constant 0 : index
    %swap3A_18 = tpu.vector_load %arg9[%swap3A_16, %swap3A_17] {strides = array<i32>} : memref<8x128xf32, #tpu.memory_space<vmem>>, vector<16xf32>,
    tpu.vector_store %arg9[%swap3A_16, %swap3A_17], %mul3A_15 {strides = array<i32>} : memref<8x128xf32, #tpu.memory_space<vmem>>, vector<16xf32>,
    %slice3A_19 = vector.extract_strided_slice %get3A_5 {offsets = [2], sizes = [1], strides = [1]} : vector<16xf32> to vector<1xf32>
    %squeeze3A_20 = vector.extract %slice3A_19[0] : f32 from vector<1xf32>
    %broadcast_in_dim3A_21 = vector.broadcast %squeeze3A_20 : f32 to vector<16xf32>
    %slice3A_22 = vector.extract_strided_slice %get3A_5 {offsets = [3], sizes = [1], strides = [1]} : vector<16xf32> to vector<1xf32>
    %squeeze3A_23 = vector.extract %slice3A_22[0] : f32 from vector<1xf32>
    %broadcast_in_dim3A_24 = vector.broadcast %squeeze3A_23 : f32 to vector<16xf32>
    %get3A_25 = arith.constant 0 : i32
    %get3A_26 = arith.index_cast %get3A_25 : i32 to index
    %get3A_27 = arith.constant 16 : index
    %get3A_28 = tpu.vector_load %arg8[%get3A_26, %get3A_27] {strides = array<i32>} : memref<8x128xf32, #tpu.memory_space<vmem>>, vector<16xf32>,
    %eq3A_29 = arith.constant 0 : i32
    %eq3A_30 = vector.broadcast %eq3A_29 : i32 to vector<16xi32>
    %eq3A_31 = arith.cmpi eq, %shift_right_arithmetic3A_2, %eq3A_30 : vector<16xi32>
    %select_n3A_32 = arith.select %eq3A_31, %broadcast_in_dim3A_21, %broadcast_in_dim3A_24 : vector<16xi1>, vector<16xf32>
    %mul3A_33 = arith.mulf %get3A_28, %select_n3A_32 : vector<16xf32>
    %swap3A_34 = arith.constant 0 : i32
    %swap3A_35 = arith.index_cast %swap3A_34 : i32 to index
    %swap3A_36 = arith.constant 16 : index
    %swap3A_37 = tpu.vector_load %arg9[%swap3A_35, %swap3A_36] {strides = array<i32>} : memref<8x128xf32, #tpu.memory_space<vmem>>, vector<16xf32>,
    tpu.vector_store %arg9[%swap3A_35, %swap3A_36], %mul3A_33 {strides = array<i32>} : memref<8x128xf32, #tpu.memory_space<vmem>>, vector<16xf32>,
    %slice3A_38 = vector.extract_strided_slice %get3A_5 {offsets = [4], sizes = [1], strides = [1]} : vector<16xf32> to vector<1xf32>
    %squeeze3A_39 = vector.extract %slice3A_38[0] : f32 from vector<1xf32>
    %broadcast_in_dim3A_40 = vector.broadcast %squeeze3A_39 : f32 to vector<16xf32>
    %slice3A_41 = vector.extract_strided_slice %get3A_5 {offsets = [5], sizes = [1], strides = [1]} : vector<16xf32> to vector<1xf32>
    %squeeze3A_42 = vector.extract %slice3A_41[0] : f32 from vector<1xf32>
    %broadcast_in_dim3A_43 = vector.broadcast %squeeze3A_42 : f32 to vector<16xf32>
    %get3A_44 = arith.constant 0 : i32
    %get3A_45 = arith.index_cast %get3A_44 : i32 to index
    %get3A_46 = arith.constant 32 : index
    %get3A_47 = tpu.vector_load %arg8[%get3A_45, %get3A_46] {strides = array<i32>} : memref<8x128xf32, #tpu.memory_space<vmem>>, vector<16xf32>,
    %eq3A_48 = arith.constant 0 : i32
    %eq3A_49 = vector.broadcast %eq3A_48 : i32 to vector<16xi32>
    %eq3A_50 = arith.cmpi eq, %shift_right_arithmetic3A_2, %eq3A_49 : vector<16xi32>
    %select_n3A_51 = arith.select %eq3A_50, %broadcast_in_dim3A_40, %broadcast_in_dim3A_43 : vector<16xi1>, vector<16xf32>
    %mul3A_52 = arith.mulf %get3A_47, %select_n3A_51 : vector<16xf32>
    %swap3A_53 = arith.constant 0 : i32
    %swap3A_54 = arith.index_cast %swap3A_53 : i32 to index
    %swap3A_55 = arith.constant 32 : index
    %swap3A_56 = tpu.vector_load %arg9[%swap3A_54, %swap3A_55] {strides = array<i32>} : memref<8x128xf32, #tpu.memory_space<vmem>>, vector<16xf32>,
    tpu.vector_store %arg9[%swap3A_54, %swap3A_55], %mul3A_52 {strides = array<i32>} : memref<8x128xf32, #tpu.memory_space<vmem>>, vector<16xf32>,
    %slice3A_57 = vector.extract_strided_slice %get3A_5 {offsets = [6], sizes = [1], strides = [1]} : vector<16xf32> to vector<1xf32>
    %squeeze3A_58 = vector.extract %slice3A_57[0] : f32 from vector<1xf32>
    %broadcast_in_dim3A_59 = vector.broadcast %squeeze3A_58 : f32 to vector<16xf32>
    %slice3A_60 = vector.extract_strided_slice %get3A_5 {offsets = [7], sizes = [1], strides = [1]} : vector<16xf32> to vector<1xf32>
    %squeeze3A_61 = vector.extract %slice3A_60[0] : f32 from vector<1xf32>
    %broadcast_in_dim3A_62 = vector.broadcast %squeeze3A_61 : f32 to vector<16xf32>
    %get3A_63 = arith.constant 0 : i32
    %get3A_64 = arith.index_cast %get3A_63 : i32 to index
    %get3A_65 = arith.constant 48 : index
    %get3A_66 = tpu.vector_load %arg8[%get3A_64, %get3A_65] {strides = array<i32>} : memref<8x128xf32, #tpu.memory_space<vmem>>, vector<16xf32>,
    %eq3A_67 = arith.constant 0 : i32
    %eq3A_68 = vector.broadcast %eq3A_67 : i32 to vector<16xi32>
    %eq3A_69 = arith.cmpi eq, %shift_right_arithmetic3A_2, %eq3A_68 : vector<16xi32>
    %select_n3A_70 = arith.select %eq3A_69, %broadcast_in_dim3A_59, %broadcast_in_dim3A_62 : vector<16xi1>, vector<16xf32>
    %mul3A_71 = arith.mulf %get3A_66, %select_n3A_70 : vector<16xf32>
    %swap3A_72 = arith.constant 0 : i32
    %swap3A_73 = arith.index_cast %swap3A_72 : i32 to index
    %swap3A_74 = arith.constant 48 : index
    %swap3A_75 = tpu.vector_load %arg9[%swap3A_73, %swap3A_74] {strides = array<i32>} : memref<8x128xf32, #tpu.memory_space<vmem>>, vector<16xf32>,
    tpu.vector_store %arg9[%swap3A_73, %swap3A_74], %mul3A_71 {strides = array<i32>} : memref<8x128xf32, #tpu.memory_space<vmem>>, vector<16xf32>,
    %slice3A_76 = vector.extract_strided_slice %get3A_5 {offsets = [8], sizes = [1], strides = [1]} : vector<16xf32> to vector<1xf32>
    %squeeze3A_77 = vector.extract %slice3A_76[0] : f32 from vector<1xf32>
    %broadcast_in_dim3A_78 = vector.broadcast %squeeze3A_77 : f32 to vector<16xf32>
    %slice3A_79 = vector.extract_strided_slice %get3A_5 {offsets = [9], sizes = [1], strides = [1]} : vector<16xf32> to vector<1xf32>
    %squeeze3A_80 = vector.extract %slice3A_79[0] : f32 from vector<1xf32>
    %broadcast_in_dim3A_81 = vector.broadcast %squeeze3A_80 : f32 to vector<16xf32>
    %get3A_82 = arith.constant 0 : i32
    %get3A_83 = arith.index_cast %get3A_82 : i32 to index
    %get3A_84 = arith.constant 64 : index
    %get3A_85 = tpu.vector_load %arg8[%get3A_83, %get3A_84] {strides = array<i32>} : memref<8x128xf32, #tpu.memory_space<vmem>>, vector<16xf32>,
    %eq3A_86 = arith.constant 0 : i32
    %eq3A_87 = vector.broadcast %eq3A_86 : i32 to vector<16xi32>
    %eq3A_88 = arith.cmpi eq, %shift_right_arithmetic3A_2, %eq3A_87 : vector<16xi32>
    %select_n3A_89 = arith.select %eq3A_88, %broadcast_in_dim3A_78, %broadcast_in_dim3A_81 : vector<16xi1>, vector<16xf32>
    %mul3A_90 = arith.mulf %get3A_85, %select_n3A_89 : vector<16xf32>
    %swap3A_91 = arith.constant 0 : i32
    %swap3A_92 = arith.index_cast %swap3A_91 : i32 to index
    %swap3A_93 = arith.constant 64 : index
    %swap3A_94 = tpu.vector_load %arg9[%swap3A_92, %swap3A_93] {strides = array<i32>} : memref<8x128xf32, #tpu.memory_space<vmem>>, vector<16xf32>,
    tpu.vector_store %arg9[%swap3A_92, %swap3A_93], %mul3A_90 {strides = array<i32>} : memref<8x128xf32, #tpu.memory_space<vmem>>, vector<16xf32>,
    %slice3A_95 = vector.extract_strided_slice %get3A_5 {offsets = [10], sizes = [1], strides = [1]} : vector<16xf32> to vector<1xf32>
    %squeeze3A_96 = vector.extract %slice3A_95[0] : f32 from vector<1xf32>
    %broadcast_in_dim3A_97 = vector.broadcast %squeeze3A_96 : f32 to vector<16xf32>
    %slice3A_98 = vector.extract_strided_slice %get3A_5 {offsets = [11], sizes = [1], strides = [1]} : vector<16xf32> to vector<1xf32>
    %squeeze3A_99 = vector.extract %slice3A_98[0] : f32 from vector<1xf32>
    %broadcast_in_dim3A_100 = vector.broadcast %squeeze3A_99 : f32 to vector<16xf32>
    %get3A_101 = arith.constant 0 : i32
    %get3A_102 = arith.index_cast %get3A_101 : i32 to index
    %get3A_103 = arith.constant 80 : index
    %get3A_104 = tpu.vector_load %arg8[%get3A_102, %get3A_103] {strides = array<i32>} : memref<8x128xf32, #tpu.memory_space<vmem>>, vector<16xf32>,
    %eq3A_105 = arith.constant 0 : i32
    %eq3A_106 = vector.broadcast %eq3A_105 : i32 to vector<16xi32>
    %eq3A_107 = arith.cmpi eq, %shift_right_arithmetic3A_2, %eq3A_106 : vector<16xi32>
    %select_n3A_108 = arith.select %eq3A_107, %broadcast_in_dim3A_97, %broadcast_in_dim3A_100 : vector<16xi1>, vector<16xf32>
    %mul3A_109 = arith.mulf %get3A_104, %select_n3A_108 : vector<16xf32>
    %swap3A_110 = arith.constant 0 : i32
    %swap3A_111 = arith.index_cast %swap3A_110 : i32 to index
    %swap3A_112 = arith.constant 80 : index
    %swap3A_113 = tpu.vector_load %arg9[%swap3A_111, %swap3A_112] {strides = array<i32>} : memref<8x128xf32, #tpu.memory_space<vmem>>, vector<16xf32>,
    tpu.vector_store %arg9[%swap3A_111, %swap3A_112], %mul3A_109 {strides = array<i32>} : memref<8x128xf32, #tpu.memory_space<vmem>>, vector<16xf32>,
    %slice3A_114 = vector.extract_strided_slice %get3A_5 {offsets = [12], sizes = [1], strides = [1]} : vector<16xf32> to vector<1xf32>
    %squeeze3A_115 = vector.extract %slice3A_114[0] : f32 from vector<1xf32>
    %broadcast_in_dim3A_116 = vector.broadcast %squeeze3A_115 : f32 to vector<16xf32>
    %slice3A_117 = vector.extract_strided_slice %get3A_5 {offsets = [13], sizes = [1], strides = [1]} : vector<16xf32> to vector<1xf32>
    %squeeze3A_118 = vector.extract %slice3A_117[0] : f32 from vector<1xf32>
    %broadcast_in_dim3A_119 = vector.broadcast %squeeze3A_118 : f32 to vector<16xf32>
    %get3A_120 = arith.constant 0 : i32
    %get3A_121 = arith.index_cast %get3A_120 : i32 to index
    %get3A_122 = arith.constant 96 : index
    %get3A_123 = tpu.vector_load %arg8[%get3A_121, %get3A_122] {strides = array<i32>} : memref<8x128xf32, #tpu.memory_space<vmem>>, vector<16xf32>,
    %eq3A_124 = arith.constant 0 : i32
    %eq3A_125 = vector.broadcast %eq3A_124 : i32 to vector<16xi32>
    %eq3A_126 = arith.cmpi eq, %shift_right_arithmetic3A_2, %eq3A_125 : vector<16xi32>
    %select_n3A_127 = arith.select %eq3A_126, %broadcast_in_dim3A_116, %broadcast_in_dim3A_119 : vector<16xi1>, vector<16xf32>
    %mul3A_128 = arith.mulf %get3A_123, %select_n3A_127 : vector<16xf32>
    %swap3A_129 = arith.constant 0 : i32
    %swap3A_130 = arith.index_cast %swap3A_129 : i32 to index
    %swap3A_131 = arith.constant 96 : index
    %swap3A_132 = tpu.vector_load %arg9[%swap3A_130, %swap3A_131] {strides = array<i32>} : memref<8x128xf32, #tpu.memory_space<vmem>>, vector<16xf32>,
    tpu.vector_store %arg9[%swap3A_130, %swap3A_131], %mul3A_128 {strides = array<i32>} : memref<8x128xf32, #tpu.memory_space<vmem>>, vector<16xf32>,
    %slice3A_133 = vector.extract_strided_slice %get3A_5 {offsets = [14], sizes = [1], strides = [1]} : vector<16xf32> to vector<1xf32>
    %squeeze3A_134 = vector.extract %slice3A_133[0] : f32 from vector<1xf32>
    %broadcast_in_dim3A_135 = vector.broadcast %squeeze3A_134 : f32 to vector<16xf32>
    %slice3A_136 = vector.extract_strided_slice %get3A_5 {offsets = [15], sizes = [1], strides = [1]} : vector<16xf32> to vector<1xf32>
    %squeeze3A_137 = vector.extract %slice3A_136[0] : f32 from vector<1xf32>
    %broadcast_in_dim3A_138 = vector.broadcast %squeeze3A_137 : f32 to vector<16xf32>
    %get3A_139 = arith.constant 0 : i32
    %get3A_140 = arith.index_cast %get3A_139 : i32 to index
    %get3A_141 = arith.constant 112 : index
    %get3A_142 = tpu.vector_load %arg8[%get3A_140, %get3A_141] {strides = array<i32>} : memref<8x128xf32, #tpu.memory_space<vmem>>, vector<16xf32>,
    %eq3A_143 = arith.constant 0 : i32
    %eq3A_144 = vector.broadcast %eq3A_143 : i32 to vector<16xi32>
    %eq3A_145 = arith.cmpi eq, %shift_right_arithmetic3A_2, %eq3A_144 : vector<16xi32>
    %select_n3A_146 = arith.select %eq3A_145, %broadcast_in_dim3A_135, %broadcast_in_dim3A_138 : vector<16xi1>, vector<16xf32>
    %mul3A_147 = arith.mulf %get3A_142, %select_n3A_146 : vector<16xf32>
    %swap3A_148 = arith.constant 0 : i32
    %swap3A_149 = arith.index_cast %swap3A_148 : i32 to index
    %swap3A_150 = arith.constant 112 : index
    %swap3A_151 = tpu.vector_load %arg9[%swap3A_149, %swap3A_150] {strides = array<i32>} : memref<8x128xf32, #tpu.memory_space<vmem>>, vector<16xf32>,
    tpu.vector_store %arg9[%swap3A_149, %swap3A_150], %mul3A_147 {strides = array<i32>} : memref<8x128xf32, #tpu.memory_space<vmem>>, vector<16xf32>,
    %get3A_152 = arith.constant 0 : i32
    %get3A_153 = arith.index_cast %get3A_152 : i32 to index
    %get3A_154 = arith.constant 16 : index
    %get3A_155 = tpu.vector_load %arg10[%get3A_153, %get3A_154] {strides = array<i32>} : memref<1x128xf32, #tpu.memory_space<vmem>>, vector<16xf32>,
    %slice3A_156 = vector.extract_strided_slice %get3A_155 {offsets = [0], sizes = [1], strides = [1]} : vector<16xf32> to vector<1xf32>
    %squeeze3A_157 = vector.extract %slice3A_156[0] : f32 from vector<1xf32>
    %broadcast_in_dim3A_158 = vector.broadcast %squeeze3A_157 : f32 to vector<16xf32>
    %slice3A_159 = vector.extract_strided_slice %get3A_155 {offsets = [1], sizes = [1], strides = [1]} : vector<16xf32> to vector<1xf32>
    %squeeze3A_160 = vector.extract %slice3A_159[0] : f32 from vector<1xf32>
    %broadcast_in_dim3A_161 = vector.broadcast %squeeze3A_160 : f32 to vector<16xf32>
    %get3A_162 = arith.constant 1 : i32
    %get3A_163 = arith.index_cast %get3A_162 : i32 to index
    %get3A_164 = arith.constant 0 : index
    %get3A_165 = tpu.vector_load %arg8[%get3A_163, %get3A_164] {strides = array<i32>} : memref<8x128xf32, #tpu.memory_space<vmem>>, vector<16xf32>,
    %eq3A_166 = arith.constant 0 : i32
    %eq3A_167 = vector.broadcast %eq3A_166 : i32 to vector<16xi32>
    %eq3A_168 = arith.cmpi eq, %shift_right_arithmetic3A_2, %eq3A_167 : vector<16xi32>
    %select_n3A_169 = arith.select %eq3A_168, %broadcast_in_dim3A_158, %broadcast_in_dim3A_161 : vector<16xi1>, vector<16xf32>
    %mul3A_170 = arith.mulf %get3A_165, %select_n3A_169 : vector<16xf32>
    %swap3A_171 = arith.constant 1 : i32
    %swap3A_172 = arith.index_cast %swap3A_171 : i32 to index
    %swap3A_173 = arith.constant 0 : index
    %swap3A_174 = tpu.vector_load %arg9[%swap3A_172, %swap3A_173] {strides = array<i32>} : memref<8x128xf32, #tpu.memory_space<vmem>>, vector<16xf32>,
    tpu.vector_store %arg9[%swap3A_172, %swap3A_173], %mul3A_170 {strides = array<i32>} : memref<8x128xf32, #tpu.memory_space<vmem>>, vector<16xf32>,
    %slice3A_175 = vector.extract_strided_slice %get3A_155 {offsets = [2], sizes = [1], strides = [1]} : vector<16xf32> to vector<1xf32>
    %squeeze3A_176 = vector.extract %slice3A_175[0] : f32 from vector<1xf32>
    %broadcast_in_dim3A_177 = vector.broadcast %squeeze3A_176 : f32 to vector<16xf32>
    %slice3A_178 = vector.extract_strided_slice %get3A_155 {offsets = [3], sizes = [1], strides = [1]} : vector<16xf32> to vector<1xf32>
    %squeeze3A_179 = vector.extract %slice3A_178[0] : f32 from vector<1xf32>
    %broadcast_in_dim3A_180 = vector.broadcast %squeeze3A_179 : f32 to vector<16xf32>
    %get3A_181 = arith.constant 1 : i32
    %get3A_182 = arith.index_cast %get3A_181 : i32 to index
    %get3A_183 = arith.constant 16 : index
    %get3A_184 = tpu.vector_load %arg8[%get3A_182, %get3A_183] {strides = array<i32>} : memref<8x128xf32, #tpu.memory_space<vmem>>, vector<16xf32>,
    %eq3A_185 = arith.constant 0 : i32
    %eq3A_186 = vector.broadcast %eq3A_185 : i32 to vector<16xi32>
    %eq3A_187 = arith.cmpi eq, %shift_right_arithmetic3A_2, %eq3A_186 : vector<16xi32>
    %select_n3A_188 = arith.select %eq3A_187, %broadcast_in_dim3A_177, %broadcast_in_dim3A_180 : vector<16xi1>, vector<16xf32>
    %mul3A_189 = arith.mulf %get3A_184, %select_n3A_188 : vector<16xf32>
    %swap3A_190 = arith.constant 1 : i32
    %swap3A_191 = arith.index_cast %swap3A_190 : i32 to index
    %swap3A_192 = arith.constant 16 : index
    %swap3A_193 = tpu.vector_load %arg9[%swap3A_191, %swap3A_192] {strides = array<i32>} : memref<8x128xf32, #tpu.memory_space<vmem>>, vector<16xf32>,
    tpu.vector_store %arg9[%swap3A_191, %swap3A_192], %mul3A_189 {strides = array<i32>} : memref<8x128xf32, #tpu.memory_space<vmem>>, vector<16xf32>,
    %slice3A_194 = vector.extract_strided_slice %get3A_155 {offsets = [4], sizes = [1], strides = [1]} : vector<16xf32> to vector<1xf32>
    %squeeze3A_195 = vector.extract %slice3A_194[0] : f32 from vector<1xf32>
    %broadcast_in_dim3A_196 = vector.broadcast %squeeze3A_195 : f32 to vector<16xf32>
    %slice3A_197 = vector.extract_strided_slice %get3A_155 {offsets = [5], sizes = [1], strides = [1]} : vector<16xf32> to vector<1xf32>
    %squeeze3A_198 = vector.extract %slice3A_197[0] : f32 from vector<1xf32>
    %broadcast_in_dim3A_199 = vector.broadcast %squeeze3A_198 : f32 to vector<16xf32>
    %get3A_200 = arith.constant 1 : i32
    %get3A_201 = arith.index_cast %get3A_200 : i32 to index
    %get3A_202 = arith.constant 32 : index
    %get3A_203 = tpu.vector_load %arg8[%get3A_201, %get3A_202] {strides = array<i32>} : memref<8x128xf32, #tpu.memory_space<vmem>>, vector<16xf32>,
    %eq3A_204 = arith.constant 0 : i32
    %eq3A_205 = vector.broadcast %eq3A_204 : i32 to vector<16xi32>
    %eq3A_206 = arith.cmpi eq, %shift_right_arithmetic3A_2, %eq3A_205 : vector<16xi32>
    %select_n3A_207 = arith.select %eq3A_206, %broadcast_in_dim3A_196, %broadcast_in_dim3A_199 : vector<16xi1>, vector<16xf32>
    %mul3A_208 = arith.mulf %get3A_203, %select_n3A_207 : vector<16xf32>
    %swap3A_209 = arith.constant 1 : i32
    %swap3A_210 = arith.index_cast %swap3A_209 : i32 to index
    %swap3A_211 = arith.constant 32 : index
    %swap3A_212 = tpu.vector_load %arg9[%swap3A_210, %swap3A_211] {strides = array<i32>} : memref<8x128xf32, #tpu.memory_space<vmem>>, vector<16xf32>,
    tpu.vector_store %arg9[%swap3A_210, %swap3A_211], %mul3A_208 {strides = array<i32>} : memref<8x128xf32, #tpu.memory_space<vmem>>, vector<16xf32>,
    %slice3A_213 = vector.extract_strided_slice %get3A_155 {offsets = [6], sizes = [1], strides = [1]} : vector<16xf32> to vector<1xf32>
    %squeeze3A_214 = vector.extract %slice3A_213[0] : f32 from vector<1xf32>
    %broadcast_in_dim3A_215 = vector.broadcast %squeeze3A_214 : f32 to vector<16xf32>
    %slice3A_216 = vector.extract_strided_slice %get3A_155 {offsets = [7], sizes = [1], strides = [1]} : vector<16xf32> to vector<1xf32>
    %squeeze3A_217 = vector.extract %slice3A_216[0] : f32 from vector<1xf32>
    %broadcast_in_dim3A_218 = vector.broadcast %squeeze3A_217 : f32 to vector<16xf32>
    %get3A_219 = arith.constant 1 : i32
    %get3A_220 = arith.index_cast %get3A_219 : i32 to index
    %get3A_221 = arith.constant 48 : index
    %get3A_222 = tpu.vector_load %arg8[%get3A_220, %get3A_221] {strides = array<i32>} : memref<8x128xf32, #tpu.memory_space<vmem>>, vector<16xf32>,
    %eq3A_223 = arith.constant 0 : i32
    %eq3A_224 = vector.broadcast %eq3A_223 : i32 to vector<16xi32>
    %eq3A_225 = arith.cmpi eq, %shift_right_arithmetic3A_2, %eq3A_224 : vector<16xi32>
    %select_n3A_226 = arith.select %eq3A_225, %broadcast_in_dim3A_215, %broadcast_in_dim3A_218 : vector<16xi1>, vector<16xf32>
    %mul3A_227 = arith.mulf %get3A_222, %select_n3A_226 : vector<16xf32>
    %swap3A_228 = arith.constant 1 : i32
    %swap3A_229 = arith.index_cast %swap3A_228 : i32 to index
    %swap3A_230 = arith.constant 48 : index
    %swap3A_231 = tpu.vector_load %arg9[%swap3A_229, %swap3A_230] {strides = array<i32>} : memref<8x128xf32, #tpu.memory_space<vmem>>, vector<16xf32>,
    tpu.vector_store %arg9[%swap3A_229, %swap3A_230], %mul3A_227 {strides = array<i32>} : memref<8x128xf32, #tpu.memory_space<vmem>>, vector<16xf32>,
    %slice3A_232 = vector.extract_strided_slice %get3A_155 {offsets = [8], sizes = [1], strides = [1]} : vector<16xf32> to vector<1xf32>
    %squeeze3A_233 = vector.extract %slice3A_232[0] : f32 from vector<1xf32>
    %broadcast_in_dim3A_234 = vector.broadcast %squeeze3A_233 : f32 to vector<16xf32>
    %slice3A_235 = vector.extract_strided_slice %get3A_155 {offsets = [9], sizes = [1], strides = [1]} : vector<16xf32> to vector<1xf32>
    %squeeze3A_236 = vector.extract %slice3A_235[0] : f32 from vector<1xf32>
    %broadcast_in_dim3A_237 = vector.broadcast %squeeze3A_236 : f32 to vector<16xf32>
    %get3A_238 = arith.constant 1 : i32
    %get3A_239 = arith.index_cast %get3A_238 : i32 to index
    %get3A_240 = arith.constant 64 : index
    %get3A_241 = tpu.vector_load %arg8[%get3A_239, %get3A_240] {strides = array<i32>} : memref<8x128xf32, #tpu.memory_space<vmem>>, vector<16xf32>,
    %eq3A_242 = arith.constant 0 : i32
    %eq3A_243 = vector.broadcast %eq3A_242 : i32 to vector<16xi32>
    %eq3A_244 = arith.cmpi eq, %shift_right_arithmetic3A_2, %eq3A_243 : vector<16xi32>
    %select_n3A_245 = arith.select %eq3A_244, %broadcast_in_dim3A_234, %broadcast_in_dim3A_237 : vector<16xi1>, vector<16xf32>
    %mul3A_246 = arith.mulf %get3A_241, %select_n3A_245 : vector<16xf32>
    %swap3A_247 = arith.constant 1 : i32
    %swap3A_248 = arith.index_cast %swap3A_247 : i32 to index
    %swap3A_249 = arith.constant 64 : index
    %swap3A_250 = tpu.vector_load %arg9[%swap3A_248, %swap3A_249] {strides = array<i32>} : memref<8x128xf32, #tpu.memory_space<vmem>>, vector<16xf32>,
    tpu.vector_store %arg9[%swap3A_248, %swap3A_249], %mul3A_246 {strides = array<i32>} : memref<8x128xf32, #tpu.memory_space<vmem>>, vector<16xf32>,
    %slice3A_251 = vector.extract_strided_slice %get3A_155 {offsets = [10], sizes = [1], strides = [1]} : vector<16xf32> to vector<1xf32>
    %squeeze3A_252 = vector.extract %slice3A_251[0] : f32 from vector<1xf32>
    %broadcast_in_dim3A_253 = vector.broadcast %squeeze3A_252 : f32 to vector<16xf32>
    %slice3A_254 = vector.extract_strided_slice %get3A_155 {offsets = [11], sizes = [1], strides = [1]} : vector<16xf32> to vector<1xf32>
    %squeeze3A_255 = vector.extract %slice3A_254[0] : f32 from vector<1xf32>
    %broadcast_in_dim3A_256 = vector.broadcast %squeeze3A_255 : f32 to vector<16xf32>
    %get3A_257 = arith.constant 1 : i32
    %get3A_258 = arith.index_cast %get3A_257 : i32 to index
    %get3A_259 = arith.constant 80 : index
    %get3A_260 = tpu.vector_load %arg8[%get3A_258, %get3A_259] {strides = array<i32>} : memref<8x128xf32, #tpu.memory_space<vmem>>, vector<16xf32>,
    %eq3A_261 = arith.constant 0 : i32
    %eq3A_262 = vector.broadcast %eq3A_261 : i32 to vector<16xi32>
    %eq3A_263 = arith.cmpi eq, %shift_right_arithmetic3A_2, %eq3A_262 : vector<16xi32>
    %select_n3A_264 = arith.select %eq3A_263, %broadcast_in_dim3A_253, %broadcast_in_dim3A_256 : vector<16xi1>, vector<16xf32>
    %mul3A_265 = arith.mulf %get3A_260, %select_n3A_264 : vector<16xf32>
    %swap3A_266 = arith.constant 1 : i32
    %swap3A_267 = arith.index_cast %swap3A_266 : i32 to index
    %swap3A_268 = arith.constant 80 : index
    %swap3A_269 = tpu.vector_load %arg9[%swap3A_267, %swap3A_268] {strides = array<i32>} : memref<8x128xf32, #tpu.memory_space<vmem>>, vector<16xf32>,
    tpu.vector_store %arg9[%swap3A_267, %swap3A_268], %mul3A_265 {strides = array<i32>} : memref<8x128xf32, #tpu.memory_space<vmem>>, vector<16xf32>,
    %slice3A_270 = vector.extract_strided_slice %get3A_155 {offsets = [12], sizes = [1], strides = [1]} : vector<16xf32> to vector<1xf32>
    %squeeze3A_271 = vector.extract %slice3A_270[0] : f32 from vector<1xf32>
    %broadcast_in_dim3A_272 = vector.broadcast %squeeze3A_271 : f32 to vector<16xf32>
    %slice3A_273 = vector.extract_strided_slice %get3A_155 {offsets = [13], sizes = [1], strides = [1]} : vector<16xf32> to vector<1xf32>
    %squeeze3A_274 = vector.extract %slice3A_273[0] : f32 from vector<1xf32>
    %broadcast_in_dim3A_275 = vector.broadcast %squeeze3A_274 : f32 to vector<16xf32>
    %get3A_276 = arith.constant 1 : i32
    %get3A_277 = arith.index_cast %get3A_276 : i32 to index
    %get3A_278 = arith.constant 96 : index
    %get3A_279 = tpu.vector_load %arg8[%get3A_277, %get3A_278] {strides = array<i32>} : memref<8x128xf32, #tpu.memory_space<vmem>>, vector<16xf32>,
    %eq3A_280 = arith.constant 0 : i32
    %eq3A_281 = vector.broadcast %eq3A_280 : i32 to vector<16xi32>
    %eq3A_282 = arith.cmpi eq, %shift_right_arithmetic3A_2, %eq3A_281 : vector<16xi32>
    %select_n3A_283 = arith.select %eq3A_282, %broadcast_in_dim3A_272, %broadcast_in_dim3A_275 : vector<16xi1>, vector<16xf32>
    %mul3A_284 = arith.mulf %get3A_279, %select_n3A_283 : vector<16xf32>
    %swap3A_285 = arith.constant 1 : i32
    %swap3A_286 = arith.index_cast %swap3A_285 : i32 to index
    %swap3A_287 = arith.constant 96 : index
    %swap3A_288 = tpu.vector_load %arg9[%swap3A_286, %swap3A_287] {strides = array<i32>} : memref<8x128xf32, #tpu.memory_space<vmem>>, vector<16xf32>,
    tpu.vector_store %arg9[%swap3A_286, %swap3A_287], %mul3A_284 {strides = array<i32>} : memref<8x128xf32, #tpu.memory_space<vmem>>, vector<16xf32>,
    %slice3A_289 = vector.extract_strided_slice %get3A_155 {offsets = [14], sizes = [1], strides = [1]} : vector<16xf32> to vector<1xf32>
    %squeeze3A_290 = vector.extract %slice3A_289[0] : f32 from vector<1xf32>
    %broadcast_in_dim3A_291 = vector.broadcast %squeeze3A_290 : f32 to vector<16xf32>
    %slice3A_292 = vector.extract_strided_slice %get3A_155 {offsets = [15], sizes = [1], strides = [1]} : vector<16xf32> to vector<1xf32>
    %squeeze3A_293 = vector.extract %slice3A_292[0] : f32 from vector<1xf32>
    %broadcast_in_dim3A_294 = vector.broadcast %squeeze3A_293 : f32 to vector<16xf32>
    %get3A_295 = arith.constant 1 : i32
    %get3A_296 = arith.index_cast %get3A_295 : i32 to index
    %get3A_297 = arith.constant 112 : index
    %get3A_298 = tpu.vector_load %arg8[%get3A_296, %get3A_297] {strides = array<i32>} : memref<8x128xf32, #tpu.memory_space<vmem>>, vector<16xf32>,
    %eq3A_299 = arith.constant 0 : i32
    %eq3A_300 = vector.broadcast %eq3A_299 : i32 to vector<16xi32>
    %eq3A_301 = arith.cmpi eq, %shift_right_arithmetic3A_2, %eq3A_300 : vector<16xi32>
    %select_n3A_302 = arith.select %eq3A_301, %broadcast_in_dim3A_291, %broadcast_in_dim3A_294 : vector<16xi1>, vector<16xf32>
    %mul3A_303 = arith.mulf %get3A_298, %select_n3A_302 : vector<16xf32>
    %swap3A_304 = arith.constant 1 : i32
    %swap3A_305 = arith.index_cast %swap3A_304 : i32 to index
    %swap3A_306 = arith.constant 112 : index
    %swap3A_307 = tpu.vector_load %arg9[%swap3A_305, %swap3A_306] {strides = array<i32>} : memref<8x128xf32, #tpu.memory_space<vmem>>, vector<16xf32>,
    tpu.vector_store %arg9[%swap3A_305, %swap3A_306], %mul3A_303 {strides = array<i32>} : memref<8x128xf32, #tpu.memory_space<vmem>>, vector<16xf32>,
    %get3A_308 = arith.constant 0 : i32
    %get3A_309 = arith.index_cast %get3A_308 : i32 to index
    %get3A_310 = arith.constant 32 : index
    %get3A_311 = tpu.vector_load %arg10[%get3A_309, %get3A_310] {strides = array<i32>} : memref<1x128xf32, #tpu.memory_space<vmem>>, vector<16xf32>,
    %slice3A_312 = vector.extract_strided_slice %get3A_311 {offsets = [0], sizes = [1], strides = [1]} : vector<16xf32> to vector<1xf32>
    %squeeze3A_313 = vector.extract %slice3A_312[0] : f32 from vector<1xf32>
    %broadcast_in_dim3A_314 = vector.broadcast %squeeze3A_313 : f32 to vector<16xf32>
    %slice3A_315 = vector.extract_strided_slice %get3A_311 {offsets = [1], sizes = [1], strides = [1]} : vector<16xf32> to vector<1xf32>
    %squeeze3A_316 = vector.extract %slice3A_315[0] : f32 from vector<1xf32>
    %broadcast_in_dim3A_317 = vector.broadcast %squeeze3A_316 : f32 to vector<16xf32>
    %get3A_318 = arith.constant 2 : i32
    %get3A_319 = arith.index_cast %get3A_318 : i32 to index
    %get3A_320 = arith.constant 0 : index
    %get3A_321 = tpu.vector_load %arg8[%get3A_319, %get3A_320] {strides = array<i32>} : memref<8x128xf32, #tpu.memory_space<vmem>>, vector<16xf32>,
    %eq3A_322 = arith.constant 0 : i32
    %eq3A_323 = vector.broadcast %eq3A_322 : i32 to vector<16xi32>
    %eq3A_324 = arith.cmpi eq, %shift_right_arithmetic3A_2, %eq3A_323 : vector<16xi32>
    %select_n3A_325 = arith.select %eq3A_324, %broadcast_in_dim3A_314, %broadcast_in_dim3A_317 : vector<16xi1>, vector<16xf32>
    %mul3A_326 = arith.mulf %get3A_321, %select_n3A_325 : vector<16xf32>
    %swap3A_327 = arith.constant 2 : i32
    %swap3A_328 = arith.index_cast %swap3A_327 : i32 to index
    %swap3A_329 = arith.constant 0 : index
    %swap3A_330 = tpu.vector_load %arg9[%swap3A_328, %swap3A_329] {strides = array<i32>} : memref<8x128xf32, #tpu.memory_space<vmem>>, vector<16xf32>,
    tpu.vector_store %arg9[%swap3A_328, %swap3A_329], %mul3A_326 {strides = array<i32>} : memref<8x128xf32, #tpu.memory_space<vmem>>, vector<16xf32>,
    %slice3A_331 = vector.extract_strided_slice %get3A_311 {offsets = [2], sizes = [1], strides = [1]} : vector<16xf32> to vector<1xf32>
    %squeeze3A_332 = vector.extract %slice3A_331[0] : f32 from vector<1xf32>
    %broadcast_in_dim3A_333 = vector.broadcast %squeeze3A_332 : f32 to vector<16xf32>
    %slice3A_334 = vector.extract_strided_slice %get3A_311 {offsets = [3], sizes = [1], strides = [1]} : vector<16xf32> to vector<1xf32>
    %squeeze3A_335 = vector.extract %slice3A_334[0] : f32 from vector<1xf32>
    %broadcast_in_dim3A_336 = vector.broadcast %squeeze3A_335 : f32 to vector<16xf32>
    %get3A_337 = arith.constant 2 : i32
    %get3A_338 = arith.index_cast %get3A_337 : i32 to index
    %get3A_339 = arith.constant 16 : index
    %get3A_340 = tpu.vector_load %arg8[%get3A_338, %get3A_339] {strides = array<i32>} : memref<8x128xf32, #tpu.memory_space<vmem>>, vector<16xf32>,
    %eq3A_341 = arith.constant 0 : i32
    %eq3A_342 = vector.broadcast %eq3A_341 : i32 to vector<16xi32>
    %eq3A_343 = arith.cmpi eq, %shift_right_arithmetic3A_2, %eq3A_342 : vector<16xi32>
    %select_n3A_344 = arith.select %eq3A_343, %broadcast_in_dim3A_333, %broadcast_in_dim3A_336 : vector<16xi1>, vector<16xf32>
    %mul3A_345 = arith.mulf %get3A_340, %select_n3A_344 : vector<16xf32>
    %swap3A_346 = arith.constant 2 : i32
    %swap3A_347 = arith.index_cast %swap3A_346 : i32 to index
    %swap3A_348 = arith.constant 16 : index
    %swap3A_349 = tpu.vector_load %arg9[%swap3A_347, %swap3A_348] {strides = array<i32>} : memref<8x128xf32, #tpu.memory_space<vmem>>, vector<16xf32>,
    tpu.vector_store %arg9[%swap3A_347, %swap3A_348], %mul3A_345 {strides = array<i32>} : memref<8x128xf32, #tpu.memory_space<vmem>>, vector<16xf32>,
    %slice3A_350 = vector.extract_strided_slice %get3A_311 {offsets = [4], sizes = [1], strides = [1]} : vector<16xf32> to vector<1xf32>
    %squeeze3A_351 = vector.extract %slice3A_350[0] : f32 from vector<1xf32>
    %broadcast_in_dim3A_352 = vector.broadcast %squeeze3A_351 : f32 to vector<16xf32>
    %slice3A_353 = vector.extract_strided_slice %get3A_311 {offsets = [5], sizes = [1], strides = [1]} : vector<16xf32> to vector<1xf32>
    %squeeze3A_354 = vector.extract %slice3A_353[0] : f32 from vector<1xf32>
    %broadcast_in_dim3A_355 = vector.broadcast %squeeze3A_354 : f32 to vector<16xf32>
    %get3A_356 = arith.constant 2 : i32
    %get3A_357 = arith.index_cast %get3A_356 : i32 to index
    %get3A_358 = arith.constant 32 : index
    %get3A_359 = tpu.vector_load %arg8[%get3A_357, %get3A_358] {strides = array<i32>} : memref<8x128xf32, #tpu.memory_space<vmem>>, vector<16xf32>,
    %eq3A_360 = arith.constant 0 : i32
    %eq3A_361 = vector.broadcast %eq3A_360 : i32 to vector<16xi32>
    %eq3A_362 = arith.cmpi eq, %shift_right_arithmetic3A_2, %eq3A_361 : vector<16xi32>
    %select_n3A_363 = arith.select %eq3A_362, %broadcast_in_dim3A_352, %broadcast_in_dim3A_355 : vector<16xi1>, vector<16xf32>
    %mul3A_364 = arith.mulf %get3A_359, %select_n3A_363 : vector<16xf32>
    %swap3A_365 = arith.constant 2 : i32
    %swap3A_366 = arith.index_cast %swap3A_365 : i32 to index
    %swap3A_367 = arith.constant 32 : index
    %swap3A_368 = tpu.vector_load %arg9[%swap3A_366, %swap3A_367] {strides = array<i32>} : memref<8x128xf32, #tpu.memory_space<vmem>>, vector<16xf32>,
    tpu.vector_store %arg9[%swap3A_366, %swap3A_367], %mul3A_364 {strides = array<i32>} : memref<8x128xf32, #tpu.memory_space<vmem>>, vector<16xf32>,
    %slice3A_369 = vector.extract_strided_slice %get3A_311 {offsets = [6], sizes = [1], strides = [1]} : vector<16xf32> to vector<1xf32>
    %squeeze3A_370 = vector.extract %slice3A_369[0] : f32 from vector<1xf32>
    %broadcast_in_dim3A_371 = vector.broadcast %squeeze3A_370 : f32 to vector<16xf32>
    %slice3A_372 = vector.extract_strided_slice %get3A_311 {offsets = [7], sizes = [1], strides = [1]} : vector<16xf32> to vector<1xf32>
    %squeeze3A_373 = vector.extract %slice3A_372[0] : f32 from vector<1xf32>
    %broadcast_in_dim3A_374 = vector.broadcast %squeeze3A_373 : f32 to vector<16xf32>
    %get3A_375 = arith.constant 2 : i32
    %get3A_376 = arith.index_cast %get3A_375 : i32 to index
    %get3A_377 = arith.constant 48 : index
    %get3A_378 = tpu.vector_load %arg8[%get3A_376, %get3A_377] {strides = array<i32>} : memref<8x128xf32, #tpu.memory_space<vmem>>, vector<16xf32>,
    %eq3A_379 = arith.constant 0 : i32
    %eq3A_380 = vector.broadcast %eq3A_379 : i32 to vector<16xi32>
    %eq3A_381 = arith.cmpi eq, %shift_right_arithmetic3A_2, %eq3A_380 : vector<16xi32>
    %select_n3A_382 = arith.select %eq3A_381, %broadcast_in_dim3A_371, %broadcast_in_dim3A_374 : vector<16xi1>, vector<16xf32>
    %mul3A_383 = arith.mulf %get3A_378, %select_n3A_382 : vector<16xf32>
    %swap3A_384 = arith.constant 2 : i32
    %swap3A_385 = arith.index_cast %swap3A_384 : i32 to index
    %swap3A_386 = arith.constant 48 : index
    %swap3A_387 = tpu.vector_load %arg9[%swap3A_385, %swap3A_386] {strides = array<i32>} : memref<8x128xf32, #tpu.memory_space<vmem>>, vector<16xf32>,
    tpu.vector_store %arg9[%swap3A_385, %swap3A_386], %mul3A_383 {strides = array<i32>} : memref<8x128xf32, #tpu.memory_space<vmem>>, vector<16xf32>,
    %slice3A_388 = vector.extract_strided_slice %get3A_311 {offsets = [8], sizes = [1], strides = [1]} : vector<16xf32> to vector<1xf32>
    %squeeze3A_389 = vector.extract %slice3A_388[0] : f32 from vector<1xf32>
    %broadcast_in_dim3A_390 = vector.broadcast %squeeze3A_389 : f32 to vector<16xf32>
    %slice3A_391 = vector.extract_strided_slice %get3A_311 {offsets = [9], sizes = [1], strides = [1]} : vector<16xf32> to vector<1xf32>
    %squeeze3A_392 = vector.extract %slice3A_391[0] : f32 from vector<1xf32>
    %broadcast_in_dim3A_393 = vector.broadcast %squeeze3A_392 : f32 to vector<16xf32>
    %get3A_394 = arith.constant 2 : i32
    %get3A_395 = arith.index_cast %get3A_394 : i32 to index
    %get3A_396 = arith.constant 64 : index
    %get3A_397 = tpu.vector_load %arg8[%get3A_395, %get3A_396] {strides = array<i32>} : memref<8x128xf32, #tpu.memory_space<vmem>>, vector<16xf32>,
    %eq3A_398 = arith.constant 0 : i32
    %eq3A_399 = vector.broadcast %eq3A_398 : i32 to vector<16xi32>
    %eq3A_400 = arith.cmpi eq, %shift_right_arithmetic3A_2, %eq3A_399 : vector<16xi32>
    %select_n3A_401 = arith.select %eq3A_400, %broadcast_in_dim3A_390, %broadcast_in_dim3A_393 : vector<16xi1>, vector<16xf32>
    %mul3A_402 = arith.mulf %get3A_397, %select_n3A_401 : vector<16xf32>
    %swap3A_403 = arith.constant 2 : i32
    %swap3A_404 = arith.index_cast %swap3A_403 : i32 to index
    %swap3A_405 = arith.constant 64 : index
    %swap3A_406 = tpu.vector_load %arg9[%swap3A_404, %swap3A_405] {strides = array<i32>} : memref<8x128xf32, #tpu.memory_space<vmem>>, vector<16xf32>,
    tpu.vector_store %arg9[%swap3A_404, %swap3A_405], %mul3A_402 {strides = array<i32>} : memref<8x128xf32, #tpu.memory_space<vmem>>, vector<16xf32>,
    %slice3A_407 = vector.extract_strided_slice %get3A_311 {offsets = [10], sizes = [1], strides = [1]} : vector<16xf32> to vector<1xf32>
    %squeeze3A_408 = vector.extract %slice3A_407[0] : f32 from vector<1xf32>
    %broadcast_in_dim3A_409 = vector.broadcast %squeeze3A_408 : f32 to vector<16xf32>
    %slice3A_410 = vector.extract_strided_slice %get3A_311 {offsets = [11], sizes = [1], strides = [1]} : vector<16xf32> to vector<1xf32>
    %squeeze3A_411 = vector.extract %slice3A_410[0] : f32 from vector<1xf32>
    %broadcast_in_dim3A_412 = vector.broadcast %squeeze3A_411 : f32 to vector<16xf32>
    %get3A_413 = arith.constant 2 : i32
    %get3A_414 = arith.index_cast %get3A_413 : i32 to index
    %get3A_415 = arith.constant 80 : index
    %get3A_416 = tpu.vector_load %arg8[%get3A_414, %get3A_415] {strides = array<i32>} : memref<8x128xf32, #tpu.memory_space<vmem>>, vector<16xf32>,
    %eq3A_417 = arith.constant 0 : i32
    %eq3A_418 = vector.broadcast %eq3A_417 : i32 to vector<16xi32>
    %eq3A_419 = arith.cmpi eq, %shift_right_arithmetic3A_2, %eq3A_418 : vector<16xi32>
    %select_n3A_420 = arith.select %eq3A_419, %broadcast_in_dim3A_409, %broadcast_in_dim3A_412 : vector<16xi1>, vector<16xf32>
    %mul3A_421 = arith.mulf %get3A_416, %select_n3A_420 : vector<16xf32>
    %swap3A_422 = arith.constant 2 : i32
    %swap3A_423 = arith.index_cast %swap3A_422 : i32 to index
    %swap3A_424 = arith.constant 80 : index
    %swap3A_425 = tpu.vector_load %arg9[%swap3A_423, %swap3A_424] {strides = array<i32>} : memref<8x128xf32, #tpu.memory_space<vmem>>, vector<16xf32>,
    tpu.vector_store %arg9[%swap3A_423, %swap3A_424], %mul3A_421 {strides = array<i32>} : memref<8x128xf32, #tpu.memory_space<vmem>>, vector<16xf32>,
    %slice3A_426 = vector.extract_strided_slice %get3A_311 {offsets = [12], sizes = [1], strides = [1]} : vector<16xf32> to vector<1xf32>
    %squeeze3A_427 = vector.extract %slice3A_426[0] : f32 from vector<1xf32>
    %broadcast_in_dim3A_428 = vector.broadcast %squeeze3A_427 : f32 to vector<16xf32>
    %slice3A_429 = vector.extract_strided_slice %get3A_311 {offsets = [13], sizes = [1], strides = [1]} : vector<16xf32> to vector<1xf32>
    %squeeze3A_430 = vector.extract %slice3A_429[0] : f32 from vector<1xf32>
    %broadcast_in_dim3A_431 = vector.broadcast %squeeze3A_430 : f32 to vector<16xf32>
    %get3A_432 = arith.constant 2 : i32
    %get3A_433 = arith.index_cast %get3A_432 : i32 to index
    %get3A_434 = arith.constant 96 : index
    %get3A_435 = tpu.vector_load %arg8[%get3A_433, %get3A_434] {strides = array<i32>} : memref<8x128xf32, #tpu.memory_space<vmem>>, vector<16xf32>,
    %eq3A_436 = arith.constant 0 : i32
    %eq3A_437 = vector.broadcast %eq3A_436 : i32 to vector<16xi32>
    %eq3A_438 = arith.cmpi eq, %shift_right_arithmetic3A_2, %eq3A_437 : vector<16xi32>
    %select_n3A_439 = arith.select %eq3A_438, %broadcast_in_dim3A_428, %broadcast_in_dim3A_431 : vector<16xi1>, vector<16xf32>
    %mul3A_440 = arith.mulf %get3A_435, %select_n3A_439 : vector<16xf32>
    %swap3A_441 = arith.constant 2 : i32
    %swap3A_442 = arith.index_cast %swap3A_441 : i32 to index
    %swap3A_443 = arith.constant 96 : index
    %swap3A_444 = tpu.vector_load %arg9[%swap3A_442, %swap3A_443] {strides = array<i32>} : memref<8x128xf32, #tpu.memory_space<vmem>>, vector<16xf32>,
    tpu.vector_store %arg9[%swap3A_442, %swap3A_443], %mul3A_440 {strides = array<i32>} : memref<8x128xf32, #tpu.memory_space<vmem>>, vector<16xf32>,
    %slice3A_445 = vector.extract_strided_slice %get3A_311 {offsets = [14], sizes = [1], strides = [1]} : vector<16xf32> to vector<1xf32>
    %squeeze3A_446 = vector.extract %slice3A_445[0] : f32 from vector<1xf32>
    %broadcast_in_dim3A_447 = vector.broadcast %squeeze3A_446 : f32 to vector<16xf32>
    %slice3A_448 = vector.extract_strided_slice %get3A_311 {offsets = [15], sizes = [1], strides = [1]} : vector<16xf32> to vector<1xf32>
    %squeeze3A_449 = vector.extract %slice3A_448[0] : f32 from vector<1xf32>
    %broadcast_in_dim3A_450 = vector.broadcast %squeeze3A_449 : f32 to vector<16xf32>
    %get3A_451 = arith.constant 2 : i32
    %get3A_452 = arith.index_cast %get3A_451 : i32 to index
    %get3A_453 = arith.constant 112 : index
    %get3A_454 = tpu.vector_load %arg8[%get3A_452, %get3A_453] {strides = array<i32>} : memref<8x128xf32, #tpu.memory_space<vmem>>, vector<16xf32>,
    %eq3A_455 = arith.constant 0 : i32
    %eq3A_456 = vector.broadcast %eq3A_455 : i32 to vector<16xi32>
    %eq3A_457 = arith.cmpi eq, %shift_right_arithmetic3A_2, %eq3A_456 : vector<16xi32>
    %select_n3A_458 = arith.select %eq3A_457, %broadcast_in_dim3A_447, %broadcast_in_dim3A_450 : vector<16xi1>, vector<16xf32>
    %mul3A_459 = arith.mulf %get3A_454, %select_n3A_458 : vector<16xf32>
    %swap3A_460 = arith.constant 2 : i32
    %swap3A_461 = arith.index_cast %swap3A_460 : i32 to index
    %swap3A_462 = arith.constant 112 : index
    %swap3A_463 = tpu.vector_load %arg9[%swap3A_461, %swap3A_462] {strides = array<i32>} : memref<8x128xf32, #tpu.memory_space<vmem>>, vector<16xf32>,
    tpu.vector_store %arg9[%swap3A_461, %swap3A_462], %mul3A_459 {strides = array<i32>} : memref<8x128xf32, #tpu.memory_space<vmem>>, vector<16xf32>,
    %get3A_464 = arith.constant 0 : i32
    %get3A_465 = arith.index_cast %get3A_464 : i32 to index
    %get3A_466 = arith.constant 48 : index
    %get3A_467 = tpu.vector_load %arg10[%get3A_465, %get3A_466] {strides = array<i32>} : memref<1x128xf32, #tpu.memory_space<vmem>>, vector<16xf32>,
    %slice3A_468 = vector.extract_strided_slice %get3A_467 {offsets = [0], sizes = [1], strides = [1]} : vector<16xf32> to vector<1xf32>
    %squeeze3A_469 = vector.extract %slice3A_468[0] : f32 from vector<1xf32>
    %broadcast_in_dim3A_470 = vector.broadcast %squeeze3A_469 : f32 to vector<16xf32>
    %slice3A_471 = vector.extract_strided_slice %get3A_467 {offsets = [1], sizes = [1], strides = [1]} : vector<16xf32> to vector<1xf32>
    %squeeze3A_472 = vector.extract %slice3A_471[0] : f32 from vector<1xf32>
    %broadcast_in_dim3A_473 = vector.broadcast %squeeze3A_472 : f32 to vector<16xf32>
    %get3A_474 = arith.constant 3 : i32
    %get3A_475 = arith.index_cast %get3A_474 : i32 to index
    %get3A_476 = arith.constant 0 : index
    %get3A_477 = tpu.vector_load %arg8[%get3A_475, %get3A_476] {strides = array<i32>} : memref<8x128xf32, #tpu.memory_space<vmem>>, vector<16xf32>,
    %eq3A_478 = arith.constant 0 : i32
    %eq3A_479 = vector.broadcast %eq3A_478 : i32 to vector<16xi32>
    %eq3A_480 = arith.cmpi eq, %shift_right_arithmetic3A_2, %eq3A_479 : vector<16xi32>
    %select_n3A_481 = arith.select %eq3A_480, %broadcast_in_dim3A_470, %broadcast_in_dim3A_473 : vector<16xi1>, vector<16xf32>
    %mul3A_482 = arith.mulf %get3A_477, %select_n3A_481 : vector<16xf32>
    %swap3A_483 = arith.constant 3 : i32
    %swap3A_484 = arith.index_cast %swap3A_483 : i32 to index
    %swap3A_485 = arith.constant 0 : index
    %swap3A_486 = tpu.vector_load %arg9[%swap3A_484, %swap3A_485] {strides = array<i32>} : memref<8x128xf32, #tpu.memory_space<vmem>>, vector<16xf32>,
    tpu.vector_store %arg9[%swap3A_484, %swap3A_485], %mul3A_482 {strides = array<i32>} : memref<8x128xf32, #tpu.memory_space<vmem>>, vector<16xf32>,
    %slice3A_487 = vector.extract_strided_slice %get3A_467 {offsets = [2], sizes = [1], strides = [1]} : vector<16xf32> to vector<1xf32>
    %squeeze3A_488 = vector.extract %slice3A_487[0] : f32 from vector<1xf32>
    %broadcast_in_dim3A_489 = vector.broadcast %squeeze3A_488 : f32 to vector<16xf32>
    %slice3A_490 = vector.extract_strided_slice %get3A_467 {offsets = [3], sizes = [1], strides = [1]} : vector<16xf32> to vector<1xf32>
    %squeeze3A_491 = vector.extract %slice3A_490[0] : f32 from vector<1xf32>
    %broadcast_in_dim3A_492 = vector.broadcast %squeeze3A_491 : f32 to vector<16xf32>
    %get3A_493 = arith.constant 3 : i32
    %get3A_494 = arith.index_cast %get3A_493 : i32 to index
    %get3A_495 = arith.constant 16 : index
    %get3A_496 = tpu.vector_load %arg8[%get3A_494, %get3A_495] {strides = array<i32>} : memref<8x128xf32, #tpu.memory_space<vmem>>, vector<16xf32>,
    %eq3A_497 = arith.constant 0 : i32
    %eq3A_498 = vector.broadcast %eq3A_497 : i32 to vector<16xi32>
    %eq3A_499 = arith.cmpi eq, %shift_right_arithmetic3A_2, %eq3A_498 : vector<16xi32>
    %select_n3A_500 = arith.select %eq3A_499, %broadcast_in_dim3A_489, %broadcast_in_dim3A_492 : vector<16xi1>, vector<16xf32>
    %mul3A_501 = arith.mulf %get3A_496, %select_n3A_500 : vector<16xf32>
    %swap3A_502 = arith.constant 3 : i32
    %swap3A_503 = arith.index_cast %swap3A_502 : i32 to index
    %swap3A_504 = arith.constant 16 : index
    %swap3A_505 = tpu.vector_load %arg9[%swap3A_503, %swap3A_504] {strides = array<i32>} : memref<8x128xf32, #tpu.memory_space<vmem>>, vector<16xf32>,
    tpu.vector_store %arg9[%swap3A_503, %swap3A_504], %mul3A_501 {strides = array<i32>} : memref<8x128xf32, #tpu.memory_space<vmem>>, vector<16xf32>,
    %slice3A_506 = vector.extract_strided_slice %get3A_467 {offsets = [4], sizes = [1], strides = [1]} : vector<16xf32> to vector<1xf32>
    %squeeze3A_507 = vector.extract %slice3A_506[0] : f32 from vector<1xf32>
    %broadcast_in_dim3A_508 = vector.broadcast %squeeze3A_507 : f32 to vector<16xf32>
    %slice3A_509 = vector.extract_strided_slice %get3A_467 {offsets = [5], sizes = [1], strides = [1]} : vector<16xf32> to vector<1xf32>
    %squeeze3A_510 = vector.extract %slice3A_509[0] : f32 from vector<1xf32>
    %broadcast_in_dim3A_511 = vector.broadcast %squeeze3A_510 : f32 to vector<16xf32>
    %get3A_512 = arith.constant 3 : i32
    %get3A_513 = arith.index_cast %get3A_512 : i32 to index
    %get3A_514 = arith.constant 32 : index
    %get3A_515 = tpu.vector_load %arg8[%get3A_513, %get3A_514] {strides = array<i32>} : memref<8x128xf32, #tpu.memory_space<vmem>>, vector<16xf32>,
    %eq3A_516 = arith.constant 0 : i32
    %eq3A_517 = vector.broadcast %eq3A_516 : i32 to vector<16xi32>
    %eq3A_518 = arith.cmpi eq, %shift_right_arithmetic3A_2, %eq3A_517 : vector<16xi32>
    %select_n3A_519 = arith.select %eq3A_518, %broadcast_in_dim3A_508, %broadcast_in_dim3A_511 : vector<16xi1>, vector<16xf32>
    %mul3A_520 = arith.mulf %get3A_515, %select_n3A_519 : vector<16xf32>
    %swap3A_521 = arith.constant 3 : i32
    %swap3A_522 = arith.index_cast %swap3A_521 : i32 to index
    %swap3A_523 = arith.constant 32 : index
    %swap3A_524 = tpu.vector_load %arg9[%swap3A_522, %swap3A_523] {strides = array<i32>} : memref<8x128xf32, #tpu.memory_space<vmem>>, vector<16xf32>,
    tpu.vector_store %arg9[%swap3A_522, %swap3A_523], %mul3A_520 {strides = array<i32>} : memref<8x128xf32, #tpu.memory_space<vmem>>, vector<16xf32>,
    %slice3A_525 = vector.extract_strided_slice %get3A_467 {offsets = [6], sizes = [1], strides = [1]} : vector<16xf32> to vector<1xf32>
    %squeeze3A_526 = vector.extract %slice3A_525[0] : f32 from vector<1xf32>
    %broadcast_in_dim3A_527 = vector.broadcast %squeeze3A_526 : f32 to vector<16xf32>
    %slice3A_528 = vector.extract_strided_slice %get3A_467 {offsets = [7], sizes = [1], strides = [1]} : vector<16xf32> to vector<1xf32>
    %squeeze3A_529 = vector.extract %slice3A_528[0] : f32 from vector<1xf32>
    %broadcast_in_dim3A_530 = vector.broadcast %squeeze3A_529 : f32 to vector<16xf32>
    %get3A_531 = arith.constant 3 : i32
    %get3A_532 = arith.index_cast %get3A_531 : i32 to index
    %get3A_533 = arith.constant 48 : index
    %get3A_534 = tpu.vector_load %arg8[%get3A_532, %get3A_533] {strides = array<i32>} : memref<8x128xf32, #tpu.memory_space<vmem>>, vector<16xf32>,
    %eq3A_535 = arith.constant 0 : i32
    %eq3A_536 = vector.broadcast %eq3A_535 : i32 to vector<16xi32>
    %eq3A_537 = arith.cmpi eq, %shift_right_arithmetic3A_2, %eq3A_536 : vector<16xi32>
    %select_n3A_538 = arith.select %eq3A_537, %broadcast_in_dim3A_527, %broadcast_in_dim3A_530 : vector<16xi1>, vector<16xf32>
    %mul3A_539 = arith.mulf %get3A_534, %select_n3A_538 : vector<16xf32>
    %swap3A_540 = arith.constant 3 : i32
    %swap3A_541 = arith.index_cast %swap3A_540 : i32 to index
    %swap3A_542 = arith.constant 48 : index
    %swap3A_543 = tpu.vector_load %arg9[%swap3A_541, %swap3A_542] {strides = array<i32>} : memref<8x128xf32, #tpu.memory_space<vmem>>, vector<16xf32>,
    tpu.vector_store %arg9[%swap3A_541, %swap3A_542], %mul3A_539 {strides = array<i32>} : memref<8x128xf32, #tpu.memory_space<vmem>>, vector<16xf32>,
    %slice3A_544 = vector.extract_strided_slice %get3A_467 {offsets = [8], sizes = [1], strides = [1]} : vector<16xf32> to vector<1xf32>
    %squeeze3A_545 = vector.extract %slice3A_544[0] : f32 from vector<1xf32>
    %broadcast_in_dim3A_546 = vector.broadcast %squeeze3A_545 : f32 to vector<16xf32>
    %slice3A_547 = vector.extract_strided_slice %get3A_467 {offsets = [9], sizes = [1], strides = [1]} : vector<16xf32> to vector<1xf32>
    %squeeze3A_548 = vector.extract %slice3A_547[0] : f32 from vector<1xf32>
    %broadcast_in_dim3A_549 = vector.broadcast %squeeze3A_548 : f32 to vector<16xf32>
    %get3A_550 = arith.constant 3 : i32
    %get3A_551 = arith.index_cast %get3A_550 : i32 to index
    %get3A_552 = arith.constant 64 : index
    %get3A_553 = tpu.vector_load %arg8[%get3A_551, %get3A_552] {strides = array<i32>} : memref<8x128xf32, #tpu.memory_space<vmem>>, vector<16xf32>,
    %eq3A_554 = arith.constant 0 : i32
    %eq3A_555 = vector.broadcast %eq3A_554 : i32 to vector<16xi32>
    %eq3A_556 = arith.cmpi eq, %shift_right_arithmetic3A_2, %eq3A_555 : vector<16xi32>
    %select_n3A_557 = arith.select %eq3A_556, %broadcast_in_dim3A_546, %broadcast_in_dim3A_549 : vector<16xi1>, vector<16xf32>
    %mul3A_558 = arith.mulf %get3A_553, %select_n3A_557 : vector<16xf32>
    %swap3A_559 = arith.constant 3 : i32
    %swap3A_560 = arith.index_cast %swap3A_559 : i32 to index
    %swap3A_561 = arith.constant 64 : index
    %swap3A_562 = tpu.vector_load %arg9[%swap3A_560, %swap3A_561] {strides = array<i32>} : memref<8x128xf32, #tpu.memory_space<vmem>>, vector<16xf32>,
    tpu.vector_store %arg9[%swap3A_560, %swap3A_561], %mul3A_558 {strides = array<i32>} : memref<8x128xf32, #tpu.memory_space<vmem>>, vector<16xf32>,
    %slice3A_563 = vector.extract_strided_slice %get3A_467 {offsets = [10], sizes = [1], strides = [1]} : vector<16xf32> to vector<1xf32>
    %squeeze3A_564 = vector.extract %slice3A_563[0] : f32 from vector<1xf32>
    %broadcast_in_dim3A_565 = vector.broadcast %squeeze3A_564 : f32 to vector<16xf32>
    %slice3A_566 = vector.extract_strided_slice %get3A_467 {offsets = [11], sizes = [1], strides = [1]} : vector<16xf32> to vector<1xf32>
    %squeeze3A_567 = vector.extract %slice3A_566[0] : f32 from vector<1xf32>
    %broadcast_in_dim3A_568 = vector.broadcast %squeeze3A_567 : f32 to vector<16xf32>
    %get3A_569 = arith.constant 3 : i32
    %get3A_570 = arith.index_cast %get3A_569 : i32 to index
    %get3A_571 = arith.constant 80 : index
    %get3A_572 = tpu.vector_load %arg8[%get3A_570, %get3A_571] {strides = array<i32>} : memref<8x128xf32, #tpu.memory_space<vmem>>, vector<16xf32>,
    %eq3A_573 = arith.constant 0 : i32
    %eq3A_574 = vector.broadcast %eq3A_573 : i32 to vector<16xi32>
    %eq3A_575 = arith.cmpi eq, %shift_right_arithmetic3A_2, %eq3A_574 : vector<16xi32>
    %select_n3A_576 = arith.select %eq3A_575, %broadcast_in_dim3A_565, %broadcast_in_dim3A_568 : vector<16xi1>, vector<16xf32>
    %mul3A_577 = arith.mulf %get3A_572, %select_n3A_576 : vector<16xf32>
    %swap3A_578 = arith.constant 3 : i32
    %swap3A_579 = arith.index_cast %swap3A_578 : i32 to index
    %swap3A_580 = arith.constant 80 : index
    %swap3A_581 = tpu.vector_load %arg9[%swap3A_579, %swap3A_580] {strides = array<i32>} : memref<8x128xf32, #tpu.memory_space<vmem>>, vector<16xf32>,
    tpu.vector_store %arg9[%swap3A_579, %swap3A_580], %mul3A_577 {strides = array<i32>} : memref<8x128xf32, #tpu.memory_space<vmem>>, vector<16xf32>,
    %slice3A_582 = vector.extract_strided_slice %get3A_467 {offsets = [12], sizes = [1], strides = [1]} : vector<16xf32> to vector<1xf32>
    %squeeze3A_583 = vector.extract %slice3A_582[0] : f32 from vector<1xf32>
    %broadcast_in_dim3A_584 = vector.broadcast %squeeze3A_583 : f32 to vector<16xf32>
    %slice3A_585 = vector.extract_strided_slice %get3A_467 {offsets = [13], sizes = [1], strides = [1]} : vector<16xf32> to vector<1xf32>
    %squeeze3A_586 = vector.extract %slice3A_585[0] : f32 from vector<1xf32>
    %broadcast_in_dim3A_587 = vector.broadcast %squeeze3A_586 : f32 to vector<16xf32>
    %get3A_588 = arith.constant 3 : i32
    %get3A_589 = arith.index_cast %get3A_588 : i32 to index
    %get3A_590 = arith.constant 96 : index
    %get3A_591 = tpu.vector_load %arg8[%get3A_589, %get3A_590] {strides = array<i32>} : memref<8x128xf32, #tpu.memory_space<vmem>>, vector<16xf32>,
    %eq3A_592 = arith.constant 0 : i32
    %eq3A_593 = vector.broadcast %eq3A_592 : i32 to vector<16xi32>
    %eq3A_594 = arith.cmpi eq, %shift_right_arithmetic3A_2, %eq3A_593 : vector<16xi32>
    %select_n3A_595 = arith.select %eq3A_594, %broadcast_in_dim3A_584, %broadcast_in_dim3A_587 : vector<16xi1>, vector<16xf32>
    %mul3A_596 = arith.mulf %get3A_591, %select_n3A_595 : vector<16xf32>
    %swap3A_597 = arith.constant 3 : i32
    %swap3A_598 = arith.index_cast %swap3A_597 : i32 to index
    %swap3A_599 = arith.constant 96 : index
    %swap3A_600 = tpu.vector_load %arg9[%swap3A_598, %swap3A_599] {strides = array<i32>} : memref<8x128xf32, #tpu.memory_space<vmem>>, vector<16xf32>,
    tpu.vector_store %arg9[%swap3A_598, %swap3A_599], %mul3A_596 {strides = array<i32>} : memref<8x128xf32, #tpu.memory_space<vmem>>, vector<16xf32>,
    %slice3A_601 = vector.extract_strided_slice %get3A_467 {offsets = [14], sizes = [1], strides = [1]} : vector<16xf32> to vector<1xf32>
    %squeeze3A_602 = vector.extract %slice3A_601[0] : f32 from vector<1xf32>
    %broadcast_in_dim3A_603 = vector.broadcast %squeeze3A_602 : f32 to vector<16xf32>
    %slice3A_604 = vector.extract_strided_slice %get3A_467 {offsets = [15], sizes = [1], strides = [1]} : vector<16xf32> to vector<1xf32>
    %squeeze3A_605 = vector.extract %slice3A_604[0] : f32 from vector<1xf32>
    %broadcast_in_dim3A_606 = vector.broadcast %squeeze3A_605 : f32 to vector<16xf32>
    %get3A_607 = arith.constant 3 : i32
    %get3A_608 = arith.index_cast %get3A_607 : i32 to index
    %get3A_609 = arith.constant 112 : index
    %get3A_610 = tpu.vector_load %arg8[%get3A_608, %get3A_609] {strides = array<i32>} : memref<8x128xf32, #tpu.memory_space<vmem>>, vector<16xf32>,
    %eq3A_611 = arith.constant 0 : i32
    %eq3A_612 = vector.broadcast %eq3A_611 : i32 to vector<16xi32>
    %eq3A_613 = arith.cmpi eq, %shift_right_arithmetic3A_2, %eq3A_612 : vector<16xi32>
    %select_n3A_614 = arith.select %eq3A_613, %broadcast_in_dim3A_603, %broadcast_in_dim3A_606 : vector<16xi1>, vector<16xf32>
    %mul3A_615 = arith.mulf %get3A_610, %select_n3A_614 : vector<16xf32>
    %swap3A_616 = arith.constant 3 : i32
    %swap3A_617 = arith.index_cast %swap3A_616 : i32 to index
    %swap3A_618 = arith.constant 112 : index
    %swap3A_619 = tpu.vector_load %arg9[%swap3A_617, %swap3A_618] {strides = array<i32>} : memref<8x128xf32, #tpu.memory_space<vmem>>, vector<16xf32>,
    tpu.vector_store %arg9[%swap3A_617, %swap3A_618], %mul3A_615 {strides = array<i32>} : memref<8x128xf32, #tpu.memory_space<vmem>>, vector<16xf32>,
    %mul3A_620 = arith.constant 64 : i32
    %mul3A_621 = arith.muli %add3A, %mul3A_620 : i32
    %get3A_622 = arith.constant 0 : i32
    %get3A_623 = arith.index_cast %get3A_622 : i32 to index
    %get3A_624 = arith.constant 0 : index
    %get3A_625 = tpu.vector_load %arg7[%get3A_623, %get3A_624] {strides = array<i32>} : memref<8x128xi32, #tpu.memory_space<vmem>>, vector<16xi32>,
    %shift_right_arithmetic3A_626 = arith.constant 3 : i32
    %shift_right_arithmetic3A_627 = arith.shrsi %mul3A_621, %shift_right_arithmetic3A_626 : i32
    %shift_left3A = arith.constant 3 : i32
    %shift_left3A_628 = arith.shli %shift_right_arithmetic3A_627, %shift_left3A : i32
    %multiple_of3A = tpu.assume_multiple %shift_left3A_628, 8 : i32
    %slice3A_629 = vector.extract_strided_slice %get3A_625 {offsets = [0], sizes = [1], strides = [1]} : vector<16xi32> to vector<1xi32>
    %squeeze3A_630 = vector.extract %slice3A_629[0] : i32 from vector<1xi32>
    %shift_right_arithmetic3A_631 = arith.constant 7 : i32
    %shift_right_arithmetic3A_632 = arith.shrsi %squeeze3A_630, %shift_right_arithmetic3A_631 : i32
    %shift_left3A_633 = arith.constant 7 : i32
    %shift_left3A_634 = arith.shli %shift_right_arithmetic3A_632, %shift_left3A_633 : i32
    %multiple_of3A_635 = tpu.assume_multiple %shift_left3A_634, 128 : i32
    %dma_start3A = arith.constant 0 : i32
    %dma_start3A_636 = arith.constant 0 : i32
    %dma_start3A_637 = arith.constant 0 : i32
    %dma_start3A_638 = tpu.memref_slice %arg11[%dma_start3A, %dma_start3A_636, %dma_start3A_637] : memref<8x8x128xf32, #tpu.memory_space<vmem>> -> memref<1x8x128xf32, #tpu.memory_space<vmem>>
    %dma_start3A_639 = arith.constant 0 : i32
    %dma_start3A_640 = tpu.memref_slice %arg2[%dma_start3A_639, %multiple_of3A, %multiple_of3A_635] : memref<1x2048x100000xf32, #tpu.memory_space<hbm>> -> memref<1x8x128xf32, #tpu.memory_space<hbm>>
    %dma_start3A_641 = arith.constant 0 : i32
    %dma_start3A_642 = arith.constant 0 : i32
    %dma_start3A_643 = arith.constant 0 : i32
    %dma_start3A_644 = tpu.memref_slice %arg11[%dma_start3A_641, %dma_start3A_642, %dma_start3A_643] : memref<8x8x128xf32, #tpu.memory_space<vmem>> -> memref<1x8x128xf32, #tpu.memory_space<vmem>>
    %dma_start3A_645 = arith.constant 0 : i32
    %dma_start3A_646 = tpu.memref_slice %arg2[%dma_start3A_645, %multiple_of3A, %multiple_of3A_635] : memref<1x2048x100000xf32, #tpu.memory_space<hbm>> -> memref<1x8x128xf32, #tpu.memory_space<hbm>>
    tpu.enqueue_dma source(%dma_start3A_646 : memref<1x8x128xf32, #tpu.memory_space<hbm>>) target(%dma_start3A_644 : memref<1x8x128xf32, #tpu.memory_space<vmem>>) target_semaphore(%arg14 : memref<!tpu.dma_semaphore, #tpu.memory_space<semaphore_mem>>)
    %slice3A_647 = vector.extract_strided_slice %get3A_625 {offsets = [1], sizes = [1], strides = [1]} : vector<16xi32> to vector<1xi32>
    %squeeze3A_648 = vector.extract %slice3A_647[0] : i32 from vector<1xi32>
    %shift_right_arithmetic3A_649 = arith.constant 7 : i32
    %shift_right_arithmetic3A_650 = arith.shrsi %squeeze3A_648, %shift_right_arithmetic3A_649 : i32
    %shift_left3A_651 = arith.constant 7 : i32
    %shift_left3A_652 = arith.shli %shift_right_arithmetic3A_650, %shift_left3A_651 : i32
    %multiple_of3A_653 = tpu.assume_multiple %shift_left3A_652, 128 : i32
    %dma_start3A_654 = arith.constant 1 : i32
    %dma_start3A_655 = arith.constant 0 : i32
    %dma_start3A_656 = arith.constant 0 : i32
    %dma_start3A_657 = tpu.memref_slice %arg11[%dma_start3A_654, %dma_start3A_655, %dma_start3A_656] : memref<8x8x128xf32, #tpu.memory_space<vmem>> -> memref<1x8x128xf32, #tpu.memory_space<vmem>>
    %dma_start3A_658 = arith.constant 0 : i32
    %dma_start3A_659 = tpu.memref_slice %arg2[%dma_start3A_658, %multiple_of3A, %multiple_of3A_653] : memref<1x2048x100000xf32, #tpu.memory_space<hbm>> -> memref<1x8x128xf32, #tpu.memory_space<hbm>>
    %dma_start3A_660 = arith.constant 1 : i32
    %dma_start3A_661 = arith.constant 0 : i32
    %dma_start3A_662 = arith.constant 0 : i32
    %dma_start3A_663 = tpu.memref_slice %arg11[%dma_start3A_660, %dma_start3A_661, %dma_start3A_662] : memref<8x8x128xf32, #tpu.memory_space<vmem>> -> memref<1x8x128xf32, #tpu.memory_space<vmem>>
    %dma_start3A_664 = arith.constant 0 : i32
    %dma_start3A_665 = tpu.memref_slice %arg2[%dma_start3A_664, %multiple_of3A, %multiple_of3A_653] : memref<1x2048x100000xf32, #tpu.memory_space<hbm>> -> memref<1x8x128xf32, #tpu.memory_space<hbm>>
    tpu.enqueue_dma source(%dma_start3A_665 : memref<1x8x128xf32, #tpu.memory_space<hbm>>) target(%dma_start3A_663 : memref<1x8x128xf32, #tpu.memory_space<vmem>>) target_semaphore(%arg14 : memref<!tpu.dma_semaphore, #tpu.memory_space<semaphore_mem>>)
    %slice3A_666 = vector.extract_strided_slice %get3A_625 {offsets = [2], sizes = [1], strides = [1]} : vector<16xi32> to vector<1xi32>
    %squeeze3A_667 = vector.extract %slice3A_666[0] : i32 from vector<1xi32>
    %shift_right_arithmetic3A_668 = arith.constant 7 : i32
    %shift_right_arithmetic3A_669 = arith.shrsi %squeeze3A_667, %shift_right_arithmetic3A_668 : i32
    %shift_left3A_670 = arith.constant 7 : i32
    %shift_left3A_671 = arith.shli %shift_right_arithmetic3A_669, %shift_left3A_670 : i32
    %multiple_of3A_672 = tpu.assume_multiple %shift_left3A_671, 128 : i32
    %dma_start3A_673 = arith.constant 2 : i32
    %dma_start3A_674 = arith.constant 0 : i32
    %dma_start3A_675 = arith.constant 0 : i32
    %dma_start3A_676 = tpu.memref_slice %arg11[%dma_start3A_673, %dma_start3A_674, %dma_start3A_675] : memref<8x8x128xf32, #tpu.memory_space<vmem>> -> memref<1x8x128xf32, #tpu.memory_space<vmem>>
    %dma_start3A_677 = arith.constant 0 : i32
    %dma_start3A_678 = tpu.memref_slice %arg2[%dma_start3A_677, %multiple_of3A, %multiple_of3A_672] : memref<1x2048x100000xf32, #tpu.memory_space<hbm>> -> memref<1x8x128xf32, #tpu.memory_space<hbm>>
    %dma_start3A_679 = arith.constant 2 : i32
    %dma_start3A_680 = arith.constant 0 : i32
    %dma_start3A_681 = arith.constant 0 : i32
    %dma_start3A_682 = tpu.memref_slice %arg11[%dma_start3A_679, %dma_start3A_680, %dma_start3A_681] : memref<8x8x128xf32, #tpu.memory_space<vmem>> -> memref<1x8x128xf32, #tpu.memory_space<vmem>>
    %dma_start3A_683 = arith.constant 0 : i32
    %dma_start3A_684 = tpu.memref_slice %arg2[%dma_start3A_683, %multiple_of3A, %multiple_of3A_672] : memref<1x2048x100000xf32, #tpu.memory_space<hbm>> -> memref<1x8x128xf32, #tpu.memory_space<hbm>>
    tpu.enqueue_dma source(%dma_start3A_684 : memref<1x8x128xf32, #tpu.memory_space<hbm>>) target(%dma_start3A_682 : memref<1x8x128xf32, #tpu.memory_space<vmem>>) target_semaphore(%arg14 : memref<!tpu.dma_semaphore, #tpu.memory_space<semaphore_mem>>)
    %slice3A_685 = vector.extract_strided_slice %get3A_625 {offsets = [3], sizes = [1], strides = [1]} : vector<16xi32> to vector<1xi32>
    %squeeze3A_686 = vector.extract %slice3A_685[0] : i32 from vector<1xi32>
    %shift_right_arithmetic3A_687 = arith.constant 7 : i32
    %shift_right_arithmetic3A_688 = arith.shrsi %squeeze3A_686, %shift_right_arithmetic3A_687 : i32
    %shift_left3A_689 = arith.constant 7 : i32
    %shift_left3A_690 = arith.shli %shift_right_arithmetic3A_688, %shift_left3A_689 : i32
    %multiple_of3A_691 = tpu.assume_multiple %shift_left3A_690, 128 : i32
    %dma_start3A_692 = arith.constant 3 : i32
    %dma_start3A_693 = arith.constant 0 : i32
    %dma_start3A_694 = arith.constant 0 : i32
    %dma_start3A_695 = tpu.memref_slice %arg11[%dma_start3A_692, %dma_start3A_693, %dma_start3A_694] : memref<8x8x128xf32, #tpu.memory_space<vmem>> -> memref<1x8x128xf32, #tpu.memory_space<vmem>>
    %dma_start3A_696 = arith.constant 0 : i32
    %dma_start3A_697 = tpu.memref_slice %arg2[%dma_start3A_696, %multiple_of3A, %multiple_of3A_691] : memref<1x2048x100000xf32, #tpu.memory_space<hbm>> -> memref<1x8x128xf32, #tpu.memory_space<hbm>>
    %dma_start3A_698 = arith.constant 3 : i32
    %dma_start3A_699 = arith.constant 0 : i32
    %dma_start3A_700 = arith.constant 0 : i32
    %dma_start3A_701 = tpu.memref_slice %arg11[%dma_start3A_698, %dma_start3A_699, %dma_start3A_700] : memref<8x8x128xf32, #tpu.memory_space<vmem>> -> memref<1x8x128xf32, #tpu.memory_space<vmem>>
    %dma_start3A_702 = arith.constant 0 : i32
    %dma_start3A_703 = tpu.memref_slice %arg2[%dma_start3A_702, %multiple_of3A, %multiple_of3A_691] : memref<1x2048x100000xf32, #tpu.memory_space<hbm>> -> memref<1x8x128xf32, #tpu.memory_space<hbm>>
    tpu.enqueue_dma source(%dma_start3A_703 : memref<1x8x128xf32, #tpu.memory_space<hbm>>) target(%dma_start3A_701 : memref<1x8x128xf32, #tpu.memory_space<vmem>>) target_semaphore(%arg14 : memref<!tpu.dma_semaphore, #tpu.memory_space<semaphore_mem>>)
    %slice3A_704 = vector.extract_strided_slice %get3A_625 {offsets = [4], sizes = [1], strides = [1]} : vector<16xi32> to vector<1xi32>
    %squeeze3A_705 = vector.extract %slice3A_704[0] : i32 from vector<1xi32>
    %shift_right_arithmetic3A_706 = arith.constant 7 : i32
    %shift_right_arithmetic3A_707 = arith.shrsi %squeeze3A_705, %shift_right_arithmetic3A_706 : i32
    %shift_left3A_708 = arith.constant 7 : i32
    %shift_left3A_709 = arith.shli %shift_right_arithmetic3A_707, %shift_left3A_708 : i32
    %multiple_of3A_710 = tpu.assume_multiple %shift_left3A_709, 128 : i32
    %dma_start3A_711 = arith.constant 4 : i32
    %dma_start3A_712 = arith.constant 0 : i32
    %dma_start3A_713 = arith.constant 0 : i32
    %dma_start3A_714 = tpu.memref_slice %arg11[%dma_start3A_711, %dma_start3A_712, %dma_start3A_713] : memref<8x8x128xf32, #tpu.memory_space<vmem>> -> memref<1x8x128xf32, #tpu.memory_space<vmem>>
    %dma_start3A_715 = arith.constant 0 : i32
    %dma_start3A_716 = tpu.memref_slice %arg2[%dma_start3A_715, %multiple_of3A, %multiple_of3A_710] : memref<1x2048x100000xf32, #tpu.memory_space<hbm>> -> memref<1x8x128xf32, #tpu.memory_space<hbm>>
    %dma_start3A_717 = arith.constant 4 : i32
    %dma_start3A_718 = arith.constant 0 : i32
    %dma_start3A_719 = arith.constant 0 : i32
    %dma_start3A_720 = tpu.memref_slice %arg11[%dma_start3A_717, %dma_start3A_718, %dma_start3A_719] : memref<8x8x128xf32, #tpu.memory_space<vmem>> -> memref<1x8x128xf32, #tpu.memory_space<vmem>>
    %dma_start3A_721 = arith.constant 0 : i32
    %dma_start3A_722 = tpu.memref_slice %arg2[%dma_start3A_721, %multiple_of3A, %multiple_of3A_710] : memref<1x2048x100000xf32, #tpu.memory_space<hbm>> -> memref<1x8x128xf32, #tpu.memory_space<hbm>>
    tpu.enqueue_dma source(%dma_start3A_722 : memref<1x8x128xf32, #tpu.memory_space<hbm>>) target(%dma_start3A_720 : memref<1x8x128xf32, #tpu.memory_space<vmem>>) target_semaphore(%arg14 : memref<!tpu.dma_semaphore, #tpu.memory_space<semaphore_mem>>)
    %slice3A_723 = vector.extract_strided_slice %get3A_625 {offsets = [5], sizes = [1], strides = [1]} : vector<16xi32> to vector<1xi32>
    %squeeze3A_724 = vector.extract %slice3A_723[0] : i32 from vector<1xi32>
    %shift_right_arithmetic3A_725 = arith.constant 7 : i32
    %shift_right_arithmetic3A_726 = arith.shrsi %squeeze3A_724, %shift_right_arithmetic3A_725 : i32
    %shift_left3A_727 = arith.constant 7 : i32
    %shift_left3A_728 = arith.shli %shift_right_arithmetic3A_726, %shift_left3A_727 : i32
    %multiple_of3A_729 = tpu.assume_multiple %shift_left3A_728, 128 : i32
    %dma_start3A_730 = arith.constant 5 : i32
    %dma_start3A_731 = arith.constant 0 : i32
    %dma_start3A_732 = arith.constant 0 : i32
    %dma_start3A_733 = tpu.memref_slice %arg11[%dma_start3A_730, %dma_start3A_731, %dma_start3A_732] : memref<8x8x128xf32, #tpu.memory_space<vmem>> -> memref<1x8x128xf32, #tpu.memory_space<vmem>>
    %dma_start3A_734 = arith.constant 0 : i32
    %dma_start3A_735 = tpu.memref_slice %arg2[%dma_start3A_734, %multiple_of3A, %multiple_of3A_729] : memref<1x2048x100000xf32, #tpu.memory_space<hbm>> -> memref<1x8x128xf32, #tpu.memory_space<hbm>>
    %dma_start3A_736 = arith.constant 5 : i32
    %dma_start3A_737 = arith.constant 0 : i32
    %dma_start3A_738 = arith.constant 0 : i32
    %dma_start3A_739 = tpu.memref_slice %arg11[%dma_start3A_736, %dma_start3A_737, %dma_start3A_738] : memref<8x8x128xf32, #tpu.memory_space<vmem>> -> memref<1x8x128xf32, #tpu.memory_space<vmem>>
    %dma_start3A_740 = arith.constant 0 : i32
    %dma_start3A_741 = tpu.memref_slice %arg2[%dma_start3A_740, %multiple_of3A, %multiple_of3A_729] : memref<1x2048x100000xf32, #tpu.memory_space<hbm>> -> memref<1x8x128xf32, #tpu.memory_space<hbm>>
    tpu.enqueue_dma source(%dma_start3A_741 : memref<1x8x128xf32, #tpu.memory_space<hbm>>) target(%dma_start3A_739 : memref<1x8x128xf32, #tpu.memory_space<vmem>>) target_semaphore(%arg14 : memref<!tpu.dma_semaphore, #tpu.memory_space<semaphore_mem>>)
    %slice3A_742 = vector.extract_strided_slice %get3A_625 {offsets = [6], sizes = [1], strides = [1]} : vector<16xi32> to vector<1xi32>
    %squeeze3A_743 = vector.extract %slice3A_742[0] : i32 from vector<1xi32>
    %shift_right_arithmetic3A_744 = arith.constant 7 : i32
    %shift_right_arithmetic3A_745 = arith.shrsi %squeeze3A_743, %shift_right_arithmetic3A_744 : i32
    %shift_left3A_746 = arith.constant 7 : i32
    %shift_left3A_747 = arith.shli %shift_right_arithmetic3A_745, %shift_left3A_746 : i32
    %multiple_of3A_748 = tpu.assume_multiple %shift_left3A_747, 128 : i32
    %dma_start3A_749 = arith.constant 6 : i32
    %dma_start3A_750 = arith.constant 0 : i32
    %dma_start3A_751 = arith.constant 0 : i32
    %dma_start3A_752 = tpu.memref_slice %arg11[%dma_start3A_749, %dma_start3A_750, %dma_start3A_751] : memref<8x8x128xf32, #tpu.memory_space<vmem>> -> memref<1x8x128xf32, #tpu.memory_space<vmem>>
    %dma_start3A_753 = arith.constant 0 : i32
    %dma_start3A_754 = tpu.memref_slice %arg2[%dma_start3A_753, %multiple_of3A, %multiple_of3A_748] : memref<1x2048x100000xf32, #tpu.memory_space<hbm>> -> memref<1x8x128xf32, #tpu.memory_space<hbm>>
    %dma_start3A_755 = arith.constant 6 : i32
    %dma_start3A_756 = arith.constant 0 : i32
    %dma_start3A_757 = arith.constant 0 : i32
    %dma_start3A_758 = tpu.memref_slice %arg11[%dma_start3A_755, %dma_start3A_756, %dma_start3A_757] : memref<8x8x128xf32, #tpu.memory_space<vmem>> -> memref<1x8x128xf32, #tpu.memory_space<vmem>>
    %dma_start3A_759 = arith.constant 0 : i32
    %dma_start3A_760 = tpu.memref_slice %arg2[%dma_start3A_759, %multiple_of3A, %multiple_of3A_748] : memref<1x2048x100000xf32, #tpu.memory_space<hbm>> -> memref<1x8x128xf32, #tpu.memory_space<hbm>>
    tpu.enqueue_dma source(%dma_start3A_760 : memref<1x8x128xf32, #tpu.memory_space<hbm>>) target(%dma_start3A_758 : memref<1x8x128xf32, #tpu.memory_space<vmem>>) target_semaphore(%arg14 : memref<!tpu.dma_semaphore, #tpu.memory_space<semaphore_mem>>)
    %slice3A_761 = vector.extract_strided_slice %get3A_625 {offsets = [7], sizes = [1], strides = [1]} : vector<16xi32> to vector<1xi32>
    %squeeze3A_762 = vector.extract %slice3A_761[0] : i32 from vector<1xi32>
    %shift_right_arithmetic3A_763 = arith.constant 7 : i32
    %shift_right_arithmetic3A_764 = arith.shrsi %squeeze3A_762, %shift_right_arithmetic3A_763 : i32
    %shift_left3A_765 = arith.constant 7 : i32
    %shift_left3A_766 = arith.shli %shift_right_arithmetic3A_764, %shift_left3A_765 : i32
    %multiple_of3A_767 = tpu.assume_multiple %shift_left3A_766, 128 : i32
    %dma_start3A_768 = arith.constant 7 : i32
    %dma_start3A_769 = arith.constant 0 : i32
    %dma_start3A_770 = arith.constant 0 : i32
    %dma_start3A_771 = tpu.memref_slice %arg11[%dma_start3A_768, %dma_start3A_769, %dma_start3A_770] : memref<8x8x128xf32, #tpu.memory_space<vmem>> -> memref<1x8x128xf32, #tpu.memory_space<vmem>>
    %dma_start3A_772 = arith.constant 0 : i32
    %dma_start3A_773 = tpu.memref_slice %arg2[%dma_start3A_772, %multiple_of3A, %multiple_of3A_767] : memref<1x2048x100000xf32, #tpu.memory_space<hbm>> -> memref<1x8x128xf32, #tpu.memory_space<hbm>>
    %dma_start3A_774 = arith.constant 7 : i32
    %dma_start3A_775 = arith.constant 0 : i32
    %dma_start3A_776 = arith.constant 0 : i32
    %dma_start3A_777 = tpu.memref_slice %arg11[%dma_start3A_774, %dma_start3A_775, %dma_start3A_776] : memref<8x8x128xf32, #tpu.memory_space<vmem>> -> memref<1x8x128xf32, #tpu.memory_space<vmem>>
    %dma_start3A_778 = arith.constant 0 : i32
    %dma_start3A_779 = tpu.memref_slice %arg2[%dma_start3A_778, %multiple_of3A, %multiple_of3A_767] : memref<1x2048x100000xf32, #tpu.memory_space<hbm>> -> memref<1x8x128xf32, #tpu.memory_space<hbm>>
    tpu.enqueue_dma source(%dma_start3A_779 : memref<1x8x128xf32, #tpu.memory_space<hbm>>) target(%dma_start3A_777 : memref<1x8x128xf32, #tpu.memory_space<vmem>>) target_semaphore(%arg14 : memref<!tpu.dma_semaphore, #tpu.memory_space<semaphore_mem>>)
    %broadcast_in_dim3A_780 = arith.constant 0.000000e+00 : f32
    %broadcast_in_dim3A_781 = vector.broadcast %broadcast_in_dim3A_780 : f32 to vector<16xf32>
    %scan3A = arith.constant 0 : i32
    %scan3A_782 = arith.constant 32 : i32
    %scan3A_783 = arith.addi %scan3A, %scan3A_782 : i32
    %scan3A_784 = arith.constant 1 : i32
    %scan3A_785 = scf.for %scan3A_874 = %scan3A to %scan3A_783 step %scan3A_784 iter_args(%scan3A_875 = %broadcast_in_dim3A_781) -> (vector<16xf32>)  : i32 {
      %shift_right_arithmetic3A_876 = arith.constant 3 : i32
      %shift_right_arithmetic3A_877 = arith.shrsi %scan3A_874, %shift_right_arithmetic3A_876 : i32
      %and3A = arith.constant 7 : i32
      %and3A_878 = arith.andi %scan3A_874, %and3A : i32
      %mul3A_879 = arith.constant 16 : i32
      %mul3A_880 = arith.muli %and3A_878, %mul3A_879 : i32
      %get3A_881 = arith.index_cast %shift_right_arithmetic3A_877 : i32 to index
      %get3A_882 = arith.index_cast %mul3A_880 : i32 to index
      %get3A_883 = tpu.vector_load %arg7[%get3A_881, %get3A_882] {strides = array<i32>} : memref<8x128xi32, #tpu.memory_space<vmem>>, vector<16xi32>,
      %shift_right_arithmetic3A_884 = arith.constant 3 : i32
      %shift_right_arithmetic3A_885 = arith.shrsi %scan3A_874, %shift_right_arithmetic3A_884 : i32
      %and3A_886 = arith.constant 7 : i32
      %and3A_887 = arith.andi %scan3A_874, %and3A_886 : i32
      %mul3A_888 = arith.constant 16 : i32
      %mul3A_889 = arith.muli %and3A_887, %mul3A_888 : i32
      %get3A_890 = arith.index_cast %shift_right_arithmetic3A_885 : i32 to index
      %get3A_891 = arith.index_cast %mul3A_889 : i32 to index
      %get3A_892 = tpu.vector_load %arg9[%get3A_890, %get3A_891] {strides = array<i32>} : memref<8x128xf32, #tpu.memory_space<vmem>>, vector<16xf32>,
      %mul3A_893 = arith.constant 2 : i32
      %mul3A_894 = arith.muli %mul3A_893, %scan3A_874 : i32
      %add3A_895 = arith.addi %mul3A_621, %mul3A_894 : i32
      %add3A_896 = arith.constant 1 : i32
      %add3A_897 = arith.addi %add3A_895, %add3A_896 : i32
      %shift_right_arithmetic3A_898 = arith.constant 3 : i32
      %shift_right_arithmetic3A_899 = arith.shrsi %add3A_897, %shift_right_arithmetic3A_898 : i32
      %shift_left3A_900 = arith.constant 3 : i32
      %shift_left3A_901 = arith.shli %shift_right_arithmetic3A_899, %shift_left3A_900 : i32
      %multiple_of3A_902 = tpu.assume_multiple %shift_left3A_901, 8 : i32
      %slice3A_903 = vector.extract_strided_slice %get3A_883 {offsets = [8], sizes = [1], strides = [1]} : vector<16xi32> to vector<1xi32>
      %squeeze3A_904 = vector.extract %slice3A_903[0] : i32 from vector<1xi32>
      %shift_right_arithmetic3A_905 = arith.constant 7 : i32
      %shift_right_arithmetic3A_906 = arith.shrsi %squeeze3A_904, %shift_right_arithmetic3A_905 : i32
      %shift_left3A_907 = arith.constant 7 : i32
      %shift_left3A_908 = arith.shli %shift_right_arithmetic3A_906, %shift_left3A_907 : i32
      %multiple_of3A_909 = tpu.assume_multiple %shift_left3A_908, 128 : i32
      %dma_start3A_910 = arith.constant 0 : i32
      %dma_start3A_911 = arith.constant 0 : i32
      %dma_start3A_912 = arith.constant 0 : i32
      %dma_start3A_913 = tpu.memref_slice %arg12[%dma_start3A_910, %dma_start3A_911, %dma_start3A_912] : memref<8x8x128xf32, #tpu.memory_space<vmem>> -> memref<1x8x128xf32, #tpu.memory_space<vmem>>
      %dma_start3A_914 = arith.constant 0 : i32
      %dma_start3A_915 = tpu.memref_slice %arg2[%dma_start3A_914, %multiple_of3A_902, %multiple_of3A_909] : memref<1x2048x100000xf32, #tpu.memory_space<hbm>> -> memref<1x8x128xf32, #tpu.memory_space<hbm>>
      %dma_start3A_916 = arith.constant 0 : i32
      %dma_start3A_917 = arith.constant 0 : i32
      %dma_start3A_918 = arith.constant 0 : i32
      %dma_start3A_919 = tpu.memref_slice %arg12[%dma_start3A_916, %dma_start3A_917, %dma_start3A_918] : memref<8x8x128xf32, #tpu.memory_space<vmem>> -> memref<1x8x128xf32, #tpu.memory_space<vmem>>
      %dma_start3A_920 = arith.constant 0 : i32
      %dma_start3A_921 = tpu.memref_slice %arg2[%dma_start3A_920, %multiple_of3A_902, %multiple_of3A_909] : memref<1x2048x100000xf32, #tpu.memory_space<hbm>> -> memref<1x8x128xf32, #tpu.memory_space<hbm>>
      tpu.enqueue_dma source(%dma_start3A_921 : memref<1x8x128xf32, #tpu.memory_space<hbm>>) target(%dma_start3A_919 : memref<1x8x128xf32, #tpu.memory_space<vmem>>) target_semaphore(%arg15 : memref<!tpu.dma_semaphore, #tpu.memory_space<semaphore_mem>>)
      %slice3A_922 = vector.extract_strided_slice %get3A_883 {offsets = [9], sizes = [1], strides = [1]} : vector<16xi32> to vector<1xi32>
      %squeeze3A_923 = vector.extract %slice3A_922[0] : i32 from vector<1xi32>
      %shift_right_arithmetic3A_924 = arith.constant 7 : i32
      %shift_right_arithmetic3A_925 = arith.shrsi %squeeze3A_923, %shift_right_arithmetic3A_924 : i32
      %shift_left3A_926 = arith.constant 7 : i32
      %shift_left3A_927 = arith.shli %shift_right_arithmetic3A_925, %shift_left3A_926 : i32
      %multiple_of3A_928 = tpu.assume_multiple %shift_left3A_927, 128 : i32
      %dma_start3A_929 = arith.constant 1 : i32
      %dma_start3A_930 = arith.constant 0 : i32
      %dma_start3A_931 = arith.constant 0 : i32
      %dma_start3A_932 = tpu.memref_slice %arg12[%dma_start3A_929, %dma_start3A_930, %dma_start3A_931] : memref<8x8x128xf32, #tpu.memory_space<vmem>> -> memref<1x8x128xf32, #tpu.memory_space<vmem>>
      %dma_start3A_933 = arith.constant 0 : i32
      %dma_start3A_934 = tpu.memref_slice %arg2[%dma_start3A_933, %multiple_of3A_902, %multiple_of3A_928] : memref<1x2048x100000xf32, #tpu.memory_space<hbm>> -> memref<1x8x128xf32, #tpu.memory_space<hbm>>
      %dma_start3A_935 = arith.constant 1 : i32
      %dma_start3A_936 = arith.constant 0 : i32
      %dma_start3A_937 = arith.constant 0 : i32
      %dma_start3A_938 = tpu.memref_slice %arg12[%dma_start3A_935, %dma_start3A_936, %dma_start3A_937] : memref<8x8x128xf32, #tpu.memory_space<vmem>> -> memref<1x8x128xf32, #tpu.memory_space<vmem>>
      %dma_start3A_939 = arith.constant 0 : i32
      %dma_start3A_940 = tpu.memref_slice %arg2[%dma_start3A_939, %multiple_of3A_902, %multiple_of3A_928] : memref<1x2048x100000xf32, #tpu.memory_space<hbm>> -> memref<1x8x128xf32, #tpu.memory_space<hbm>>
      tpu.enqueue_dma source(%dma_start3A_940 : memref<1x8x128xf32, #tpu.memory_space<hbm>>) target(%dma_start3A_938 : memref<1x8x128xf32, #tpu.memory_space<vmem>>) target_semaphore(%arg15 : memref<!tpu.dma_semaphore, #tpu.memory_space<semaphore_mem>>)
      %slice3A_941 = vector.extract_strided_slice %get3A_883 {offsets = [10], sizes = [1], strides = [1]} : vector<16xi32> to vector<1xi32>
      %squeeze3A_942 = vector.extract %slice3A_941[0] : i32 from vector<1xi32>
      %shift_right_arithmetic3A_943 = arith.constant 7 : i32
      %shift_right_arithmetic3A_944 = arith.shrsi %squeeze3A_942, %shift_right_arithmetic3A_943 : i32
      %shift_left3A_945 = arith.constant 7 : i32
      %shift_left3A_946 = arith.shli %shift_right_arithmetic3A_944, %shift_left3A_945 : i32
      %multiple_of3A_947 = tpu.assume_multiple %shift_left3A_946, 128 : i32
      %dma_start3A_948 = arith.constant 2 : i32
      %dma_start3A_949 = arith.constant 0 : i32
      %dma_start3A_950 = arith.constant 0 : i32
      %dma_start3A_951 = tpu.memref_slice %arg12[%dma_start3A_948, %dma_start3A_949, %dma_start3A_950] : memref<8x8x128xf32, #tpu.memory_space<vmem>> -> memref<1x8x128xf32, #tpu.memory_space<vmem>>
      %dma_start3A_952 = arith.constant 0 : i32
      %dma_start3A_953 = tpu.memref_slice %arg2[%dma_start3A_952, %multiple_of3A_902, %multiple_of3A_947] : memref<1x2048x100000xf32, #tpu.memory_space<hbm>> -> memref<1x8x128xf32, #tpu.memory_space<hbm>>
      %dma_start3A_954 = arith.constant 2 : i32
      %dma_start3A_955 = arith.constant 0 : i32
      %dma_start3A_956 = arith.constant 0 : i32
      %dma_start3A_957 = tpu.memref_slice %arg12[%dma_start3A_954, %dma_start3A_955, %dma_start3A_956] : memref<8x8x128xf32, #tpu.memory_space<vmem>> -> memref<1x8x128xf32, #tpu.memory_space<vmem>>
      %dma_start3A_958 = arith.constant 0 : i32
      %dma_start3A_959 = tpu.memref_slice %arg2[%dma_start3A_958, %multiple_of3A_902, %multiple_of3A_947] : memref<1x2048x100000xf32, #tpu.memory_space<hbm>> -> memref<1x8x128xf32, #tpu.memory_space<hbm>>
      tpu.enqueue_dma source(%dma_start3A_959 : memref<1x8x128xf32, #tpu.memory_space<hbm>>) target(%dma_start3A_957 : memref<1x8x128xf32, #tpu.memory_space<vmem>>) target_semaphore(%arg15 : memref<!tpu.dma_semaphore, #tpu.memory_space<semaphore_mem>>)
      %slice3A_960 = vector.extract_strided_slice %get3A_883 {offsets = [11], sizes = [1], strides = [1]} : vector<16xi32> to vector<1xi32>
      %squeeze3A_961 = vector.extract %slice3A_960[0] : i32 from vector<1xi32>
      %shift_right_arithmetic3A_962 = arith.constant 7 : i32
      %shift_right_arithmetic3A_963 = arith.shrsi %squeeze3A_961, %shift_right_arithmetic3A_962 : i32
      %shift_left3A_964 = arith.constant 7 : i32
      %shift_left3A_965 = arith.shli %shift_right_arithmetic3A_963, %shift_left3A_964 : i32
      %multiple_of3A_966 = tpu.assume_multiple %shift_left3A_965, 128 : i32
      %dma_start3A_967 = arith.constant 3 : i32
      %dma_start3A_968 = arith.constant 0 : i32
      %dma_start3A_969 = arith.constant 0 : i32
      %dma_start3A_970 = tpu.memref_slice %arg12[%dma_start3A_967, %dma_start3A_968, %dma_start3A_969] : memref<8x8x128xf32, #tpu.memory_space<vmem>> -> memref<1x8x128xf32, #tpu.memory_space<vmem>>
      %dma_start3A_971 = arith.constant 0 : i32
      %dma_start3A_972 = tpu.memref_slice %arg2[%dma_start3A_971, %multiple_of3A_902, %multiple_of3A_966] : memref<1x2048x100000xf32, #tpu.memory_space<hbm>> -> memref<1x8x128xf32, #tpu.memory_space<hbm>>
      %dma_start3A_973 = arith.constant 3 : i32
      %dma_start3A_974 = arith.constant 0 : i32
      %dma_start3A_975 = arith.constant 0 : i32
      %dma_start3A_976 = tpu.memref_slice %arg12[%dma_start3A_973, %dma_start3A_974, %dma_start3A_975] : memref<8x8x128xf32, #tpu.memory_space<vmem>> -> memref<1x8x128xf32, #tpu.memory_space<vmem>>
      %dma_start3A_977 = arith.constant 0 : i32
      %dma_start3A_978 = tpu.memref_slice %arg2[%dma_start3A_977, %multiple_of3A_902, %multiple_of3A_966] : memref<1x2048x100000xf32, #tpu.memory_space<hbm>> -> memref<1x8x128xf32, #tpu.memory_space<hbm>>
      tpu.enqueue_dma source(%dma_start3A_978 : memref<1x8x128xf32, #tpu.memory_space<hbm>>) target(%dma_start3A_976 : memref<1x8x128xf32, #tpu.memory_space<vmem>>) target_semaphore(%arg15 : memref<!tpu.dma_semaphore, #tpu.memory_space<semaphore_mem>>)
      %slice3A_979 = vector.extract_strided_slice %get3A_883 {offsets = [12], sizes = [1], strides = [1]} : vector<16xi32> to vector<1xi32>
      %squeeze3A_980 = vector.extract %slice3A_979[0] : i32 from vector<1xi32>
      %shift_right_arithmetic3A_981 = arith.constant 7 : i32
      %shift_right_arithmetic3A_982 = arith.shrsi %squeeze3A_980, %shift_right_arithmetic3A_981 : i32
      %shift_left3A_983 = arith.constant 7 : i32
      %shift_left3A_984 = arith.shli %shift_right_arithmetic3A_982, %shift_left3A_983 : i32
      %multiple_of3A_985 = tpu.assume_multiple %shift_left3A_984, 128 : i32
      %dma_start3A_986 = arith.constant 4 : i32
      %dma_start3A_987 = arith.constant 0 : i32
      %dma_start3A_988 = arith.constant 0 : i32
      %dma_start3A_989 = tpu.memref_slice %arg12[%dma_start3A_986, %dma_start3A_987, %dma_start3A_988] : memref<8x8x128xf32, #tpu.memory_space<vmem>> -> memref<1x8x128xf32, #tpu.memory_space<vmem>>
      %dma_start3A_990 = arith.constant 0 : i32
      %dma_start3A_991 = tpu.memref_slice %arg2[%dma_start3A_990, %multiple_of3A_902, %multiple_of3A_985] : memref<1x2048x100000xf32, #tpu.memory_space<hbm>> -> memref<1x8x128xf32, #tpu.memory_space<hbm>>
      %dma_start3A_992 = arith.constant 4 : i32
      %dma_start3A_993 = arith.constant 0 : i32
      %dma_start3A_994 = arith.constant 0 : i32
      %dma_start3A_995 = tpu.memref_slice %arg12[%dma_start3A_992, %dma_start3A_993, %dma_start3A_994] : memref<8x8x128xf32, #tpu.memory_space<vmem>> -> memref<1x8x128xf32, #tpu.memory_space<vmem>>
      %dma_start3A_996 = arith.constant 0 : i32
      %dma_start3A_997 = tpu.memref_slice %arg2[%dma_start3A_996, %multiple_of3A_902, %multiple_of3A_985] : memref<1x2048x100000xf32, #tpu.memory_space<hbm>> -> memref<1x8x128xf32, #tpu.memory_space<hbm>>
      tpu.enqueue_dma source(%dma_start3A_997 : memref<1x8x128xf32, #tpu.memory_space<hbm>>) target(%dma_start3A_995 : memref<1x8x128xf32, #tpu.memory_space<vmem>>) target_semaphore(%arg15 : memref<!tpu.dma_semaphore, #tpu.memory_space<semaphore_mem>>)
      %slice3A_998 = vector.extract_strided_slice %get3A_883 {offsets = [13], sizes = [1], strides = [1]} : vector<16xi32> to vector<1xi32>
      %squeeze3A_999 = vector.extract %slice3A_998[0] : i32 from vector<1xi32>
      %shift_right_arithmetic3A_1000 = arith.constant 7 : i32
      %shift_right_arithmetic3A_1001 = arith.shrsi %squeeze3A_999, %shift_right_arithmetic3A_1000 : i32
      %shift_left3A_1002 = arith.constant 7 : i32
      %shift_left3A_1003 = arith.shli %shift_right_arithmetic3A_1001, %shift_left3A_1002 : i32
      %multiple_of3A_1004 = tpu.assume_multiple %shift_left3A_1003, 128 : i32
      %dma_start3A_1005 = arith.constant 5 : i32
      %dma_start3A_1006 = arith.constant 0 : i32
      %dma_start3A_1007 = arith.constant 0 : i32
      %dma_start3A_1008 = tpu.memref_slice %arg12[%dma_start3A_1005, %dma_start3A_1006, %dma_start3A_1007] : memref<8x8x128xf32, #tpu.memory_space<vmem>> -> memref<1x8x128xf32, #tpu.memory_space<vmem>>
      %dma_start3A_1009 = arith.constant 0 : i32
      %dma_start3A_1010 = tpu.memref_slice %arg2[%dma_start3A_1009, %multiple_of3A_902, %multiple_of3A_1004] : memref<1x2048x100000xf32, #tpu.memory_space<hbm>> -> memref<1x8x128xf32, #tpu.memory_space<hbm>>
      %dma_start3A_1011 = arith.constant 5 : i32
      %dma_start3A_1012 = arith.constant 0 : i32
      %dma_start3A_1013 = arith.constant 0 : i32
      %dma_start3A_1014 = tpu.memref_slice %arg12[%dma_start3A_1011, %dma_start3A_1012, %dma_start3A_1013] : memref<8x8x128xf32, #tpu.memory_space<vmem>> -> memref<1x8x128xf32, #tpu.memory_space<vmem>>
      %dma_start3A_1015 = arith.constant 0 : i32
      %dma_start3A_1016 = tpu.memref_slice %arg2[%dma_start3A_1015, %multiple_of3A_902, %multiple_of3A_1004] : memref<1x2048x100000xf32, #tpu.memory_space<hbm>> -> memref<1x8x128xf32, #tpu.memory_space<hbm>>
      tpu.enqueue_dma source(%dma_start3A_1016 : memref<1x8x128xf32, #tpu.memory_space<hbm>>) target(%dma_start3A_1014 : memref<1x8x128xf32, #tpu.memory_space<vmem>>) target_semaphore(%arg15 : memref<!tpu.dma_semaphore, #tpu.memory_space<semaphore_mem>>)
      %slice3A_1017 = vector.extract_strided_slice %get3A_883 {offsets = [14], sizes = [1], strides = [1]} : vector<16xi32> to vector<1xi32>
      %squeeze3A_1018 = vector.extract %slice3A_1017[0] : i32 from vector<1xi32>
      %shift_right_arithmetic3A_1019 = arith.constant 7 : i32
      %shift_right_arithmetic3A_1020 = arith.shrsi %squeeze3A_1018, %shift_right_arithmetic3A_1019 : i32
      %shift_left3A_1021 = arith.constant 7 : i32
      %shift_left3A_1022 = arith.shli %shift_right_arithmetic3A_1020, %shift_left3A_1021 : i32
      %multiple_of3A_1023 = tpu.assume_multiple %shift_left3A_1022, 128 : i32
      %dma_start3A_1024 = arith.constant 6 : i32
      %dma_start3A_1025 = arith.constant 0 : i32
      %dma_start3A_1026 = arith.constant 0 : i32
      %dma_start3A_1027 = tpu.memref_slice %arg12[%dma_start3A_1024, %dma_start3A_1025, %dma_start3A_1026] : memref<8x8x128xf32, #tpu.memory_space<vmem>> -> memref<1x8x128xf32, #tpu.memory_space<vmem>>
      %dma_start3A_1028 = arith.constant 0 : i32
      %dma_start3A_1029 = tpu.memref_slice %arg2[%dma_start3A_1028, %multiple_of3A_902, %multiple_of3A_1023] : memref<1x2048x100000xf32, #tpu.memory_space<hbm>> -> memref<1x8x128xf32, #tpu.memory_space<hbm>>
      %dma_start3A_1030 = arith.constant 6 : i32
      %dma_start3A_1031 = arith.constant 0 : i32
      %dma_start3A_1032 = arith.constant 0 : i32
      %dma_start3A_1033 = tpu.memref_slice %arg12[%dma_start3A_1030, %dma_start3A_1031, %dma_start3A_1032] : memref<8x8x128xf32, #tpu.memory_space<vmem>> -> memref<1x8x128xf32, #tpu.memory_space<vmem>>
      %dma_start3A_1034 = arith.constant 0 : i32
      %dma_start3A_1035 = tpu.memref_slice %arg2[%dma_start3A_1034, %multiple_of3A_902, %multiple_of3A_1023] : memref<1x2048x100000xf32, #tpu.memory_space<hbm>> -> memref<1x8x128xf32, #tpu.memory_space<hbm>>
      tpu.enqueue_dma source(%dma_start3A_1035 : memref<1x8x128xf32, #tpu.memory_space<hbm>>) target(%dma_start3A_1033 : memref<1x8x128xf32, #tpu.memory_space<vmem>>) target_semaphore(%arg15 : memref<!tpu.dma_semaphore, #tpu.memory_space<semaphore_mem>>)
      %slice3A_1036 = vector.extract_strided_slice %get3A_883 {offsets = [15], sizes = [1], strides = [1]} : vector<16xi32> to vector<1xi32>
      %squeeze3A_1037 = vector.extract %slice3A_1036[0] : i32 from vector<1xi32>
      %shift_right_arithmetic3A_1038 = arith.constant 7 : i32
      %shift_right_arithmetic3A_1039 = arith.shrsi %squeeze3A_1037, %shift_right_arithmetic3A_1038 : i32
      %shift_left3A_1040 = arith.constant 7 : i32
      %shift_left3A_1041 = arith.shli %shift_right_arithmetic3A_1039, %shift_left3A_1040 : i32
      %multiple_of3A_1042 = tpu.assume_multiple %shift_left3A_1041, 128 : i32
      %dma_start3A_1043 = arith.constant 7 : i32
      %dma_start3A_1044 = arith.constant 0 : i32
      %dma_start3A_1045 = arith.constant 0 : i32
      %dma_start3A_1046 = tpu.memref_slice %arg12[%dma_start3A_1043, %dma_start3A_1044, %dma_start3A_1045] : memref<8x8x128xf32, #tpu.memory_space<vmem>> -> memref<1x8x128xf32, #tpu.memory_space<vmem>>
      %dma_start3A_1047 = arith.constant 0 : i32
      %dma_start3A_1048 = tpu.memref_slice %arg2[%dma_start3A_1047, %multiple_of3A_902, %multiple_of3A_1042] : memref<1x2048x100000xf32, #tpu.memory_space<hbm>> -> memref<1x8x128xf32, #tpu.memory_space<hbm>>
      %dma_start3A_1049 = arith.constant 7 : i32
      %dma_start3A_1050 = arith.constant 0 : i32
      %dma_start3A_1051 = arith.constant 0 : i32
      %dma_start3A_1052 = tpu.memref_slice %arg12[%dma_start3A_1049, %dma_start3A_1050, %dma_start3A_1051] : memref<8x8x128xf32, #tpu.memory_space<vmem>> -> memref<1x8x128xf32, #tpu.memory_space<vmem>>
      %dma_start3A_1053 = arith.constant 0 : i32
      %dma_start3A_1054 = tpu.memref_slice %arg2[%dma_start3A_1053, %multiple_of3A_902, %multiple_of3A_1042] : memref<1x2048x100000xf32, #tpu.memory_space<hbm>> -> memref<1x8x128xf32, #tpu.memory_space<hbm>>
      tpu.enqueue_dma source(%dma_start3A_1054 : memref<1x8x128xf32, #tpu.memory_space<hbm>>) target(%dma_start3A_1052 : memref<1x8x128xf32, #tpu.memory_space<vmem>>) target_semaphore(%arg15 : memref<!tpu.dma_semaphore, #tpu.memory_space<semaphore_mem>>)
      %multiple_of3A_1055 = arith.constant 0 : i32
      %multiple_of3A_1056 = tpu.assume_multiple %multiple_of3A_1055, 8 : i32
      %multiple_of3A_1057 = arith.constant 0 : i32
      %multiple_of3A_1058 = tpu.assume_multiple %multiple_of3A_1057, 128 : i32
      %dma_wait3A = arith.constant 0 : i32
      %dma_wait3A_1059 = arith.constant 0 : i32
      %dma_wait3A_1060 = arith.constant 0 : i32
      %dma_wait3A_1061 = tpu.memref_slice %arg11[%dma_wait3A, %dma_wait3A_1059, %dma_wait3A_1060] : memref<8x8x128xf32, #tpu.memory_space<vmem>> -> memref<1x8x128xf32, #tpu.memory_space<vmem>>
      %dma_wait3A_1062 = arith.constant 0 : i32
      %dma_wait3A_1063 = tpu.memref_slice %arg2[%dma_wait3A_1062, %multiple_of3A_1056, %multiple_of3A_1058] : memref<1x2048x100000xf32, #tpu.memory_space<hbm>> -> memref<1x8x128xf32, #tpu.memory_space<hbm>>
      %dma_wait3A_1064 = arith.constant 0 : i32
      %dma_wait3A_1065 = arith.constant 0 : i32
      %dma_wait3A_1066 = arith.constant 0 : i32
      %dma_wait3A_1067 = tpu.memref_slice %arg11[%dma_wait3A_1064, %dma_wait3A_1065, %dma_wait3A_1066] : memref<8x8x128xf32, #tpu.memory_space<vmem>> -> memref<1x8x128xf32, #tpu.memory_space<vmem>>
      %dma_wait3A_1068 = arith.constant 0 : i32
      %dma_wait3A_1069 = tpu.memref_slice %arg2[%dma_wait3A_1068, %multiple_of3A_1056, %multiple_of3A_1058] : memref<1x2048x100000xf32, #tpu.memory_space<hbm>> -> memref<1x8x128xf32, #tpu.memory_space<hbm>>
      tpu.wait_dma2 semaphore(%arg14 : memref<!tpu.dma_semaphore, #tpu.memory_space<semaphore_mem>>) src(%dma_wait3A_1069 : memref<1x8x128xf32, #tpu.memory_space<hbm>>) dst(%dma_wait3A_1067 : memref<1x8x128xf32, #tpu.memory_space<vmem>>)
      %multiple_of3A_1070 = arith.constant 0 : i32
      %multiple_of3A_1071 = tpu.assume_multiple %multiple_of3A_1070, 8 : i32
      %multiple_of3A_1072 = arith.constant 0 : i32
      %multiple_of3A_1073 = tpu.assume_multiple %multiple_of3A_1072, 128 : i32
      %dma_wait3A_1074 = arith.constant 1 : i32
      %dma_wait3A_1075 = arith.constant 0 : i32
      %dma_wait3A_1076 = arith.constant 0 : i32
      %dma_wait3A_1077 = tpu.memref_slice %arg11[%dma_wait3A_1074, %dma_wait3A_1075, %dma_wait3A_1076] : memref<8x8x128xf32, #tpu.memory_space<vmem>> -> memref<1x8x128xf32, #tpu.memory_space<vmem>>
      %dma_wait3A_1078 = arith.constant 0 : i32
      %dma_wait3A_1079 = tpu.memref_slice %arg2[%dma_wait3A_1078, %multiple_of3A_1071, %multiple_of3A_1073] : memref<1x2048x100000xf32, #tpu.memory_space<hbm>> -> memref<1x8x128xf32, #tpu.memory_space<hbm>>
      %dma_wait3A_1080 = arith.constant 1 : i32
      %dma_wait3A_1081 = arith.constant 0 : i32
      %dma_wait3A_1082 = arith.constant 0 : i32
      %dma_wait3A_1083 = tpu.memref_slice %arg11[%dma_wait3A_1080, %dma_wait3A_1081, %dma_wait3A_1082] : memref<8x8x128xf32, #tpu.memory_space<vmem>> -> memref<1x8x128xf32, #tpu.memory_space<vmem>>
      %dma_wait3A_1084 = arith.constant 0 : i32
      %dma_wait3A_1085 = tpu.memref_slice %arg2[%dma_wait3A_1084, %multiple_of3A_1071, %multiple_of3A_1073] : memref<1x2048x100000xf32, #tpu.memory_space<hbm>> -> memref<1x8x128xf32, #tpu.memory_space<hbm>>
      tpu.wait_dma2 semaphore(%arg14 : memref<!tpu.dma_semaphore, #tpu.memory_space<semaphore_mem>>) src(%dma_wait3A_1085 : memref<1x8x128xf32, #tpu.memory_space<hbm>>) dst(%dma_wait3A_1083 : memref<1x8x128xf32, #tpu.memory_space<vmem>>)
      %multiple_of3A_1086 = arith.constant 0 : i32
      %multiple_of3A_1087 = tpu.assume_multiple %multiple_of3A_1086, 8 : i32
      %multiple_of3A_1088 = arith.constant 0 : i32
      %multiple_of3A_1089 = tpu.assume_multiple %multiple_of3A_1088, 128 : i32
      %dma_wait3A_1090 = arith.constant 2 : i32
      %dma_wait3A_1091 = arith.constant 0 : i32
      %dma_wait3A_1092 = arith.constant 0 : i32
      %dma_wait3A_1093 = tpu.memref_slice %arg11[%dma_wait3A_1090, %dma_wait3A_1091, %dma_wait3A_1092] : memref<8x8x128xf32, #tpu.memory_space<vmem>> -> memref<1x8x128xf32, #tpu.memory_space<vmem>>
      %dma_wait3A_1094 = arith.constant 0 : i32
      %dma_wait3A_1095 = tpu.memref_slice %arg2[%dma_wait3A_1094, %multiple_of3A_1087, %multiple_of3A_1089] : memref<1x2048x100000xf32, #tpu.memory_space<hbm>> -> memref<1x8x128xf32, #tpu.memory_space<hbm>>
      %dma_wait3A_1096 = arith.constant 2 : i32
      %dma_wait3A_1097 = arith.constant 0 : i32
      %dma_wait3A_1098 = arith.constant 0 : i32
      %dma_wait3A_1099 = tpu.memref_slice %arg11[%dma_wait3A_1096, %dma_wait3A_1097, %dma_wait3A_1098] : memref<8x8x128xf32, #tpu.memory_space<vmem>> -> memref<1x8x128xf32, #tpu.memory_space<vmem>>
      %dma_wait3A_1100 = arith.constant 0 : i32
      %dma_wait3A_1101 = tpu.memref_slice %arg2[%dma_wait3A_1100, %multiple_of3A_1087, %multiple_of3A_1089] : memref<1x2048x100000xf32, #tpu.memory_space<hbm>> -> memref<1x8x128xf32, #tpu.memory_space<hbm>>
      tpu.wait_dma2 semaphore(%arg14 : memref<!tpu.dma_semaphore, #tpu.memory_space<semaphore_mem>>) src(%dma_wait3A_1101 : memref<1x8x128xf32, #tpu.memory_space<hbm>>) dst(%dma_wait3A_1099 : memref<1x8x128xf32, #tpu.memory_space<vmem>>)
      %multiple_of3A_1102 = arith.constant 0 : i32
      %multiple_of3A_1103 = tpu.assume_multiple %multiple_of3A_1102, 8 : i32
      %multiple_of3A_1104 = arith.constant 0 : i32
      %multiple_of3A_1105 = tpu.assume_multiple %multiple_of3A_1104, 128 : i32
      %dma_wait3A_1106 = arith.constant 3 : i32
      %dma_wait3A_1107 = arith.constant 0 : i32
      %dma_wait3A_1108 = arith.constant 0 : i32
      %dma_wait3A_1109 = tpu.memref_slice %arg11[%dma_wait3A_1106, %dma_wait3A_1107, %dma_wait3A_1108] : memref<8x8x128xf32, #tpu.memory_space<vmem>> -> memref<1x8x128xf32, #tpu.memory_space<vmem>>
      %dma_wait3A_1110 = arith.constant 0 : i32
      %dma_wait3A_1111 = tpu.memref_slice %arg2[%dma_wait3A_1110, %multiple_of3A_1103, %multiple_of3A_1105] : memref<1x2048x100000xf32, #tpu.memory_space<hbm>> -> memref<1x8x128xf32, #tpu.memory_space<hbm>>
      %dma_wait3A_1112 = arith.constant 3 : i32
      %dma_wait3A_1113 = arith.constant 0 : i32
      %dma_wait3A_1114 = arith.constant 0 : i32
      %dma_wait3A_1115 = tpu.memref_slice %arg11[%dma_wait3A_1112, %dma_wait3A_1113, %dma_wait3A_1114] : memref<8x8x128xf32, #tpu.memory_space<vmem>> -> memref<1x8x128xf32, #tpu.memory_space<vmem>>
      %dma_wait3A_1116 = arith.constant 0 : i32
      %dma_wait3A_1117 = tpu.memref_slice %arg2[%dma_wait3A_1116, %multiple_of3A_1103, %multiple_of3A_1105] : memref<1x2048x100000xf32, #tpu.memory_space<hbm>> -> memref<1x8x128xf32, #tpu.memory_space<hbm>>
      tpu.wait_dma2 semaphore(%arg14 : memref<!tpu.dma_semaphore, #tpu.memory_space<semaphore_mem>>) src(%dma_wait3A_1117 : memref<1x8x128xf32, #tpu.memory_space<hbm>>) dst(%dma_wait3A_1115 : memref<1x8x128xf32, #tpu.memory_space<vmem>>)
      %multiple_of3A_1118 = arith.constant 0 : i32
      %multiple_of3A_1119 = tpu.assume_multiple %multiple_of3A_1118, 8 : i32
      %multiple_of3A_1120 = arith.constant 0 : i32
      %multiple_of3A_1121 = tpu.assume_multiple %multiple_of3A_1120, 128 : i32
      %dma_wait3A_1122 = arith.constant 4 : i32
      %dma_wait3A_1123 = arith.constant 0 : i32
      %dma_wait3A_1124 = arith.constant 0 : i32
      %dma_wait3A_1125 = tpu.memref_slice %arg11[%dma_wait3A_1122, %dma_wait3A_1123, %dma_wait3A_1124] : memref<8x8x128xf32, #tpu.memory_space<vmem>> -> memref<1x8x128xf32, #tpu.memory_space<vmem>>
      %dma_wait3A_1126 = arith.constant 0 : i32
      %dma_wait3A_1127 = tpu.memref_slice %arg2[%dma_wait3A_1126, %multiple_of3A_1119, %multiple_of3A_1121] : memref<1x2048x100000xf32, #tpu.memory_space<hbm>> -> memref<1x8x128xf32, #tpu.memory_space<hbm>>
      %dma_wait3A_1128 = arith.constant 4 : i32
      %dma_wait3A_1129 = arith.constant 0 : i32
      %dma_wait3A_1130 = arith.constant 0 : i32
      %dma_wait3A_1131 = tpu.memref_slice %arg11[%dma_wait3A_1128, %dma_wait3A_1129, %dma_wait3A_1130] : memref<8x8x128xf32, #tpu.memory_space<vmem>> -> memref<1x8x128xf32, #tpu.memory_space<vmem>>
      %dma_wait3A_1132 = arith.constant 0 : i32
      %dma_wait3A_1133 = tpu.memref_slice %arg2[%dma_wait3A_1132, %multiple_of3A_1119, %multiple_of3A_1121] : memref<1x2048x100000xf32, #tpu.memory_space<hbm>> -> memref<1x8x128xf32, #tpu.memory_space<hbm>>
      tpu.wait_dma2 semaphore(%arg14 : memref<!tpu.dma_semaphore, #tpu.memory_space<semaphore_mem>>) src(%dma_wait3A_1133 : memref<1x8x128xf32, #tpu.memory_space<hbm>>) dst(%dma_wait3A_1131 : memref<1x8x128xf32, #tpu.memory_space<vmem>>)
      %multiple_of3A_1134 = arith.constant 0 : i32
      %multiple_of3A_1135 = tpu.assume_multiple %multiple_of3A_1134, 8 : i32
      %multiple_of3A_1136 = arith.constant 0 : i32
      %multiple_of3A_1137 = tpu.assume_multiple %multiple_of3A_1136, 128 : i32
      %dma_wait3A_1138 = arith.constant 5 : i32
      %dma_wait3A_1139 = arith.constant 0 : i32
      %dma_wait3A_1140 = arith.constant 0 : i32
      %dma_wait3A_1141 = tpu.memref_slice %arg11[%dma_wait3A_1138, %dma_wait3A_1139, %dma_wait3A_1140] : memref<8x8x128xf32, #tpu.memory_space<vmem>> -> memref<1x8x128xf32, #tpu.memory_space<vmem>>
      %dma_wait3A_1142 = arith.constant 0 : i32
      %dma_wait3A_1143 = tpu.memref_slice %arg2[%dma_wait3A_1142, %multiple_of3A_1135, %multiple_of3A_1137] : memref<1x2048x100000xf32, #tpu.memory_space<hbm>> -> memref<1x8x128xf32, #tpu.memory_space<hbm>>
      %dma_wait3A_1144 = arith.constant 5 : i32
      %dma_wait3A_1145 = arith.constant 0 : i32
      %dma_wait3A_1146 = arith.constant 0 : i32
      %dma_wait3A_1147 = tpu.memref_slice %arg11[%dma_wait3A_1144, %dma_wait3A_1145, %dma_wait3A_1146] : memref<8x8x128xf32, #tpu.memory_space<vmem>> -> memref<1x8x128xf32, #tpu.memory_space<vmem>>
      %dma_wait3A_1148 = arith.constant 0 : i32
      %dma_wait3A_1149 = tpu.memref_slice %arg2[%dma_wait3A_1148, %multiple_of3A_1135, %multiple_of3A_1137] : memref<1x2048x100000xf32, #tpu.memory_space<hbm>> -> memref<1x8x128xf32, #tpu.memory_space<hbm>>
      tpu.wait_dma2 semaphore(%arg14 : memref<!tpu.dma_semaphore, #tpu.memory_space<semaphore_mem>>) src(%dma_wait3A_1149 : memref<1x8x128xf32, #tpu.memory_space<hbm>>) dst(%dma_wait3A_1147 : memref<1x8x128xf32, #tpu.memory_space<vmem>>)
      %multiple_of3A_1150 = arith.constant 0 : i32
      %multiple_of3A_1151 = tpu.assume_multiple %multiple_of3A_1150, 8 : i32
      %multiple_of3A_1152 = arith.constant 0 : i32
      %multiple_of3A_1153 = tpu.assume_multiple %multiple_of3A_1152, 128 : i32
      %dma_wait3A_1154 = arith.constant 6 : i32
      %dma_wait3A_1155 = arith.constant 0 : i32
      %dma_wait3A_1156 = arith.constant 0 : i32
      %dma_wait3A_1157 = tpu.memref_slice %arg11[%dma_wait3A_1154, %dma_wait3A_1155, %dma_wait3A_1156] : memref<8x8x128xf32, #tpu.memory_space<vmem>> -> memref<1x8x128xf32, #tpu.memory_space<vmem>>
      %dma_wait3A_1158 = arith.constant 0 : i32
      %dma_wait3A_1159 = tpu.memref_slice %arg2[%dma_wait3A_1158, %multiple_of3A_1151, %multiple_of3A_1153] : memref<1x2048x100000xf32, #tpu.memory_space<hbm>> -> memref<1x8x128xf32, #tpu.memory_space<hbm>>
      %dma_wait3A_1160 = arith.constant 6 : i32
      %dma_wait3A_1161 = arith.constant 0 : i32
      %dma_wait3A_1162 = arith.constant 0 : i32
      %dma_wait3A_1163 = tpu.memref_slice %arg11[%dma_wait3A_1160, %dma_wait3A_1161, %dma_wait3A_1162] : memref<8x8x128xf32, #tpu.memory_space<vmem>> -> memref<1x8x128xf32, #tpu.memory_space<vmem>>
      %dma_wait3A_1164 = arith.constant 0 : i32
      %dma_wait3A_1165 = tpu.memref_slice %arg2[%dma_wait3A_1164, %multiple_of3A_1151, %multiple_of3A_1153] : memref<1x2048x100000xf32, #tpu.memory_space<hbm>> -> memref<1x8x128xf32, #tpu.memory_space<hbm>>
      tpu.wait_dma2 semaphore(%arg14 : memref<!tpu.dma_semaphore, #tpu.memory_space<semaphore_mem>>) src(%dma_wait3A_1165 : memref<1x8x128xf32, #tpu.memory_space<hbm>>) dst(%dma_wait3A_1163 : memref<1x8x128xf32, #tpu.memory_space<vmem>>)
      %multiple_of3A_1166 = arith.constant 0 : i32
      %multiple_of3A_1167 = tpu.assume_multiple %multiple_of3A_1166, 8 : i32
      %multiple_of3A_1168 = arith.constant 0 : i32
      %multiple_of3A_1169 = tpu.assume_multiple %multiple_of3A_1168, 128 : i32
      %dma_wait3A_1170 = arith.constant 7 : i32
      %dma_wait3A_1171 = arith.constant 0 : i32
      %dma_wait3A_1172 = arith.constant 0 : i32
      %dma_wait3A_1173 = tpu.memref_slice %arg11[%dma_wait3A_1170, %dma_wait3A_1171, %dma_wait3A_1172] : memref<8x8x128xf32, #tpu.memory_space<vmem>> -> memref<1x8x128xf32, #tpu.memory_space<vmem>>
      %dma_wait3A_1174 = arith.constant 0 : i32
      %dma_wait3A_1175 = tpu.memref_slice %arg2[%dma_wait3A_1174, %multiple_of3A_1167, %multiple_of3A_1169] : memref<1x2048x100000xf32, #tpu.memory_space<hbm>> -> memref<1x8x128xf32, #tpu.memory_space<hbm>>
      %dma_wait3A_1176 = arith.constant 7 : i32
      %dma_wait3A_1177 = arith.constant 0 : i32
      %dma_wait3A_1178 = arith.constant 0 : i32
      %dma_wait3A_1179 = tpu.memref_slice %arg11[%dma_wait3A_1176, %dma_wait3A_1177, %dma_wait3A_1178] : memref<8x8x128xf32, #tpu.memory_space<vmem>> -> memref<1x8x128xf32, #tpu.memory_space<vmem>>
      %dma_wait3A_1180 = arith.constant 0 : i32
      %dma_wait3A_1181 = tpu.memref_slice %arg2[%dma_wait3A_1180, %multiple_of3A_1167, %multiple_of3A_1169] : memref<1x2048x100000xf32, #tpu.memory_space<hbm>> -> memref<1x8x128xf32, #tpu.memory_space<hbm>>
      tpu.wait_dma2 semaphore(%arg14 : memref<!tpu.dma_semaphore, #tpu.memory_space<semaphore_mem>>) src(%dma_wait3A_1181 : memref<1x8x128xf32, #tpu.memory_space<hbm>>) dst(%dma_wait3A_1179 : memref<1x8x128xf32, #tpu.memory_space<vmem>>)
      %and3A_1182 = arith.constant 7 : i32
      %and3A_1183 = arith.andi %add3A_895, %and3A_1182 : i32
      %slice3A_1184 = vector.extract_strided_slice %get3A_883 {offsets = [0], sizes = [1], strides = [1]} : vector<16xi32> to vector<1xi32>
      %squeeze3A_1185 = vector.extract %slice3A_1184[0] : i32 from vector<1xi32>
      %shift_right_arithmetic3A_1186 = arith.constant 4 : i32
      %shift_right_arithmetic3A_1187 = arith.shrsi %squeeze3A_1185, %shift_right_arithmetic3A_1186 : i32
      %shift_left3A_1188 = arith.constant 4 : i32
      %shift_left3A_1189 = arith.shli %shift_right_arithmetic3A_1187, %shift_left3A_1188 : i32
      %shift_right_arithmetic3A_1190 = arith.constant 7 : i32
      %shift_right_arithmetic3A_1191 = arith.shrsi %squeeze3A_1185, %shift_right_arithmetic3A_1190 : i32
      %shift_left3A_1192 = arith.constant 7 : i32
      %shift_left3A_1193 = arith.shli %shift_right_arithmetic3A_1191, %shift_left3A_1192 : i32
      %sub3A = arith.subi %shift_left3A_1189, %shift_left3A_1193 : i32
      %get3A_1194 = arith.constant 0 : i32
      %get3A_1195 = arith.index_cast %get3A_1194 : i32 to index
      %get3A_1196 = arith.index_cast %and3A_1183 : i32 to index
      %get3A_1197 = arith.index_cast %sub3A : i32 to index
      %get3A_1198 = tpu.vector_load %arg11[%get3A_1195, %get3A_1196, %get3A_1197] {strides = array<i32>} : memref<8x8x128xf32, #tpu.memory_space<vmem>>, vector<16xf32>,
      %and3A_1199 = arith.constant 15 : i32
      %and3A_1200 = arith.andi %squeeze3A_1185, %and3A_1199 : i32
      %broadcast_in_dim3A_1201 = vector.broadcast %and3A_1200 : i32 to vector<16xi32>
      %slice3A_1202 = vector.extract_strided_slice %get3A_892 {offsets = [0], sizes = [1], strides = [1]} : vector<16xf32> to vector<1xf32>
      %squeeze3A_1203 = vector.extract %slice3A_1202[0] : f32 from vector<1xf32>
      %broadcast_in_dim3A_1204 = vector.broadcast %squeeze3A_1203 : f32 to vector<16xf32>
      %eq3A_1205 = arith.cmpi eq, %iota3A, %broadcast_in_dim3A_1201 : vector<16xi32>
      %mul3A_1206 = arith.mulf %get3A_1198, %broadcast_in_dim3A_1204 : vector<16xf32>
      %broadcast_in_dim3A_1207 = arith.constant 0.000000e+00 : f32
      %broadcast_in_dim3A_1208 = vector.broadcast %broadcast_in_dim3A_1207 : f32 to vector<16xf32>
      %select_n3A_1209 = arith.select %eq3A_1205, %mul3A_1206, %broadcast_in_dim3A_1208 : vector<16xi1>, vector<16xf32>
      %add3A_1210 = arith.addf %scan3A_875, %select_n3A_1209 : vector<16xf32>
      %slice3A_1211 = vector.extract_strided_slice %get3A_883 {offsets = [1], sizes = [1], strides = [1]} : vector<16xi32> to vector<1xi32>
      %squeeze3A_1212 = vector.extract %slice3A_1211[0] : i32 from vector<1xi32>
      %shift_right_arithmetic3A_1213 = arith.constant 4 : i32
      %shift_right_arithmetic3A_1214 = arith.shrsi %squeeze3A_1212, %shift_right_arithmetic3A_1213 : i32
      %shift_left3A_1215 = arith.constant 4 : i32
      %shift_left3A_1216 = arith.shli %shift_right_arithmetic3A_1214, %shift_left3A_1215 : i32
      %shift_right_arithmetic3A_1217 = arith.constant 7 : i32
      %shift_right_arithmetic3A_1218 = arith.shrsi %squeeze3A_1212, %shift_right_arithmetic3A_1217 : i32
      %shift_left3A_1219 = arith.constant 7 : i32
      %shift_left3A_1220 = arith.shli %shift_right_arithmetic3A_1218, %shift_left3A_1219 : i32
      %sub3A_1221 = arith.subi %shift_left3A_1216, %shift_left3A_1220 : i32
      %get3A_1222 = arith.constant 1 : i32
      %get3A_1223 = arith.index_cast %get3A_1222 : i32 to index
      %get3A_1224 = arith.index_cast %and3A_1183 : i32 to index
      %get3A_1225 = arith.index_cast %sub3A_1221 : i32 to index
      %get3A_1226 = tpu.vector_load %arg11[%get3A_1223, %get3A_1224, %get3A_1225] {strides = array<i32>} : memref<8x8x128xf32, #tpu.memory_space<vmem>>, vector<16xf32>,
      %and3A_1227 = arith.constant 15 : i32
      %and3A_1228 = arith.andi %squeeze3A_1212, %and3A_1227 : i32
      %broadcast_in_dim3A_1229 = vector.broadcast %and3A_1228 : i32 to vector<16xi32>
      %slice3A_1230 = vector.extract_strided_slice %get3A_892 {offsets = [1], sizes = [1], strides = [1]} : vector<16xf32> to vector<1xf32>
      %squeeze3A_1231 = vector.extract %slice3A_1230[0] : f32 from vector<1xf32>
      %broadcast_in_dim3A_1232 = vector.broadcast %squeeze3A_1231 : f32 to vector<16xf32>
      %eq3A_1233 = arith.cmpi eq, %iota3A, %broadcast_in_dim3A_1229 : vector<16xi32>
      %mul3A_1234 = arith.mulf %get3A_1226, %broadcast_in_dim3A_1232 : vector<16xf32>
      %broadcast_in_dim3A_1235 = arith.constant 0.000000e+00 : f32
      %broadcast_in_dim3A_1236 = vector.broadcast %broadcast_in_dim3A_1235 : f32 to vector<16xf32>
      %select_n3A_1237 = arith.select %eq3A_1233, %mul3A_1234, %broadcast_in_dim3A_1236 : vector<16xi1>, vector<16xf32>
      %add3A_1238 = arith.addf %add3A_1210, %select_n3A_1237 : vector<16xf32>
      %slice3A_1239 = vector.extract_strided_slice %get3A_883 {offsets = [2], sizes = [1], strides = [1]} : vector<16xi32> to vector<1xi32>
      %squeeze3A_1240 = vector.extract %slice3A_1239[0] : i32 from vector<1xi32>
      %shift_right_arithmetic3A_1241 = arith.constant 4 : i32
      %shift_right_arithmetic3A_1242 = arith.shrsi %squeeze3A_1240, %shift_right_arithmetic3A_1241 : i32
      %shift_left3A_1243 = arith.constant 4 : i32
      %shift_left3A_1244 = arith.shli %shift_right_arithmetic3A_1242, %shift_left3A_1243 : i32
      %shift_right_arithmetic3A_1245 = arith.constant 7 : i32
      %shift_right_arithmetic3A_1246 = arith.shrsi %squeeze3A_1240, %shift_right_arithmetic3A_1245 : i32
      %shift_left3A_1247 = arith.constant 7 : i32
      %shift_left3A_1248 = arith.shli %shift_right_arithmetic3A_1246, %shift_left3A_1247 : i32
      %sub3A_1249 = arith.subi %shift_left3A_1244, %shift_left3A_1248 : i32
      %get3A_1250 = arith.constant 2 : i32
      %get3A_1251 = arith.index_cast %get3A_1250 : i32 to index
      %get3A_1252 = arith.index_cast %and3A_1183 : i32 to index
      %get3A_1253 = arith.index_cast %sub3A_1249 : i32 to index
      %get3A_1254 = tpu.vector_load %arg11[%get3A_1251, %get3A_1252, %get3A_1253] {strides = array<i32>} : memref<8x8x128xf32, #tpu.memory_space<vmem>>, vector<16xf32>,
      %and3A_1255 = arith.constant 15 : i32
      %and3A_1256 = arith.andi %squeeze3A_1240, %and3A_1255 : i32
      %broadcast_in_dim3A_1257 = vector.broadcast %and3A_1256 : i32 to vector<16xi32>
      %slice3A_1258 = vector.extract_strided_slice %get3A_892 {offsets = [2], sizes = [1], strides = [1]} : vector<16xf32> to vector<1xf32>
      %squeeze3A_1259 = vector.extract %slice3A_1258[0] : f32 from vector<1xf32>
      %broadcast_in_dim3A_1260 = vector.broadcast %squeeze3A_1259 : f32 to vector<16xf32>
      %eq3A_1261 = arith.cmpi eq, %iota3A, %broadcast_in_dim3A_1257 : vector<16xi32>
      %mul3A_1262 = arith.mulf %get3A_1254, %broadcast_in_dim3A_1260 : vector<16xf32>
      %broadcast_in_dim3A_1263 = arith.constant 0.000000e+00 : f32
      %broadcast_in_dim3A_1264 = vector.broadcast %broadcast_in_dim3A_1263 : f32 to vector<16xf32>
      %select_n3A_1265 = arith.select %eq3A_1261, %mul3A_1262, %broadcast_in_dim3A_1264 : vector<16xi1>, vector<16xf32>
      %add3A_1266 = arith.addf %add3A_1238, %select_n3A_1265 : vector<16xf32>
      %slice3A_1267 = vector.extract_strided_slice %get3A_883 {offsets = [3], sizes = [1], strides = [1]} : vector<16xi32> to vector<1xi32>
      %squeeze3A_1268 = vector.extract %slice3A_1267[0] : i32 from vector<1xi32>
      %shift_right_arithmetic3A_1269 = arith.constant 4 : i32
      %shift_right_arithmetic3A_1270 = arith.shrsi %squeeze3A_1268, %shift_right_arithmetic3A_1269 : i32
      %shift_left3A_1271 = arith.constant 4 : i32
      %shift_left3A_1272 = arith.shli %shift_right_arithmetic3A_1270, %shift_left3A_1271 : i32
      %shift_right_arithmetic3A_1273 = arith.constant 7 : i32
      %shift_right_arithmetic3A_1274 = arith.shrsi %squeeze3A_1268, %shift_right_arithmetic3A_1273 : i32
      %shift_left3A_1275 = arith.constant 7 : i32
      %shift_left3A_1276 = arith.shli %shift_right_arithmetic3A_1274, %shift_left3A_1275 : i32
      %sub3A_1277 = arith.subi %shift_left3A_1272, %shift_left3A_1276 : i32
      %get3A_1278 = arith.constant 3 : i32
      %get3A_1279 = arith.index_cast %get3A_1278 : i32 to index
      %get3A_1280 = arith.index_cast %and3A_1183 : i32 to index
      %get3A_1281 = arith.index_cast %sub3A_1277 : i32 to index
      %get3A_1282 = tpu.vector_load %arg11[%get3A_1279, %get3A_1280, %get3A_1281] {strides = array<i32>} : memref<8x8x128xf32, #tpu.memory_space<vmem>>, vector<16xf32>,
      %and3A_1283 = arith.constant 15 : i32
      %and3A_1284 = arith.andi %squeeze3A_1268, %and3A_1283 : i32
      %broadcast_in_dim3A_1285 = vector.broadcast %and3A_1284 : i32 to vector<16xi32>
      %slice3A_1286 = vector.extract_strided_slice %get3A_892 {offsets = [3], sizes = [1], strides = [1]} : vector<16xf32> to vector<1xf32>
      %squeeze3A_1287 = vector.extract %slice3A_1286[0] : f32 from vector<1xf32>
      %broadcast_in_dim3A_1288 = vector.broadcast %squeeze3A_1287 : f32 to vector<16xf32>
      %eq3A_1289 = arith.cmpi eq, %iota3A, %broadcast_in_dim3A_1285 : vector<16xi32>
      %mul3A_1290 = arith.mulf %get3A_1282, %broadcast_in_dim3A_1288 : vector<16xf32>
      %broadcast_in_dim3A_1291 = arith.constant 0.000000e+00 : f32
      %broadcast_in_dim3A_1292 = vector.broadcast %broadcast_in_dim3A_1291 : f32 to vector<16xf32>
      %select_n3A_1293 = arith.select %eq3A_1289, %mul3A_1290, %broadcast_in_dim3A_1292 : vector<16xi1>, vector<16xf32>
      %add3A_1294 = arith.addf %add3A_1266, %select_n3A_1293 : vector<16xf32>
      %slice3A_1295 = vector.extract_strided_slice %get3A_883 {offsets = [4], sizes = [1], strides = [1]} : vector<16xi32> to vector<1xi32>
      %squeeze3A_1296 = vector.extract %slice3A_1295[0] : i32 from vector<1xi32>
      %shift_right_arithmetic3A_1297 = arith.constant 4 : i32
      %shift_right_arithmetic3A_1298 = arith.shrsi %squeeze3A_1296, %shift_right_arithmetic3A_1297 : i32
      %shift_left3A_1299 = arith.constant 4 : i32
      %shift_left3A_1300 = arith.shli %shift_right_arithmetic3A_1298, %shift_left3A_1299 : i32
      %shift_right_arithmetic3A_1301 = arith.constant 7 : i32
      %shift_right_arithmetic3A_1302 = arith.shrsi %squeeze3A_1296, %shift_right_arithmetic3A_1301 : i32
      %shift_left3A_1303 = arith.constant 7 : i32
      %shift_left3A_1304 = arith.shli %shift_right_arithmetic3A_1302, %shift_left3A_1303 : i32
      %sub3A_1305 = arith.subi %shift_left3A_1300, %shift_left3A_1304 : i32
      %get3A_1306 = arith.constant 4 : i32
      %get3A_1307 = arith.index_cast %get3A_1306 : i32 to index
      %get3A_1308 = arith.index_cast %and3A_1183 : i32 to index
      %get3A_1309 = arith.index_cast %sub3A_1305 : i32 to index
      %get3A_1310 = tpu.vector_load %arg11[%get3A_1307, %get3A_1308, %get3A_1309] {strides = array<i32>} : memref<8x8x128xf32, #tpu.memory_space<vmem>>, vector<16xf32>,
      %and3A_1311 = arith.constant 15 : i32
      %and3A_1312 = arith.andi %squeeze3A_1296, %and3A_1311 : i32
      %broadcast_in_dim3A_1313 = vector.broadcast %and3A_1312 : i32 to vector<16xi32>
      %slice3A_1314 = vector.extract_strided_slice %get3A_892 {offsets = [4], sizes = [1], strides = [1]} : vector<16xf32> to vector<1xf32>
      %squeeze3A_1315 = vector.extract %slice3A_1314[0] : f32 from vector<1xf32>
      %broadcast_in_dim3A_1316 = vector.broadcast %squeeze3A_1315 : f32 to vector<16xf32>
      %eq3A_1317 = arith.cmpi eq, %iota3A, %broadcast_in_dim3A_1313 : vector<16xi32>
      %mul3A_1318 = arith.mulf %get3A_1310, %broadcast_in_dim3A_1316 : vector<16xf32>
      %broadcast_in_dim3A_1319 = arith.constant 0.000000e+00 : f32
      %broadcast_in_dim3A_1320 = vector.broadcast %broadcast_in_dim3A_1319 : f32 to vector<16xf32>
      %select_n3A_1321 = arith.select %eq3A_1317, %mul3A_1318, %broadcast_in_dim3A_1320 : vector<16xi1>, vector<16xf32>
      %add3A_1322 = arith.addf %add3A_1294, %select_n3A_1321 : vector<16xf32>
      %slice3A_1323 = vector.extract_strided_slice %get3A_883 {offsets = [5], sizes = [1], strides = [1]} : vector<16xi32> to vector<1xi32>
      %squeeze3A_1324 = vector.extract %slice3A_1323[0] : i32 from vector<1xi32>
      %shift_right_arithmetic3A_1325 = arith.constant 4 : i32
      %shift_right_arithmetic3A_1326 = arith.shrsi %squeeze3A_1324, %shift_right_arithmetic3A_1325 : i32
      %shift_left3A_1327 = arith.constant 4 : i32
      %shift_left3A_1328 = arith.shli %shift_right_arithmetic3A_1326, %shift_left3A_1327 : i32
      %shift_right_arithmetic3A_1329 = arith.constant 7 : i32
      %shift_right_arithmetic3A_1330 = arith.shrsi %squeeze3A_1324, %shift_right_arithmetic3A_1329 : i32
      %shift_left3A_1331 = arith.constant 7 : i32
      %shift_left3A_1332 = arith.shli %shift_right_arithmetic3A_1330, %shift_left3A_1331 : i32
      %sub3A_1333 = arith.subi %shift_left3A_1328, %shift_left3A_1332 : i32
      %get3A_1334 = arith.constant 5 : i32
      %get3A_1335 = arith.index_cast %get3A_1334 : i32 to index
      %get3A_1336 = arith.index_cast %and3A_1183 : i32 to index
      %get3A_1337 = arith.index_cast %sub3A_1333 : i32 to index
      %get3A_1338 = tpu.vector_load %arg11[%get3A_1335, %get3A_1336, %get3A_1337] {strides = array<i32>} : memref<8x8x128xf32, #tpu.memory_space<vmem>>, vector<16xf32>,
      %and3A_1339 = arith.constant 15 : i32
      %and3A_1340 = arith.andi %squeeze3A_1324, %and3A_1339 : i32
      %broadcast_in_dim3A_1341 = vector.broadcast %and3A_1340 : i32 to vector<16xi32>
      %slice3A_1342 = vector.extract_strided_slice %get3A_892 {offsets = [5], sizes = [1], strides = [1]} : vector<16xf32> to vector<1xf32>
      %squeeze3A_1343 = vector.extract %slice3A_1342[0] : f32 from vector<1xf32>
      %broadcast_in_dim3A_1344 = vector.broadcast %squeeze3A_1343 : f32 to vector<16xf32>
      %eq3A_1345 = arith.cmpi eq, %iota3A, %broadcast_in_dim3A_1341 : vector<16xi32>
      %mul3A_1346 = arith.mulf %get3A_1338, %broadcast_in_dim3A_1344 : vector<16xf32>
      %broadcast_in_dim3A_1347 = arith.constant 0.000000e+00 : f32
      %broadcast_in_dim3A_1348 = vector.broadcast %broadcast_in_dim3A_1347 : f32 to vector<16xf32>
      %select_n3A_1349 = arith.select %eq3A_1345, %mul3A_1346, %broadcast_in_dim3A_1348 : vector<16xi1>, vector<16xf32>
      %add3A_1350 = arith.addf %add3A_1322, %select_n3A_1349 : vector<16xf32>
      %slice3A_1351 = vector.extract_strided_slice %get3A_883 {offsets = [6], sizes = [1], strides = [1]} : vector<16xi32> to vector<1xi32>
      %squeeze3A_1352 = vector.extract %slice3A_1351[0] : i32 from vector<1xi32>
      %shift_right_arithmetic3A_1353 = arith.constant 4 : i32
      %shift_right_arithmetic3A_1354 = arith.shrsi %squeeze3A_1352, %shift_right_arithmetic3A_1353 : i32
      %shift_left3A_1355 = arith.constant 4 : i32
      %shift_left3A_1356 = arith.shli %shift_right_arithmetic3A_1354, %shift_left3A_1355 : i32
      %shift_right_arithmetic3A_1357 = arith.constant 7 : i32
      %shift_right_arithmetic3A_1358 = arith.shrsi %squeeze3A_1352, %shift_right_arithmetic3A_1357 : i32
      %shift_left3A_1359 = arith.constant 7 : i32
      %shift_left3A_1360 = arith.shli %shift_right_arithmetic3A_1358, %shift_left3A_1359 : i32
      %sub3A_1361 = arith.subi %shift_left3A_1356, %shift_left3A_1360 : i32
      %get3A_1362 = arith.constant 6 : i32
      %get3A_1363 = arith.index_cast %get3A_1362 : i32 to index
      %get3A_1364 = arith.index_cast %and3A_1183 : i32 to index
      %get3A_1365 = arith.index_cast %sub3A_1361 : i32 to index
      %get3A_1366 = tpu.vector_load %arg11[%get3A_1363, %get3A_1364, %get3A_1365] {strides = array<i32>} : memref<8x8x128xf32, #tpu.memory_space<vmem>>, vector<16xf32>,
      %and3A_1367 = arith.constant 15 : i32
      %and3A_1368 = arith.andi %squeeze3A_1352, %and3A_1367 : i32
      %broadcast_in_dim3A_1369 = vector.broadcast %and3A_1368 : i32 to vector<16xi32>
      %slice3A_1370 = vector.extract_strided_slice %get3A_892 {offsets = [6], sizes = [1], strides = [1]} : vector<16xf32> to vector<1xf32>
      %squeeze3A_1371 = vector.extract %slice3A_1370[0] : f32 from vector<1xf32>
      %broadcast_in_dim3A_1372 = vector.broadcast %squeeze3A_1371 : f32 to vector<16xf32>
      %eq3A_1373 = arith.cmpi eq, %iota3A, %broadcast_in_dim3A_1369 : vector<16xi32>
      %mul3A_1374 = arith.mulf %get3A_1366, %broadcast_in_dim3A_1372 : vector<16xf32>
      %broadcast_in_dim3A_1375 = arith.constant 0.000000e+00 : f32
      %broadcast_in_dim3A_1376 = vector.broadcast %broadcast_in_dim3A_1375 : f32 to vector<16xf32>
      %select_n3A_1377 = arith.select %eq3A_1373, %mul3A_1374, %broadcast_in_dim3A_1376 : vector<16xi1>, vector<16xf32>
      %add3A_1378 = arith.addf %add3A_1350, %select_n3A_1377 : vector<16xf32>
      %slice3A_1379 = vector.extract_strided_slice %get3A_883 {offsets = [7], sizes = [1], strides = [1]} : vector<16xi32> to vector<1xi32>
      %squeeze3A_1380 = vector.extract %slice3A_1379[0] : i32 from vector<1xi32>
      %shift_right_arithmetic3A_1381 = arith.constant 4 : i32
      %shift_right_arithmetic3A_1382 = arith.shrsi %squeeze3A_1380, %shift_right_arithmetic3A_1381 : i32
      %shift_left3A_1383 = arith.constant 4 : i32
      %shift_left3A_1384 = arith.shli %shift_right_arithmetic3A_1382, %shift_left3A_1383 : i32
      %shift_right_arithmetic3A_1385 = arith.constant 7 : i32
      %shift_right_arithmetic3A_1386 = arith.shrsi %squeeze3A_1380, %shift_right_arithmetic3A_1385 : i32
      %shift_left3A_1387 = arith.constant 7 : i32
      %shift_left3A_1388 = arith.shli %shift_right_arithmetic3A_1386, %shift_left3A_1387 : i32
      %sub3A_1389 = arith.subi %shift_left3A_1384, %shift_left3A_1388 : i32
      %get3A_1390 = arith.constant 7 : i32
      %get3A_1391 = arith.index_cast %get3A_1390 : i32 to index
      %get3A_1392 = arith.index_cast %and3A_1183 : i32 to index
      %get3A_1393 = arith.index_cast %sub3A_1389 : i32 to index
      %get3A_1394 = tpu.vector_load %arg11[%get3A_1391, %get3A_1392, %get3A_1393] {strides = array<i32>} : memref<8x8x128xf32, #tpu.memory_space<vmem>>, vector<16xf32>,
      %and3A_1395 = arith.constant 15 : i32
      %and3A_1396 = arith.andi %squeeze3A_1380, %and3A_1395 : i32
      %broadcast_in_dim3A_1397 = vector.broadcast %and3A_1396 : i32 to vector<16xi32>
      %slice3A_1398 = vector.extract_strided_slice %get3A_892 {offsets = [7], sizes = [1], strides = [1]} : vector<16xf32> to vector<1xf32>
      %squeeze3A_1399 = vector.extract %slice3A_1398[0] : f32 from vector<1xf32>
      %broadcast_in_dim3A_1400 = vector.broadcast %squeeze3A_1399 : f32 to vector<16xf32>
      %eq3A_1401 = arith.cmpi eq, %iota3A, %broadcast_in_dim3A_1397 : vector<16xi32>
      %mul3A_1402 = arith.mulf %get3A_1394, %broadcast_in_dim3A_1400 : vector<16xf32>
      %broadcast_in_dim3A_1403 = arith.constant 0.000000e+00 : f32
      %broadcast_in_dim3A_1404 = vector.broadcast %broadcast_in_dim3A_1403 : f32 to vector<16xf32>
      %select_n3A_1405 = arith.select %eq3A_1401, %mul3A_1402, %broadcast_in_dim3A_1404 : vector<16xi1>, vector<16xf32>
      %add3A_1406 = arith.addf %add3A_1378, %select_n3A_1405 : vector<16xf32>
      %lt3A = arith.constant 31 : i32
      %lt3A_1407 = arith.cmpi slt, %scan3A_874, %lt3A : i32
      %convert_element_type3A = arith.extui %lt3A_1407 : i1 to i32
      %cond3A = arith.constant 0 : i32
      %cond3A_1408 = arith.cmpi ne, %convert_element_type3A, %cond3A : i32
      scf.if %cond3A_1408 {
        %add3A_1765 = arith.constant 1 : i32
        %add3A_1766 = arith.addi %scan3A_874, %add3A_1765 : i32
        %shift_right_arithmetic3A_1767 = arith.constant 3 : i32
        %shift_right_arithmetic3A_1768 = arith.shrsi %add3A_1766, %shift_right_arithmetic3A_1767 : i32
        %and3A_1769 = arith.constant 7 : i32
        %and3A_1770 = arith.andi %add3A_1766, %and3A_1769 : i32
        %mul3A_1771 = arith.constant 16 : i32
        %mul3A_1772 = arith.muli %and3A_1770, %mul3A_1771 : i32
        %get3A_1773 = arith.index_cast %shift_right_arithmetic3A_1768 : i32 to index
        %get3A_1774 = arith.index_cast %mul3A_1772 : i32 to index
        %get3A_1775 = tpu.vector_load %arg7[%get3A_1773, %get3A_1774] {strides = array<i32>} : memref<8x128xi32, #tpu.memory_space<vmem>>, vector<16xi32>,
        %add3A_1776 = arith.constant 2 : i32
        %add3A_1777 = arith.addi %add3A_895, %add3A_1776 : i32
        %shift_right_arithmetic3A_1778 = arith.constant 3 : i32
        %shift_right_arithmetic3A_1779 = arith.shrsi %add3A_1777, %shift_right_arithmetic3A_1778 : i32
        %shift_left3A_1780 = arith.constant 3 : i32
        %shift_left3A_1781 = arith.shli %shift_right_arithmetic3A_1779, %shift_left3A_1780 : i32
        %multiple_of3A_1782 = tpu.assume_multiple %shift_left3A_1781, 8 : i32
        %slice3A_1783 = vector.extract_strided_slice %get3A_1775 {offsets = [0], sizes = [1], strides = [1]} : vector<16xi32> to vector<1xi32>
        %squeeze3A_1784 = vector.extract %slice3A_1783[0] : i32 from vector<1xi32>
        %shift_right_arithmetic3A_1785 = arith.constant 7 : i32
        %shift_right_arithmetic3A_1786 = arith.shrsi %squeeze3A_1784, %shift_right_arithmetic3A_1785 : i32
        %shift_left3A_1787 = arith.constant 7 : i32
        %shift_left3A_1788 = arith.shli %shift_right_arithmetic3A_1786, %shift_left3A_1787 : i32
        %multiple_of3A_1789 = tpu.assume_multiple %shift_left3A_1788, 128 : i32
        %dma_start3A_1790 = arith.constant 0 : i32
        %dma_start3A_1791 = arith.constant 0 : i32
        %dma_start3A_1792 = arith.constant 0 : i32
        %dma_start3A_1793 = tpu.memref_slice %arg11[%dma_start3A_1790, %dma_start3A_1791, %dma_start3A_1792] : memref<8x8x128xf32, #tpu.memory_space<vmem>> -> memref<1x8x128xf32, #tpu.memory_space<vmem>>
        %dma_start3A_1794 = arith.constant 0 : i32
        %dma_start3A_1795 = tpu.memref_slice %arg2[%dma_start3A_1794, %multiple_of3A_1782, %multiple_of3A_1789] : memref<1x2048x100000xf32, #tpu.memory_space<hbm>> -> memref<1x8x128xf32, #tpu.memory_space<hbm>>
        %dma_start3A_1796 = arith.constant 0 : i32
        %dma_start3A_1797 = arith.constant 0 : i32
        %dma_start3A_1798 = arith.constant 0 : i32
        %dma_start3A_1799 = tpu.memref_slice %arg11[%dma_start3A_1796, %dma_start3A_1797, %dma_start3A_1798] : memref<8x8x128xf32, #tpu.memory_space<vmem>> -> memref<1x8x128xf32, #tpu.memory_space<vmem>>
        %dma_start3A_1800 = arith.constant 0 : i32
        %dma_start3A_1801 = tpu.memref_slice %arg2[%dma_start3A_1800, %multiple_of3A_1782, %multiple_of3A_1789] : memref<1x2048x100000xf32, #tpu.memory_space<hbm>> -> memref<1x8x128xf32, #tpu.memory_space<hbm>>
        tpu.enqueue_dma source(%dma_start3A_1801 : memref<1x8x128xf32, #tpu.memory_space<hbm>>) target(%dma_start3A_1799 : memref<1x8x128xf32, #tpu.memory_space<vmem>>) target_semaphore(%arg14 : memref<!tpu.dma_semaphore, #tpu.memory_space<semaphore_mem>>)
        %slice3A_1802 = vector.extract_strided_slice %get3A_1775 {offsets = [1], sizes = [1], strides = [1]} : vector<16xi32> to vector<1xi32>
        %squeeze3A_1803 = vector.extract %slice3A_1802[0] : i32 from vector<1xi32>
        %shift_right_arithmetic3A_1804 = arith.constant 7 : i32
        %shift_right_arithmetic3A_1805 = arith.shrsi %squeeze3A_1803, %shift_right_arithmetic3A_1804 : i32
        %shift_left3A_1806 = arith.constant 7 : i32
        %shift_left3A_1807 = arith.shli %shift_right_arithmetic3A_1805, %shift_left3A_1806 : i32
        %multiple_of3A_1808 = tpu.assume_multiple %shift_left3A_1807, 128 : i32
        %dma_start3A_1809 = arith.constant 1 : i32
        %dma_start3A_1810 = arith.constant 0 : i32
        %dma_start3A_1811 = arith.constant 0 : i32
        %dma_start3A_1812 = tpu.memref_slice %arg11[%dma_start3A_1809, %dma_start3A_1810, %dma_start3A_1811] : memref<8x8x128xf32, #tpu.memory_space<vmem>> -> memref<1x8x128xf32, #tpu.memory_space<vmem>>
        %dma_start3A_1813 = arith.constant 0 : i32
        %dma_start3A_1814 = tpu.memref_slice %arg2[%dma_start3A_1813, %multiple_of3A_1782, %multiple_of3A_1808] : memref<1x2048x100000xf32, #tpu.memory_space<hbm>> -> memref<1x8x128xf32, #tpu.memory_space<hbm>>
        %dma_start3A_1815 = arith.constant 1 : i32
        %dma_start3A_1816 = arith.constant 0 : i32
        %dma_start3A_1817 = arith.constant 0 : i32
        %dma_start3A_1818 = tpu.memref_slice %arg11[%dma_start3A_1815, %dma_start3A_1816, %dma_start3A_1817] : memref<8x8x128xf32, #tpu.memory_space<vmem>> -> memref<1x8x128xf32, #tpu.memory_space<vmem>>
        %dma_start3A_1819 = arith.constant 0 : i32
        %dma_start3A_1820 = tpu.memref_slice %arg2[%dma_start3A_1819, %multiple_of3A_1782, %multiple_of3A_1808] : memref<1x2048x100000xf32, #tpu.memory_space<hbm>> -> memref<1x8x128xf32, #tpu.memory_space<hbm>>
        tpu.enqueue_dma source(%dma_start3A_1820 : memref<1x8x128xf32, #tpu.memory_space<hbm>>) target(%dma_start3A_1818 : memref<1x8x128xf32, #tpu.memory_space<vmem>>) target_semaphore(%arg14 : memref<!tpu.dma_semaphore, #tpu.memory_space<semaphore_mem>>)
        %slice3A_1821 = vector.extract_strided_slice %get3A_1775 {offsets = [2], sizes = [1], strides = [1]} : vector<16xi32> to vector<1xi32>
        %squeeze3A_1822 = vector.extract %slice3A_1821[0] : i32 from vector<1xi32>
        %shift_right_arithmetic3A_1823 = arith.constant 7 : i32
        %shift_right_arithmetic3A_1824 = arith.shrsi %squeeze3A_1822, %shift_right_arithmetic3A_1823 : i32
        %shift_left3A_1825 = arith.constant 7 : i32
        %shift_left3A_1826 = arith.shli %shift_right_arithmetic3A_1824, %shift_left3A_1825 : i32
        %multiple_of3A_1827 = tpu.assume_multiple %shift_left3A_1826, 128 : i32
        %dma_start3A_1828 = arith.constant 2 : i32
        %dma_start3A_1829 = arith.constant 0 : i32
        %dma_start3A_1830 = arith.constant 0 : i32
        %dma_start3A_1831 = tpu.memref_slice %arg11[%dma_start3A_1828, %dma_start3A_1829, %dma_start3A_1830] : memref<8x8x128xf32, #tpu.memory_space<vmem>> -> memref<1x8x128xf32, #tpu.memory_space<vmem>>
        %dma_start3A_1832 = arith.constant 0 : i32
        %dma_start3A_1833 = tpu.memref_slice %arg2[%dma_start3A_1832, %multiple_of3A_1782, %multiple_of3A_1827] : memref<1x2048x100000xf32, #tpu.memory_space<hbm>> -> memref<1x8x128xf32, #tpu.memory_space<hbm>>
        %dma_start3A_1834 = arith.constant 2 : i32
        %dma_start3A_1835 = arith.constant 0 : i32
        %dma_start3A_1836 = arith.constant 0 : i32
        %dma_start3A_1837 = tpu.memref_slice %arg11[%dma_start3A_1834, %dma_start3A_1835, %dma_start3A_1836] : memref<8x8x128xf32, #tpu.memory_space<vmem>> -> memref<1x8x128xf32, #tpu.memory_space<vmem>>
        %dma_start3A_1838 = arith.constant 0 : i32
        %dma_start3A_1839 = tpu.memref_slice %arg2[%dma_start3A_1838, %multiple_of3A_1782, %multiple_of3A_1827] : memref<1x2048x100000xf32, #tpu.memory_space<hbm>> -> memref<1x8x128xf32, #tpu.memory_space<hbm>>
        tpu.enqueue_dma source(%dma_start3A_1839 : memref<1x8x128xf32, #tpu.memory_space<hbm>>) target(%dma_start3A_1837 : memref<1x8x128xf32, #tpu.memory_space<vmem>>) target_semaphore(%arg14 : memref<!tpu.dma_semaphore, #tpu.memory_space<semaphore_mem>>)
        %slice3A_1840 = vector.extract_strided_slice %get3A_1775 {offsets = [3], sizes = [1], strides = [1]} : vector<16xi32> to vector<1xi32>
        %squeeze3A_1841 = vector.extract %slice3A_1840[0] : i32 from vector<1xi32>
        %shift_right_arithmetic3A_1842 = arith.constant 7 : i32
        %shift_right_arithmetic3A_1843 = arith.shrsi %squeeze3A_1841, %shift_right_arithmetic3A_1842 : i32
        %shift_left3A_1844 = arith.constant 7 : i32
        %shift_left3A_1845 = arith.shli %shift_right_arithmetic3A_1843, %shift_left3A_1844 : i32
        %multiple_of3A_1846 = tpu.assume_multiple %shift_left3A_1845, 128 : i32
        %dma_start3A_1847 = arith.constant 3 : i32
        %dma_start3A_1848 = arith.constant 0 : i32
        %dma_start3A_1849 = arith.constant 0 : i32
        %dma_start3A_1850 = tpu.memref_slice %arg11[%dma_start3A_1847, %dma_start3A_1848, %dma_start3A_1849] : memref<8x8x128xf32, #tpu.memory_space<vmem>> -> memref<1x8x128xf32, #tpu.memory_space<vmem>>
        %dma_start3A_1851 = arith.constant 0 : i32
        %dma_start3A_1852 = tpu.memref_slice %arg2[%dma_start3A_1851, %multiple_of3A_1782, %multiple_of3A_1846] : memref<1x2048x100000xf32, #tpu.memory_space<hbm>> -> memref<1x8x128xf32, #tpu.memory_space<hbm>>
        %dma_start3A_1853 = arith.constant 3 : i32
        %dma_start3A_1854 = arith.constant 0 : i32
        %dma_start3A_1855 = arith.constant 0 : i32
        %dma_start3A_1856 = tpu.memref_slice %arg11[%dma_start3A_1853, %dma_start3A_1854, %dma_start3A_1855] : memref<8x8x128xf32, #tpu.memory_space<vmem>> -> memref<1x8x128xf32, #tpu.memory_space<vmem>>
        %dma_start3A_1857 = arith.constant 0 : i32
        %dma_start3A_1858 = tpu.memref_slice %arg2[%dma_start3A_1857, %multiple_of3A_1782, %multiple_of3A_1846] : memref<1x2048x100000xf32, #tpu.memory_space<hbm>> -> memref<1x8x128xf32, #tpu.memory_space<hbm>>
        tpu.enqueue_dma source(%dma_start3A_1858 : memref<1x8x128xf32, #tpu.memory_space<hbm>>) target(%dma_start3A_1856 : memref<1x8x128xf32, #tpu.memory_space<vmem>>) target_semaphore(%arg14 : memref<!tpu.dma_semaphore, #tpu.memory_space<semaphore_mem>>)
        %slice3A_1859 = vector.extract_strided_slice %get3A_1775 {offsets = [4], sizes = [1], strides = [1]} : vector<16xi32> to vector<1xi32>
        %squeeze3A_1860 = vector.extract %slice3A_1859[0] : i32 from vector<1xi32>
        %shift_right_arithmetic3A_1861 = arith.constant 7 : i32
        %shift_right_arithmetic3A_1862 = arith.shrsi %squeeze3A_1860, %shift_right_arithmetic3A_1861 : i32
        %shift_left3A_1863 = arith.constant 7 : i32
        %shift_left3A_1864 = arith.shli %shift_right_arithmetic3A_1862, %shift_left3A_1863 : i32
        %multiple_of3A_1865 = tpu.assume_multiple %shift_left3A_1864, 128 : i32
        %dma_start3A_1866 = arith.constant 4 : i32
        %dma_start3A_1867 = arith.constant 0 : i32
        %dma_start3A_1868 = arith.constant 0 : i32
        %dma_start3A_1869 = tpu.memref_slice %arg11[%dma_start3A_1866, %dma_start3A_1867, %dma_start3A_1868] : memref<8x8x128xf32, #tpu.memory_space<vmem>> -> memref<1x8x128xf32, #tpu.memory_space<vmem>>
        %dma_start3A_1870 = arith.constant 0 : i32
        %dma_start3A_1871 = tpu.memref_slice %arg2[%dma_start3A_1870, %multiple_of3A_1782, %multiple_of3A_1865] : memref<1x2048x100000xf32, #tpu.memory_space<hbm>> -> memref<1x8x128xf32, #tpu.memory_space<hbm>>
        %dma_start3A_1872 = arith.constant 4 : i32
        %dma_start3A_1873 = arith.constant 0 : i32
        %dma_start3A_1874 = arith.constant 0 : i32
        %dma_start3A_1875 = tpu.memref_slice %arg11[%dma_start3A_1872, %dma_start3A_1873, %dma_start3A_1874] : memref<8x8x128xf32, #tpu.memory_space<vmem>> -> memref<1x8x128xf32, #tpu.memory_space<vmem>>
        %dma_start3A_1876 = arith.constant 0 : i32
        %dma_start3A_1877 = tpu.memref_slice %arg2[%dma_start3A_1876, %multiple_of3A_1782, %multiple_of3A_1865] : memref<1x2048x100000xf32, #tpu.memory_space<hbm>> -> memref<1x8x128xf32, #tpu.memory_space<hbm>>
        tpu.enqueue_dma source(%dma_start3A_1877 : memref<1x8x128xf32, #tpu.memory_space<hbm>>) target(%dma_start3A_1875 : memref<1x8x128xf32, #tpu.memory_space<vmem>>) target_semaphore(%arg14 : memref<!tpu.dma_semaphore, #tpu.memory_space<semaphore_mem>>)
        %slice3A_1878 = vector.extract_strided_slice %get3A_1775 {offsets = [5], sizes = [1], strides = [1]} : vector<16xi32> to vector<1xi32>
        %squeeze3A_1879 = vector.extract %slice3A_1878[0] : i32 from vector<1xi32>
        %shift_right_arithmetic3A_1880 = arith.constant 7 : i32
        %shift_right_arithmetic3A_1881 = arith.shrsi %squeeze3A_1879, %shift_right_arithmetic3A_1880 : i32
        %shift_left3A_1882 = arith.constant 7 : i32
        %shift_left3A_1883 = arith.shli %shift_right_arithmetic3A_1881, %shift_left3A_1882 : i32
        %multiple_of3A_1884 = tpu.assume_multiple %shift_left3A_1883, 128 : i32
        %dma_start3A_1885 = arith.constant 5 : i32
        %dma_start3A_1886 = arith.constant 0 : i32
        %dma_start3A_1887 = arith.constant 0 : i32
        %dma_start3A_1888 = tpu.memref_slice %arg11[%dma_start3A_1885, %dma_start3A_1886, %dma_start3A_1887] : memref<8x8x128xf32, #tpu.memory_space<vmem>> -> memref<1x8x128xf32, #tpu.memory_space<vmem>>
        %dma_start3A_1889 = arith.constant 0 : i32
        %dma_start3A_1890 = tpu.memref_slice %arg2[%dma_start3A_1889, %multiple_of3A_1782, %multiple_of3A_1884] : memref<1x2048x100000xf32, #tpu.memory_space<hbm>> -> memref<1x8x128xf32, #tpu.memory_space<hbm>>
        %dma_start3A_1891 = arith.constant 5 : i32
        %dma_start3A_1892 = arith.constant 0 : i32
        %dma_start3A_1893 = arith.constant 0 : i32
        %dma_start3A_1894 = tpu.memref_slice %arg11[%dma_start3A_1891, %dma_start3A_1892, %dma_start3A_1893] : memref<8x8x128xf32, #tpu.memory_space<vmem>> -> memref<1x8x128xf32, #tpu.memory_space<vmem>>
        %dma_start3A_1895 = arith.constant 0 : i32
        %dma_start3A_1896 = tpu.memref_slice %arg2[%dma_start3A_1895, %multiple_of3A_1782, %multiple_of3A_1884] : memref<1x2048x100000xf32, #tpu.memory_space<hbm>> -> memref<1x8x128xf32, #tpu.memory_space<hbm>>
        tpu.enqueue_dma source(%dma_start3A_1896 : memref<1x8x128xf32, #tpu.memory_space<hbm>>) target(%dma_start3A_1894 : memref<1x8x128xf32, #tpu.memory_space<vmem>>) target_semaphore(%arg14 : memref<!tpu.dma_semaphore, #tpu.memory_space<semaphore_mem>>)
        %slice3A_1897 = vector.extract_strided_slice %get3A_1775 {offsets = [6], sizes = [1], strides = [1]} : vector<16xi32> to vector<1xi32>
        %squeeze3A_1898 = vector.extract %slice3A_1897[0] : i32 from vector<1xi32>
        %shift_right_arithmetic3A_1899 = arith.constant 7 : i32
        %shift_right_arithmetic3A_1900 = arith.shrsi %squeeze3A_1898, %shift_right_arithmetic3A_1899 : i32
        %shift_left3A_1901 = arith.constant 7 : i32
        %shift_left3A_1902 = arith.shli %shift_right_arithmetic3A_1900, %shift_left3A_1901 : i32
        %multiple_of3A_1903 = tpu.assume_multiple %shift_left3A_1902, 128 : i32
        %dma_start3A_1904 = arith.constant 6 : i32
        %dma_start3A_1905 = arith.constant 0 : i32
        %dma_start3A_1906 = arith.constant 0 : i32
        %dma_start3A_1907 = tpu.memref_slice %arg11[%dma_start3A_1904, %dma_start3A_1905, %dma_start3A_1906] : memref<8x8x128xf32, #tpu.memory_space<vmem>> -> memref<1x8x128xf32, #tpu.memory_space<vmem>>
        %dma_start3A_1908 = arith.constant 0 : i32
        %dma_start3A_1909 = tpu.memref_slice %arg2[%dma_start3A_1908, %multiple_of3A_1782, %multiple_of3A_1903] : memref<1x2048x100000xf32, #tpu.memory_space<hbm>> -> memref<1x8x128xf32, #tpu.memory_space<hbm>>
        %dma_start3A_1910 = arith.constant 6 : i32
        %dma_start3A_1911 = arith.constant 0 : i32
        %dma_start3A_1912 = arith.constant 0 : i32
        %dma_start3A_1913 = tpu.memref_slice %arg11[%dma_start3A_1910, %dma_start3A_1911, %dma_start3A_1912] : memref<8x8x128xf32, #tpu.memory_space<vmem>> -> memref<1x8x128xf32, #tpu.memory_space<vmem>>
        %dma_start3A_1914 = arith.constant 0 : i32
        %dma_start3A_1915 = tpu.memref_slice %arg2[%dma_start3A_1914, %multiple_of3A_1782, %multiple_of3A_1903] : memref<1x2048x100000xf32, #tpu.memory_space<hbm>> -> memref<1x8x128xf32, #tpu.memory_space<hbm>>
        tpu.enqueue_dma source(%dma_start3A_1915 : memref<1x8x128xf32, #tpu.memory_space<hbm>>) target(%dma_start3A_1913 : memref<1x8x128xf32, #tpu.memory_space<vmem>>) target_semaphore(%arg14 : memref<!tpu.dma_semaphore, #tpu.memory_space<semaphore_mem>>)
        %slice3A_1916 = vector.extract_strided_slice %get3A_1775 {offsets = [7], sizes = [1], strides = [1]} : vector<16xi32> to vector<1xi32>
        %squeeze3A_1917 = vector.extract %slice3A_1916[0] : i32 from vector<1xi32>
        %shift_right_arithmetic3A_1918 = arith.constant 7 : i32
        %shift_right_arithmetic3A_1919 = arith.shrsi %squeeze3A_1917, %shift_right_arithmetic3A_1918 : i32
        %shift_left3A_1920 = arith.constant 7 : i32
        %shift_left3A_1921 = arith.shli %shift_right_arithmetic3A_1919, %shift_left3A_1920 : i32
        %multiple_of3A_1922 = tpu.assume_multiple %shift_left3A_1921, 128 : i32
        %dma_start3A_1923 = arith.constant 7 : i32
        %dma_start3A_1924 = arith.constant 0 : i32
        %dma_start3A_1925 = arith.constant 0 : i32
        %dma_start3A_1926 = tpu.memref_slice %arg11[%dma_start3A_1923, %dma_start3A_1924, %dma_start3A_1925] : memref<8x8x128xf32, #tpu.memory_space<vmem>> -> memref<1x8x128xf32, #tpu.memory_space<vmem>>
        %dma_start3A_1927 = arith.constant 0 : i32
        %dma_start3A_1928 = tpu.memref_slice %arg2[%dma_start3A_1927, %multiple_of3A_1782, %multiple_of3A_1922] : memref<1x2048x100000xf32, #tpu.memory_space<hbm>> -> memref<1x8x128xf32, #tpu.memory_space<hbm>>
        %dma_start3A_1929 = arith.constant 7 : i32
        %dma_start3A_1930 = arith.constant 0 : i32
        %dma_start3A_1931 = arith.constant 0 : i32
        %dma_start3A_1932 = tpu.memref_slice %arg11[%dma_start3A_1929, %dma_start3A_1930, %dma_start3A_1931] : memref<8x8x128xf32, #tpu.memory_space<vmem>> -> memref<1x8x128xf32, #tpu.memory_space<vmem>>
        %dma_start3A_1933 = arith.constant 0 : i32
        %dma_start3A_1934 = tpu.memref_slice %arg2[%dma_start3A_1933, %multiple_of3A_1782, %multiple_of3A_1922] : memref<1x2048x100000xf32, #tpu.memory_space<hbm>> -> memref<1x8x128xf32, #tpu.memory_space<hbm>>
        tpu.enqueue_dma source(%dma_start3A_1934 : memref<1x8x128xf32, #tpu.memory_space<hbm>>) target(%dma_start3A_1932 : memref<1x8x128xf32, #tpu.memory_space<vmem>>) target_semaphore(%arg14 : memref<!tpu.dma_semaphore, #tpu.memory_space<semaphore_mem>>)
      } else {
      }
      %multiple_of3A_1409 = arith.constant 0 : i32
      %multiple_of3A_1410 = tpu.assume_multiple %multiple_of3A_1409, 8 : i32
      %multiple_of3A_1411 = arith.constant 0 : i32
      %multiple_of3A_1412 = tpu.assume_multiple %multiple_of3A_1411, 128 : i32
      %dma_wait3A_1413 = arith.constant 0 : i32
      %dma_wait3A_1414 = arith.constant 0 : i32
      %dma_wait3A_1415 = arith.constant 0 : i32
      %dma_wait3A_1416 = tpu.memref_slice %arg12[%dma_wait3A_1413, %dma_wait3A_1414, %dma_wait3A_1415] : memref<8x8x128xf32, #tpu.memory_space<vmem>> -> memref<1x8x128xf32, #tpu.memory_space<vmem>>
      %dma_wait3A_1417 = arith.constant 0 : i32
      %dma_wait3A_1418 = tpu.memref_slice %arg2[%dma_wait3A_1417, %multiple_of3A_1410, %multiple_of3A_1412] : memref<1x2048x100000xf32, #tpu.memory_space<hbm>> -> memref<1x8x128xf32, #tpu.memory_space<hbm>>
      %dma_wait3A_1419 = arith.constant 0 : i32
      %dma_wait3A_1420 = arith.constant 0 : i32
      %dma_wait3A_1421 = arith.constant 0 : i32
      %dma_wait3A_1422 = tpu.memref_slice %arg12[%dma_wait3A_1419, %dma_wait3A_1420, %dma_wait3A_1421] : memref<8x8x128xf32, #tpu.memory_space<vmem>> -> memref<1x8x128xf32, #tpu.memory_space<vmem>>
      %dma_wait3A_1423 = arith.constant 0 : i32
      %dma_wait3A_1424 = tpu.memref_slice %arg2[%dma_wait3A_1423, %multiple_of3A_1410, %multiple_of3A_1412] : memref<1x2048x100000xf32, #tpu.memory_space<hbm>> -> memref<1x8x128xf32, #tpu.memory_space<hbm>>
      tpu.wait_dma2 semaphore(%arg15 : memref<!tpu.dma_semaphore, #tpu.memory_space<semaphore_mem>>) src(%dma_wait3A_1424 : memref<1x8x128xf32, #tpu.memory_space<hbm>>) dst(%dma_wait3A_1422 : memref<1x8x128xf32, #tpu.memory_space<vmem>>)
      %multiple_of3A_1425 = arith.constant 0 : i32
      %multiple_of3A_1426 = tpu.assume_multiple %multiple_of3A_1425, 8 : i32
      %multiple_of3A_1427 = arith.constant 0 : i32
      %multiple_of3A_1428 = tpu.assume_multiple %multiple_of3A_1427, 128 : i32
      %dma_wait3A_1429 = arith.constant 1 : i32
      %dma_wait3A_1430 = arith.constant 0 : i32
      %dma_wait3A_1431 = arith.constant 0 : i32
      %dma_wait3A_1432 = tpu.memref_slice %arg12[%dma_wait3A_1429, %dma_wait3A_1430, %dma_wait3A_1431] : memref<8x8x128xf32, #tpu.memory_space<vmem>> -> memref<1x8x128xf32, #tpu.memory_space<vmem>>
      %dma_wait3A_1433 = arith.constant 0 : i32
      %dma_wait3A_1434 = tpu.memref_slice %arg2[%dma_wait3A_1433, %multiple_of3A_1426, %multiple_of3A_1428] : memref<1x2048x100000xf32, #tpu.memory_space<hbm>> -> memref<1x8x128xf32, #tpu.memory_space<hbm>>
      %dma_wait3A_1435 = arith.constant 1 : i32
      %dma_wait3A_1436 = arith.constant 0 : i32
      %dma_wait3A_1437 = arith.constant 0 : i32
      %dma_wait3A_1438 = tpu.memref_slice %arg12[%dma_wait3A_1435, %dma_wait3A_1436, %dma_wait3A_1437] : memref<8x8x128xf32, #tpu.memory_space<vmem>> -> memref<1x8x128xf32, #tpu.memory_space<vmem>>
      %dma_wait3A_1439 = arith.constant 0 : i32
      %dma_wait3A_1440 = tpu.memref_slice %arg2[%dma_wait3A_1439, %multiple_of3A_1426, %multiple_of3A_1428] : memref<1x2048x100000xf32, #tpu.memory_space<hbm>> -> memref<1x8x128xf32, #tpu.memory_space<hbm>>
      tpu.wait_dma2 semaphore(%arg15 : memref<!tpu.dma_semaphore, #tpu.memory_space<semaphore_mem>>) src(%dma_wait3A_1440 : memref<1x8x128xf32, #tpu.memory_space<hbm>>) dst(%dma_wait3A_1438 : memref<1x8x128xf32, #tpu.memory_space<vmem>>)
      %multiple_of3A_1441 = arith.constant 0 : i32
      %multiple_of3A_1442 = tpu.assume_multiple %multiple_of3A_1441, 8 : i32
      %multiple_of3A_1443 = arith.constant 0 : i32
      %multiple_of3A_1444 = tpu.assume_multiple %multiple_of3A_1443, 128 : i32
      %dma_wait3A_1445 = arith.constant 2 : i32
      %dma_wait3A_1446 = arith.constant 0 : i32
      %dma_wait3A_1447 = arith.constant 0 : i32
      %dma_wait3A_1448 = tpu.memref_slice %arg12[%dma_wait3A_1445, %dma_wait3A_1446, %dma_wait3A_1447] : memref<8x8x128xf32, #tpu.memory_space<vmem>> -> memref<1x8x128xf32, #tpu.memory_space<vmem>>
      %dma_wait3A_1449 = arith.constant 0 : i32
      %dma_wait3A_1450 = tpu.memref_slice %arg2[%dma_wait3A_1449, %multiple_of3A_1442, %multiple_of3A_1444] : memref<1x2048x100000xf32, #tpu.memory_space<hbm>> -> memref<1x8x128xf32, #tpu.memory_space<hbm>>
      %dma_wait3A_1451 = arith.constant 2 : i32
      %dma_wait3A_1452 = arith.constant 0 : i32
      %dma_wait3A_1453 = arith.constant 0 : i32
      %dma_wait3A_1454 = tpu.memref_slice %arg12[%dma_wait3A_1451, %dma_wait3A_1452, %dma_wait3A_1453] : memref<8x8x128xf32, #tpu.memory_space<vmem>> -> memref<1x8x128xf32, #tpu.memory_space<vmem>>
      %dma_wait3A_1455 = arith.constant 0 : i32
      %dma_wait3A_1456 = tpu.memref_slice %arg2[%dma_wait3A_1455, %multiple_of3A_1442, %multiple_of3A_1444] : memref<1x2048x100000xf32, #tpu.memory_space<hbm>> -> memref<1x8x128xf32, #tpu.memory_space<hbm>>
      tpu.wait_dma2 semaphore(%arg15 : memref<!tpu.dma_semaphore, #tpu.memory_space<semaphore_mem>>) src(%dma_wait3A_1456 : memref<1x8x128xf32, #tpu.memory_space<hbm>>) dst(%dma_wait3A_1454 : memref<1x8x128xf32, #tpu.memory_space<vmem>>)
      %multiple_of3A_1457 = arith.constant 0 : i32
      %multiple_of3A_1458 = tpu.assume_multiple %multiple_of3A_1457, 8 : i32
      %multiple_of3A_1459 = arith.constant 0 : i32
      %multiple_of3A_1460 = tpu.assume_multiple %multiple_of3A_1459, 128 : i32
      %dma_wait3A_1461 = arith.constant 3 : i32
      %dma_wait3A_1462 = arith.constant 0 : i32
      %dma_wait3A_1463 = arith.constant 0 : i32
      %dma_wait3A_1464 = tpu.memref_slice %arg12[%dma_wait3A_1461, %dma_wait3A_1462, %dma_wait3A_1463] : memref<8x8x128xf32, #tpu.memory_space<vmem>> -> memref<1x8x128xf32, #tpu.memory_space<vmem>>
      %dma_wait3A_1465 = arith.constant 0 : i32
      %dma_wait3A_1466 = tpu.memref_slice %arg2[%dma_wait3A_1465, %multiple_of3A_1458, %multiple_of3A_1460] : memref<1x2048x100000xf32, #tpu.memory_space<hbm>> -> memref<1x8x128xf32, #tpu.memory_space<hbm>>
      %dma_wait3A_1467 = arith.constant 3 : i32
      %dma_wait3A_1468 = arith.constant 0 : i32
      %dma_wait3A_1469 = arith.constant 0 : i32
      %dma_wait3A_1470 = tpu.memref_slice %arg12[%dma_wait3A_1467, %dma_wait3A_1468, %dma_wait3A_1469] : memref<8x8x128xf32, #tpu.memory_space<vmem>> -> memref<1x8x128xf32, #tpu.memory_space<vmem>>
      %dma_wait3A_1471 = arith.constant 0 : i32
      %dma_wait3A_1472 = tpu.memref_slice %arg2[%dma_wait3A_1471, %multiple_of3A_1458, %multiple_of3A_1460] : memref<1x2048x100000xf32, #tpu.memory_space<hbm>> -> memref<1x8x128xf32, #tpu.memory_space<hbm>>
      tpu.wait_dma2 semaphore(%arg15 : memref<!tpu.dma_semaphore, #tpu.memory_space<semaphore_mem>>) src(%dma_wait3A_1472 : memref<1x8x128xf32, #tpu.memory_space<hbm>>) dst(%dma_wait3A_1470 : memref<1x8x128xf32, #tpu.memory_space<vmem>>)
      %multiple_of3A_1473 = arith.constant 0 : i32
      %multiple_of3A_1474 = tpu.assume_multiple %multiple_of3A_1473, 8 : i32
      %multiple_of3A_1475 = arith.constant 0 : i32
      %multiple_of3A_1476 = tpu.assume_multiple %multiple_of3A_1475, 128 : i32
      %dma_wait3A_1477 = arith.constant 4 : i32
      %dma_wait3A_1478 = arith.constant 0 : i32
      %dma_wait3A_1479 = arith.constant 0 : i32
      %dma_wait3A_1480 = tpu.memref_slice %arg12[%dma_wait3A_1477, %dma_wait3A_1478, %dma_wait3A_1479] : memref<8x8x128xf32, #tpu.memory_space<vmem>> -> memref<1x8x128xf32, #tpu.memory_space<vmem>>
      %dma_wait3A_1481 = arith.constant 0 : i32
      %dma_wait3A_1482 = tpu.memref_slice %arg2[%dma_wait3A_1481, %multiple_of3A_1474, %multiple_of3A_1476] : memref<1x2048x100000xf32, #tpu.memory_space<hbm>> -> memref<1x8x128xf32, #tpu.memory_space<hbm>>
      %dma_wait3A_1483 = arith.constant 4 : i32
      %dma_wait3A_1484 = arith.constant 0 : i32
      %dma_wait3A_1485 = arith.constant 0 : i32
      %dma_wait3A_1486 = tpu.memref_slice %arg12[%dma_wait3A_1483, %dma_wait3A_1484, %dma_wait3A_1485] : memref<8x8x128xf32, #tpu.memory_space<vmem>> -> memref<1x8x128xf32, #tpu.memory_space<vmem>>
      %dma_wait3A_1487 = arith.constant 0 : i32
      %dma_wait3A_1488 = tpu.memref_slice %arg2[%dma_wait3A_1487, %multiple_of3A_1474, %multiple_of3A_1476] : memref<1x2048x100000xf32, #tpu.memory_space<hbm>> -> memref<1x8x128xf32, #tpu.memory_space<hbm>>
      tpu.wait_dma2 semaphore(%arg15 : memref<!tpu.dma_semaphore, #tpu.memory_space<semaphore_mem>>) src(%dma_wait3A_1488 : memref<1x8x128xf32, #tpu.memory_space<hbm>>) dst(%dma_wait3A_1486 : memref<1x8x128xf32, #tpu.memory_space<vmem>>)
      %multiple_of3A_1489 = arith.constant 0 : i32
      %multiple_of3A_1490 = tpu.assume_multiple %multiple_of3A_1489, 8 : i32
      %multiple_of3A_1491 = arith.constant 0 : i32
      %multiple_of3A_1492 = tpu.assume_multiple %multiple_of3A_1491, 128 : i32
      %dma_wait3A_1493 = arith.constant 5 : i32
      %dma_wait3A_1494 = arith.constant 0 : i32
      %dma_wait3A_1495 = arith.constant 0 : i32
      %dma_wait3A_1496 = tpu.memref_slice %arg12[%dma_wait3A_1493, %dma_wait3A_1494, %dma_wait3A_1495] : memref<8x8x128xf32, #tpu.memory_space<vmem>> -> memref<1x8x128xf32, #tpu.memory_space<vmem>>
      %dma_wait3A_1497 = arith.constant 0 : i32
      %dma_wait3A_1498 = tpu.memref_slice %arg2[%dma_wait3A_1497, %multiple_of3A_1490, %multiple_of3A_1492] : memref<1x2048x100000xf32, #tpu.memory_space<hbm>> -> memref<1x8x128xf32, #tpu.memory_space<hbm>>
      %dma_wait3A_1499 = arith.constant 5 : i32
      %dma_wait3A_1500 = arith.constant 0 : i32
      %dma_wait3A_1501 = arith.constant 0 : i32
      %dma_wait3A_1502 = tpu.memref_slice %arg12[%dma_wait3A_1499, %dma_wait3A_1500, %dma_wait3A_1501] : memref<8x8x128xf32, #tpu.memory_space<vmem>> -> memref<1x8x128xf32, #tpu.memory_space<vmem>>
      %dma_wait3A_1503 = arith.constant 0 : i32
      %dma_wait3A_1504 = tpu.memref_slice %arg2[%dma_wait3A_1503, %multiple_of3A_1490, %multiple_of3A_1492] : memref<1x2048x100000xf32, #tpu.memory_space<hbm>> -> memref<1x8x128xf32, #tpu.memory_space<hbm>>
      tpu.wait_dma2 semaphore(%arg15 : memref<!tpu.dma_semaphore, #tpu.memory_space<semaphore_mem>>) src(%dma_wait3A_1504 : memref<1x8x128xf32, #tpu.memory_space<hbm>>) dst(%dma_wait3A_1502 : memref<1x8x128xf32, #tpu.memory_space<vmem>>)
      %multiple_of3A_1505 = arith.constant 0 : i32
      %multiple_of3A_1506 = tpu.assume_multiple %multiple_of3A_1505, 8 : i32
      %multiple_of3A_1507 = arith.constant 0 : i32
      %multiple_of3A_1508 = tpu.assume_multiple %multiple_of3A_1507, 128 : i32
      %dma_wait3A_1509 = arith.constant 6 : i32
      %dma_wait3A_1510 = arith.constant 0 : i32
      %dma_wait3A_1511 = arith.constant 0 : i32
      %dma_wait3A_1512 = tpu.memref_slice %arg12[%dma_wait3A_1509, %dma_wait3A_1510, %dma_wait3A_1511] : memref<8x8x128xf32, #tpu.memory_space<vmem>> -> memref<1x8x128xf32, #tpu.memory_space<vmem>>
      %dma_wait3A_1513 = arith.constant 0 : i32
      %dma_wait3A_1514 = tpu.memref_slice %arg2[%dma_wait3A_1513, %multiple_of3A_1506, %multiple_of3A_1508] : memref<1x2048x100000xf32, #tpu.memory_space<hbm>> -> memref<1x8x128xf32, #tpu.memory_space<hbm>>
      %dma_wait3A_1515 = arith.constant 6 : i32
      %dma_wait3A_1516 = arith.constant 0 : i32
      %dma_wait3A_1517 = arith.constant 0 : i32
      %dma_wait3A_1518 = tpu.memref_slice %arg12[%dma_wait3A_1515, %dma_wait3A_1516, %dma_wait3A_1517] : memref<8x8x128xf32, #tpu.memory_space<vmem>> -> memref<1x8x128xf32, #tpu.memory_space<vmem>>
      %dma_wait3A_1519 = arith.constant 0 : i32
      %dma_wait3A_1520 = tpu.memref_slice %arg2[%dma_wait3A_1519, %multiple_of3A_1506, %multiple_of3A_1508] : memref<1x2048x100000xf32, #tpu.memory_space<hbm>> -> memref<1x8x128xf32, #tpu.memory_space<hbm>>
      tpu.wait_dma2 semaphore(%arg15 : memref<!tpu.dma_semaphore, #tpu.memory_space<semaphore_mem>>) src(%dma_wait3A_1520 : memref<1x8x128xf32, #tpu.memory_space<hbm>>) dst(%dma_wait3A_1518 : memref<1x8x128xf32, #tpu.memory_space<vmem>>)
      %multiple_of3A_1521 = arith.constant 0 : i32
      %multiple_of3A_1522 = tpu.assume_multiple %multiple_of3A_1521, 8 : i32
      %multiple_of3A_1523 = arith.constant 0 : i32
      %multiple_of3A_1524 = tpu.assume_multiple %multiple_of3A_1523, 128 : i32
      %dma_wait3A_1525 = arith.constant 7 : i32
      %dma_wait3A_1526 = arith.constant 0 : i32
      %dma_wait3A_1527 = arith.constant 0 : i32
      %dma_wait3A_1528 = tpu.memref_slice %arg12[%dma_wait3A_1525, %dma_wait3A_1526, %dma_wait3A_1527] : memref<8x8x128xf32, #tpu.memory_space<vmem>> -> memref<1x8x128xf32, #tpu.memory_space<vmem>>
      %dma_wait3A_1529 = arith.constant 0 : i32
      %dma_wait3A_1530 = tpu.memref_slice %arg2[%dma_wait3A_1529, %multiple_of3A_1522, %multiple_of3A_1524] : memref<1x2048x100000xf32, #tpu.memory_space<hbm>> -> memref<1x8x128xf32, #tpu.memory_space<hbm>>
      %dma_wait3A_1531 = arith.constant 7 : i32
      %dma_wait3A_1532 = arith.constant 0 : i32
      %dma_wait3A_1533 = arith.constant 0 : i32
      %dma_wait3A_1534 = tpu.memref_slice %arg12[%dma_wait3A_1531, %dma_wait3A_1532, %dma_wait3A_1533] : memref<8x8x128xf32, #tpu.memory_space<vmem>> -> memref<1x8x128xf32, #tpu.memory_space<vmem>>
      %dma_wait3A_1535 = arith.constant 0 : i32
      %dma_wait3A_1536 = tpu.memref_slice %arg2[%dma_wait3A_1535, %multiple_of3A_1522, %multiple_of3A_1524] : memref<1x2048x100000xf32, #tpu.memory_space<hbm>> -> memref<1x8x128xf32, #tpu.memory_space<hbm>>
      tpu.wait_dma2 semaphore(%arg15 : memref<!tpu.dma_semaphore, #tpu.memory_space<semaphore_mem>>) src(%dma_wait3A_1536 : memref<1x8x128xf32, #tpu.memory_space<hbm>>) dst(%dma_wait3A_1534 : memref<1x8x128xf32, #tpu.memory_space<vmem>>)
      %add3A_1537 = arith.constant 1 : i32
      %add3A_1538 = arith.addi %add3A_895, %add3A_1537 : i32
      %and3A_1539 = arith.constant 7 : i32
      %and3A_1540 = arith.andi %add3A_1538, %and3A_1539 : i32
      %slice3A_1541 = vector.extract_strided_slice %get3A_883 {offsets = [8], sizes = [1], strides = [1]} : vector<16xi32> to vector<1xi32>
      %squeeze3A_1542 = vector.extract %slice3A_1541[0] : i32 from vector<1xi32>
      %shift_right_arithmetic3A_1543 = arith.constant 4 : i32
      %shift_right_arithmetic3A_1544 = arith.shrsi %squeeze3A_1542, %shift_right_arithmetic3A_1543 : i32
      %shift_left3A_1545 = arith.constant 4 : i32
      %shift_left3A_1546 = arith.shli %shift_right_arithmetic3A_1544, %shift_left3A_1545 : i32
      %shift_right_arithmetic3A_1547 = arith.constant 7 : i32
      %shift_right_arithmetic3A_1548 = arith.shrsi %squeeze3A_1542, %shift_right_arithmetic3A_1547 : i32
      %shift_left3A_1549 = arith.constant 7 : i32
      %shift_left3A_1550 = arith.shli %shift_right_arithmetic3A_1548, %shift_left3A_1549 : i32
      %sub3A_1551 = arith.subi %shift_left3A_1546, %shift_left3A_1550 : i32
      %get3A_1552 = arith.constant 0 : i32
      %get3A_1553 = arith.index_cast %get3A_1552 : i32 to index
      %get3A_1554 = arith.index_cast %and3A_1540 : i32 to index
      %get3A_1555 = arith.index_cast %sub3A_1551 : i32 to index
      %get3A_1556 = tpu.vector_load %arg12[%get3A_1553, %get3A_1554, %get3A_1555] {strides = array<i32>} : memref<8x8x128xf32, #tpu.memory_space<vmem>>, vector<16xf32>,
      %and3A_1557 = arith.constant 15 : i32
      %and3A_1558 = arith.andi %squeeze3A_1542, %and3A_1557 : i32
      %broadcast_in_dim3A_1559 = vector.broadcast %and3A_1558 : i32 to vector<16xi32>
      %slice3A_1560 = vector.extract_strided_slice %get3A_892 {offsets = [8], sizes = [1], strides = [1]} : vector<16xf32> to vector<1xf32>
      %squeeze3A_1561 = vector.extract %slice3A_1560[0] : f32 from vector<1xf32>
      %broadcast_in_dim3A_1562 = vector.broadcast %squeeze3A_1561 : f32 to vector<16xf32>
      %eq3A_1563 = arith.cmpi eq, %iota3A, %broadcast_in_dim3A_1559 : vector<16xi32>
      %mul3A_1564 = arith.mulf %get3A_1556, %broadcast_in_dim3A_1562 : vector<16xf32>
      %broadcast_in_dim3A_1565 = arith.constant 0.000000e+00 : f32
      %broadcast_in_dim3A_1566 = vector.broadcast %broadcast_in_dim3A_1565 : f32 to vector<16xf32>
      %select_n3A_1567 = arith.select %eq3A_1563, %mul3A_1564, %broadcast_in_dim3A_1566 : vector<16xi1>, vector<16xf32>
      %add3A_1568 = arith.addf %add3A_1406, %select_n3A_1567 : vector<16xf32>
      %slice3A_1569 = vector.extract_strided_slice %get3A_883 {offsets = [9], sizes = [1], strides = [1]} : vector<16xi32> to vector<1xi32>
      %squeeze3A_1570 = vector.extract %slice3A_1569[0] : i32 from vector<1xi32>
      %shift_right_arithmetic3A_1571 = arith.constant 4 : i32
      %shift_right_arithmetic3A_1572 = arith.shrsi %squeeze3A_1570, %shift_right_arithmetic3A_1571 : i32
      %shift_left3A_1573 = arith.constant 4 : i32
      %shift_left3A_1574 = arith.shli %shift_right_arithmetic3A_1572, %shift_left3A_1573 : i32
      %shift_right_arithmetic3A_1575 = arith.constant 7 : i32
      %shift_right_arithmetic3A_1576 = arith.shrsi %squeeze3A_1570, %shift_right_arithmetic3A_1575 : i32
      %shift_left3A_1577 = arith.constant 7 : i32
      %shift_left3A_1578 = arith.shli %shift_right_arithmetic3A_1576, %shift_left3A_1577 : i32
      %sub3A_1579 = arith.subi %shift_left3A_1574, %shift_left3A_1578 : i32
      %get3A_1580 = arith.constant 1 : i32
      %get3A_1581 = arith.index_cast %get3A_1580 : i32 to index
      %get3A_1582 = arith.index_cast %and3A_1540 : i32 to index
      %get3A_1583 = arith.index_cast %sub3A_1579 : i32 to index
      %get3A_1584 = tpu.vector_load %arg12[%get3A_1581, %get3A_1582, %get3A_1583] {strides = array<i32>} : memref<8x8x128xf32, #tpu.memory_space<vmem>>, vector<16xf32>,
      %and3A_1585 = arith.constant 15 : i32
      %and3A_1586 = arith.andi %squeeze3A_1570, %and3A_1585 : i32
      %broadcast_in_dim3A_1587 = vector.broadcast %and3A_1586 : i32 to vector<16xi32>
      %slice3A_1588 = vector.extract_strided_slice %get3A_892 {offsets = [9], sizes = [1], strides = [1]} : vector<16xf32> to vector<1xf32>
      %squeeze3A_1589 = vector.extract %slice3A_1588[0] : f32 from vector<1xf32>
      %broadcast_in_dim3A_1590 = vector.broadcast %squeeze3A_1589 : f32 to vector<16xf32>
      %eq3A_1591 = arith.cmpi eq, %iota3A, %broadcast_in_dim3A_1587 : vector<16xi32>
      %mul3A_1592 = arith.mulf %get3A_1584, %broadcast_in_dim3A_1590 : vector<16xf32>
      %broadcast_in_dim3A_1593 = arith.constant 0.000000e+00 : f32
      %broadcast_in_dim3A_1594 = vector.broadcast %broadcast_in_dim3A_1593 : f32 to vector<16xf32>
      %select_n3A_1595 = arith.select %eq3A_1591, %mul3A_1592, %broadcast_in_dim3A_1594 : vector<16xi1>, vector<16xf32>
      %add3A_1596 = arith.addf %add3A_1568, %select_n3A_1595 : vector<16xf32>
      %slice3A_1597 = vector.extract_strided_slice %get3A_883 {offsets = [10], sizes = [1], strides = [1]} : vector<16xi32> to vector<1xi32>
      %squeeze3A_1598 = vector.extract %slice3A_1597[0] : i32 from vector<1xi32>
      %shift_right_arithmetic3A_1599 = arith.constant 4 : i32
      %shift_right_arithmetic3A_1600 = arith.shrsi %squeeze3A_1598, %shift_right_arithmetic3A_1599 : i32
      %shift_left3A_1601 = arith.constant 4 : i32
      %shift_left3A_1602 = arith.shli %shift_right_arithmetic3A_1600, %shift_left3A_1601 : i32
      %shift_right_arithmetic3A_1603 = arith.constant 7 : i32
      %shift_right_arithmetic3A_1604 = arith.shrsi %squeeze3A_1598, %shift_right_arithmetic3A_1603 : i32
      %shift_left3A_1605 = arith.constant 7 : i32
      %shift_left3A_1606 = arith.shli %shift_right_arithmetic3A_1604, %shift_left3A_1605 : i32
      %sub3A_1607 = arith.subi %shift_left3A_1602, %shift_left3A_1606 : i32
      %get3A_1608 = arith.constant 2 : i32
      %get3A_1609 = arith.index_cast %get3A_1608 : i32 to index
      %get3A_1610 = arith.index_cast %and3A_1540 : i32 to index
      %get3A_1611 = arith.index_cast %sub3A_1607 : i32 to index
      %get3A_1612 = tpu.vector_load %arg12[%get3A_1609, %get3A_1610, %get3A_1611] {strides = array<i32>} : memref<8x8x128xf32, #tpu.memory_space<vmem>>, vector<16xf32>,
      %and3A_1613 = arith.constant 15 : i32
      %and3A_1614 = arith.andi %squeeze3A_1598, %and3A_1613 : i32
      %broadcast_in_dim3A_1615 = vector.broadcast %and3A_1614 : i32 to vector<16xi32>
      %slice3A_1616 = vector.extract_strided_slice %get3A_892 {offsets = [10], sizes = [1], strides = [1]} : vector<16xf32> to vector<1xf32>
      %squeeze3A_1617 = vector.extract %slice3A_1616[0] : f32 from vector<1xf32>
      %broadcast_in_dim3A_1618 = vector.broadcast %squeeze3A_1617 : f32 to vector<16xf32>
      %eq3A_1619 = arith.cmpi eq, %iota3A, %broadcast_in_dim3A_1615 : vector<16xi32>
      %mul3A_1620 = arith.mulf %get3A_1612, %broadcast_in_dim3A_1618 : vector<16xf32>
      %broadcast_in_dim3A_1621 = arith.constant 0.000000e+00 : f32
      %broadcast_in_dim3A_1622 = vector.broadcast %broadcast_in_dim3A_1621 : f32 to vector<16xf32>
      %select_n3A_1623 = arith.select %eq3A_1619, %mul3A_1620, %broadcast_in_dim3A_1622 : vector<16xi1>, vector<16xf32>
      %add3A_1624 = arith.addf %add3A_1596, %select_n3A_1623 : vector<16xf32>
      %slice3A_1625 = vector.extract_strided_slice %get3A_883 {offsets = [11], sizes = [1], strides = [1]} : vector<16xi32> to vector<1xi32>
      %squeeze3A_1626 = vector.extract %slice3A_1625[0] : i32 from vector<1xi32>
      %shift_right_arithmetic3A_1627 = arith.constant 4 : i32
      %shift_right_arithmetic3A_1628 = arith.shrsi %squeeze3A_1626, %shift_right_arithmetic3A_1627 : i32
      %shift_left3A_1629 = arith.constant 4 : i32
      %shift_left3A_1630 = arith.shli %shift_right_arithmetic3A_1628, %shift_left3A_1629 : i32
      %shift_right_arithmetic3A_1631 = arith.constant 7 : i32
      %shift_right_arithmetic3A_1632 = arith.shrsi %squeeze3A_1626, %shift_right_arithmetic3A_1631 : i32
      %shift_left3A_1633 = arith.constant 7 : i32
      %shift_left3A_1634 = arith.shli %shift_right_arithmetic3A_1632, %shift_left3A_1633 : i32
      %sub3A_1635 = arith.subi %shift_left3A_1630, %shift_left3A_1634 : i32
      %get3A_1636 = arith.constant 3 : i32
      %get3A_1637 = arith.index_cast %get3A_1636 : i32 to index
      %get3A_1638 = arith.index_cast %and3A_1540 : i32 to index
      %get3A_1639 = arith.index_cast %sub3A_1635 : i32 to index
      %get3A_1640 = tpu.vector_load %arg12[%get3A_1637, %get3A_1638, %get3A_1639] {strides = array<i32>} : memref<8x8x128xf32, #tpu.memory_space<vmem>>, vector<16xf32>,
      %and3A_1641 = arith.constant 15 : i32
      %and3A_1642 = arith.andi %squeeze3A_1626, %and3A_1641 : i32
      %broadcast_in_dim3A_1643 = vector.broadcast %and3A_1642 : i32 to vector<16xi32>
      %slice3A_1644 = vector.extract_strided_slice %get3A_892 {offsets = [11], sizes = [1], strides = [1]} : vector<16xf32> to vector<1xf32>
      %squeeze3A_1645 = vector.extract %slice3A_1644[0] : f32 from vector<1xf32>
      %broadcast_in_dim3A_1646 = vector.broadcast %squeeze3A_1645 : f32 to vector<16xf32>
      %eq3A_1647 = arith.cmpi eq, %iota3A, %broadcast_in_dim3A_1643 : vector<16xi32>
      %mul3A_1648 = arith.mulf %get3A_1640, %broadcast_in_dim3A_1646 : vector<16xf32>
      %broadcast_in_dim3A_1649 = arith.constant 0.000000e+00 : f32
      %broadcast_in_dim3A_1650 = vector.broadcast %broadcast_in_dim3A_1649 : f32 to vector<16xf32>
      %select_n3A_1651 = arith.select %eq3A_1647, %mul3A_1648, %broadcast_in_dim3A_1650 : vector<16xi1>, vector<16xf32>
      %add3A_1652 = arith.addf %add3A_1624, %select_n3A_1651 : vector<16xf32>
      %slice3A_1653 = vector.extract_strided_slice %get3A_883 {offsets = [12], sizes = [1], strides = [1]} : vector<16xi32> to vector<1xi32>
      %squeeze3A_1654 = vector.extract %slice3A_1653[0] : i32 from vector<1xi32>
      %shift_right_arithmetic3A_1655 = arith.constant 4 : i32
      %shift_right_arithmetic3A_1656 = arith.shrsi %squeeze3A_1654, %shift_right_arithmetic3A_1655 : i32
      %shift_left3A_1657 = arith.constant 4 : i32
      %shift_left3A_1658 = arith.shli %shift_right_arithmetic3A_1656, %shift_left3A_1657 : i32
      %shift_right_arithmetic3A_1659 = arith.constant 7 : i32
      %shift_right_arithmetic3A_1660 = arith.shrsi %squeeze3A_1654, %shift_right_arithmetic3A_1659 : i32
      %shift_left3A_1661 = arith.constant 7 : i32
      %shift_left3A_1662 = arith.shli %shift_right_arithmetic3A_1660, %shift_left3A_1661 : i32
      %sub3A_1663 = arith.subi %shift_left3A_1658, %shift_left3A_1662 : i32
      %get3A_1664 = arith.constant 4 : i32
      %get3A_1665 = arith.index_cast %get3A_1664 : i32 to index
      %get3A_1666 = arith.index_cast %and3A_1540 : i32 to index
      %get3A_1667 = arith.index_cast %sub3A_1663 : i32 to index
      %get3A_1668 = tpu.vector_load %arg12[%get3A_1665, %get3A_1666, %get3A_1667] {strides = array<i32>} : memref<8x8x128xf32, #tpu.memory_space<vmem>>, vector<16xf32>,
      %and3A_1669 = arith.constant 15 : i32
      %and3A_1670 = arith.andi %squeeze3A_1654, %and3A_1669 : i32
      %broadcast_in_dim3A_1671 = vector.broadcast %and3A_1670 : i32 to vector<16xi32>
      %slice3A_1672 = vector.extract_strided_slice %get3A_892 {offsets = [12], sizes = [1], strides = [1]} : vector<16xf32> to vector<1xf32>
      %squeeze3A_1673 = vector.extract %slice3A_1672[0] : f32 from vector<1xf32>
      %broadcast_in_dim3A_1674 = vector.broadcast %squeeze3A_1673 : f32 to vector<16xf32>
      %eq3A_1675 = arith.cmpi eq, %iota3A, %broadcast_in_dim3A_1671 : vector<16xi32>
      %mul3A_1676 = arith.mulf %get3A_1668, %broadcast_in_dim3A_1674 : vector<16xf32>
      %broadcast_in_dim3A_1677 = arith.constant 0.000000e+00 : f32
      %broadcast_in_dim3A_1678 = vector.broadcast %broadcast_in_dim3A_1677 : f32 to vector<16xf32>
      %select_n3A_1679 = arith.select %eq3A_1675, %mul3A_1676, %broadcast_in_dim3A_1678 : vector<16xi1>, vector<16xf32>
      %add3A_1680 = arith.addf %add3A_1652, %select_n3A_1679 : vector<16xf32>
      %slice3A_1681 = vector.extract_strided_slice %get3A_883 {offsets = [13], sizes = [1], strides = [1]} : vector<16xi32> to vector<1xi32>
      %squeeze3A_1682 = vector.extract %slice3A_1681[0] : i32 from vector<1xi32>
      %shift_right_arithmetic3A_1683 = arith.constant 4 : i32
      %shift_right_arithmetic3A_1684 = arith.shrsi %squeeze3A_1682, %shift_right_arithmetic3A_1683 : i32
      %shift_left3A_1685 = arith.constant 4 : i32
      %shift_left3A_1686 = arith.shli %shift_right_arithmetic3A_1684, %shift_left3A_1685 : i32
      %shift_right_arithmetic3A_1687 = arith.constant 7 : i32
      %shift_right_arithmetic3A_1688 = arith.shrsi %squeeze3A_1682, %shift_right_arithmetic3A_1687 : i32
      %shift_left3A_1689 = arith.constant 7 : i32
      %shift_left3A_1690 = arith.shli %shift_right_arithmetic3A_1688, %shift_left3A_1689 : i32
      %sub3A_1691 = arith.subi %shift_left3A_1686, %shift_left3A_1690 : i32
      %get3A_1692 = arith.constant 5 : i32
      %get3A_1693 = arith.index_cast %get3A_1692 : i32 to index
      %get3A_1694 = arith.index_cast %and3A_1540 : i32 to index
      %get3A_1695 = arith.index_cast %sub3A_1691 : i32 to index
      %get3A_1696 = tpu.vector_load %arg12[%get3A_1693, %get3A_1694, %get3A_1695] {strides = array<i32>} : memref<8x8x128xf32, #tpu.memory_space<vmem>>, vector<16xf32>,
      %and3A_1697 = arith.constant 15 : i32
      %and3A_1698 = arith.andi %squeeze3A_1682, %and3A_1697 : i32
      %broadcast_in_dim3A_1699 = vector.broadcast %and3A_1698 : i32 to vector<16xi32>
      %slice3A_1700 = vector.extract_strided_slice %get3A_892 {offsets = [13], sizes = [1], strides = [1]} : vector<16xf32> to vector<1xf32>
      %squeeze3A_1701 = vector.extract %slice3A_1700[0] : f32 from vector<1xf32>
      %broadcast_in_dim3A_1702 = vector.broadcast %squeeze3A_1701 : f32 to vector<16xf32>
      %eq3A_1703 = arith.cmpi eq, %iota3A, %broadcast_in_dim3A_1699 : vector<16xi32>
      %mul3A_1704 = arith.mulf %get3A_1696, %broadcast_in_dim3A_1702 : vector<16xf32>
      %broadcast_in_dim3A_1705 = arith.constant 0.000000e+00 : f32
      %broadcast_in_dim3A_1706 = vector.broadcast %broadcast_in_dim3A_1705 : f32 to vector<16xf32>
      %select_n3A_1707 = arith.select %eq3A_1703, %mul3A_1704, %broadcast_in_dim3A_1706 : vector<16xi1>, vector<16xf32>
      %add3A_1708 = arith.addf %add3A_1680, %select_n3A_1707 : vector<16xf32>
      %slice3A_1709 = vector.extract_strided_slice %get3A_883 {offsets = [14], sizes = [1], strides = [1]} : vector<16xi32> to vector<1xi32>
      %squeeze3A_1710 = vector.extract %slice3A_1709[0] : i32 from vector<1xi32>
      %shift_right_arithmetic3A_1711 = arith.constant 4 : i32
      %shift_right_arithmetic3A_1712 = arith.shrsi %squeeze3A_1710, %shift_right_arithmetic3A_1711 : i32
      %shift_left3A_1713 = arith.constant 4 : i32
      %shift_left3A_1714 = arith.shli %shift_right_arithmetic3A_1712, %shift_left3A_1713 : i32
      %shift_right_arithmetic3A_1715 = arith.constant 7 : i32
      %shift_right_arithmetic3A_1716 = arith.shrsi %squeeze3A_1710, %shift_right_arithmetic3A_1715 : i32
      %shift_left3A_1717 = arith.constant 7 : i32
      %shift_left3A_1718 = arith.shli %shift_right_arithmetic3A_1716, %shift_left3A_1717 : i32
      %sub3A_1719 = arith.subi %shift_left3A_1714, %shift_left3A_1718 : i32
      %get3A_1720 = arith.constant 6 : i32
      %get3A_1721 = arith.index_cast %get3A_1720 : i32 to index
      %get3A_1722 = arith.index_cast %and3A_1540 : i32 to index
      %get3A_1723 = arith.index_cast %sub3A_1719 : i32 to index
      %get3A_1724 = tpu.vector_load %arg12[%get3A_1721, %get3A_1722, %get3A_1723] {strides = array<i32>} : memref<8x8x128xf32, #tpu.memory_space<vmem>>, vector<16xf32>,
      %and3A_1725 = arith.constant 15 : i32
      %and3A_1726 = arith.andi %squeeze3A_1710, %and3A_1725 : i32
      %broadcast_in_dim3A_1727 = vector.broadcast %and3A_1726 : i32 to vector<16xi32>
      %slice3A_1728 = vector.extract_strided_slice %get3A_892 {offsets = [14], sizes = [1], strides = [1]} : vector<16xf32> to vector<1xf32>
      %squeeze3A_1729 = vector.extract %slice3A_1728[0] : f32 from vector<1xf32>
      %broadcast_in_dim3A_1730 = vector.broadcast %squeeze3A_1729 : f32 to vector<16xf32>
      %eq3A_1731 = arith.cmpi eq, %iota3A, %broadcast_in_dim3A_1727 : vector<16xi32>
      %mul3A_1732 = arith.mulf %get3A_1724, %broadcast_in_dim3A_1730 : vector<16xf32>
      %broadcast_in_dim3A_1733 = arith.constant 0.000000e+00 : f32
      %broadcast_in_dim3A_1734 = vector.broadcast %broadcast_in_dim3A_1733 : f32 to vector<16xf32>
      %select_n3A_1735 = arith.select %eq3A_1731, %mul3A_1732, %broadcast_in_dim3A_1734 : vector<16xi1>, vector<16xf32>
      %add3A_1736 = arith.addf %add3A_1708, %select_n3A_1735 : vector<16xf32>
      %slice3A_1737 = vector.extract_strided_slice %get3A_883 {offsets = [15], sizes = [1], strides = [1]} : vector<16xi32> to vector<1xi32>
      %squeeze3A_1738 = vector.extract %slice3A_1737[0] : i32 from vector<1xi32>
      %shift_right_arithmetic3A_1739 = arith.constant 4 : i32
      %shift_right_arithmetic3A_1740 = arith.shrsi %squeeze3A_1738, %shift_right_arithmetic3A_1739 : i32
      %shift_left3A_1741 = arith.constant 4 : i32
      %shift_left3A_1742 = arith.shli %shift_right_arithmetic3A_1740, %shift_left3A_1741 : i32
      %shift_right_arithmetic3A_1743 = arith.constant 7 : i32
      %shift_right_arithmetic3A_1744 = arith.shrsi %squeeze3A_1738, %shift_right_arithmetic3A_1743 : i32
      %shift_left3A_1745 = arith.constant 7 : i32
      %shift_left3A_1746 = arith.shli %shift_right_arithmetic3A_1744, %shift_left3A_1745 : i32
      %sub3A_1747 = arith.subi %shift_left3A_1742, %shift_left3A_1746 : i32
      %get3A_1748 = arith.constant 7 : i32
      %get3A_1749 = arith.index_cast %get3A_1748 : i32 to index
      %get3A_1750 = arith.index_cast %and3A_1540 : i32 to index
      %get3A_1751 = arith.index_cast %sub3A_1747 : i32 to index
      %get3A_1752 = tpu.vector_load %arg12[%get3A_1749, %get3A_1750, %get3A_1751] {strides = array<i32>} : memref<8x8x128xf32, #tpu.memory_space<vmem>>, vector<16xf32>,
      %and3A_1753 = arith.constant 15 : i32
      %and3A_1754 = arith.andi %squeeze3A_1738, %and3A_1753 : i32
      %broadcast_in_dim3A_1755 = vector.broadcast %and3A_1754 : i32 to vector<16xi32>
      %slice3A_1756 = vector.extract_strided_slice %get3A_892 {offsets = [15], sizes = [1], strides = [1]} : vector<16xf32> to vector<1xf32>
      %squeeze3A_1757 = vector.extract %slice3A_1756[0] : f32 from vector<1xf32>
      %broadcast_in_dim3A_1758 = vector.broadcast %squeeze3A_1757 : f32 to vector<16xf32>
      %eq3A_1759 = arith.cmpi eq, %iota3A, %broadcast_in_dim3A_1755 : vector<16xi32>
      %mul3A_1760 = arith.mulf %get3A_1752, %broadcast_in_dim3A_1758 : vector<16xf32>
      %broadcast_in_dim3A_1761 = arith.constant 0.000000e+00 : f32
      %broadcast_in_dim3A_1762 = vector.broadcast %broadcast_in_dim3A_1761 : f32 to vector<16xf32>
      %select_n3A_1763 = arith.select %eq3A_1759, %mul3A_1760, %broadcast_in_dim3A_1762 : vector<16xi1>, vector<16xf32>
      %add3A_1764 = arith.addf %add3A_1736, %select_n3A_1763 : vector<16xf32>
      scf.yield %add3A_1764 : vector<16xf32>
    }
    %scan3A_786 = arith.constant 32 : i32
    %broadcast_in_dim3A_787 = arith.constant 0.000000e+00 : f32
    %broadcast_in_dim3A_788 = vector.broadcast %broadcast_in_dim3A_787 : f32 to vector<16xf32>
    %get3A_789 = arith.constant 0 : i32
    %get3A_790 = arith.index_cast %get3A_789 : i32 to index
    %get3A_791 = arith.constant 0 : index
    %get3A_792 = tpu.vector_load %arg10[%get3A_790, %get3A_791] {strides = array<i32>} : memref<1x128xf32, #tpu.memory_space<vmem>>, vector<16xf32>,
    %add3A_793 = arith.addf %broadcast_in_dim3A_788, %get3A_792 : vector<16xf32>
    %get3A_794 = arith.constant 0 : i32
    %get3A_795 = arith.index_cast %get3A_794 : i32 to index
    %get3A_796 = arith.constant 16 : index
    %get3A_797 = tpu.vector_load %arg10[%get3A_795, %get3A_796] {strides = array<i32>} : memref<1x128xf32, #tpu.memory_space<vmem>>, vector<16xf32>,
    %add3A_798 = arith.addf %add3A_793, %get3A_797 : vector<16xf32>
    %get3A_799 = arith.constant 0 : i32
    %get3A_800 = arith.index_cast %get3A_799 : i32 to index
    %get3A_801 = arith.constant 32 : index
    %get3A_802 = tpu.vector_load %arg10[%get3A_800, %get3A_801] {strides = array<i32>} : memref<1x128xf32, #tpu.memory_space<vmem>>, vector<16xf32>,
    %add3A_803 = arith.addf %add3A_798, %get3A_802 : vector<16xf32>
    %get3A_804 = arith.constant 0 : i32
    %get3A_805 = arith.index_cast %get3A_804 : i32 to index
    %get3A_806 = arith.constant 48 : index
    %get3A_807 = tpu.vector_load %arg10[%get3A_805, %get3A_806] {strides = array<i32>} : memref<1x128xf32, #tpu.memory_space<vmem>>, vector<16xf32>,
    %add3A_808 = arith.addf %add3A_803, %get3A_807 : vector<16xf32>
    %reduce_sum3A = arith.constant true
    %reduce_sum3A_809 = vector.broadcast %reduce_sum3A : i1 to vector<16xi1>
    %reduce_sum3A_810 = tpu.scan <sum>, %scan3A_785 masked %reduce_sum3A_809 : vector<16xf32>, vector<16xi1> -> vector<16xf32>
    %reduce_sum3A_811 = vector.extract %reduce_sum3A_810[15] : f32 from vector<16xf32>
    %reduce_sum3A_812 = arith.constant true
    %reduce_sum3A_813 = vector.broadcast %reduce_sum3A_812 : i1 to vector<16xi1>
    %reduce_sum3A_814 = tpu.scan <sum>, %add3A_808 masked %reduce_sum3A_813 : vector<16xf32>, vector<16xi1> -> vector<16xf32>
    %reduce_sum3A_815 = vector.extract %reduce_sum3A_814[15] : f32 from vector<16xf32>
    %eq3A_816 = arith.constant 0 : i32
    %eq3A_817 = vector.broadcast %eq3A_816 : i32 to vector<16xi32>
    %eq3A_818 = arith.cmpi eq, %iota3A, %eq3A_817 : vector<16xi32>
    %broadcast_in_dim3A_819 = vector.broadcast %reduce_sum3A_811 : f32 to vector<16xf32>
    %eq3A_820 = arith.constant 1 : i32
    %eq3A_821 = vector.broadcast %eq3A_820 : i32 to vector<16xi32>
    %eq3A_822 = arith.cmpi eq, %iota3A, %eq3A_821 : vector<16xi32>
    %broadcast_in_dim3A_823 = vector.broadcast %reduce_sum3A_815 : f32 to vector<16xf32>
    %broadcast_in_dim3A_824 = arith.constant 0.000000e+00 : f32
    %broadcast_in_dim3A_825 = vector.broadcast %broadcast_in_dim3A_824 : f32 to vector<16xf32>
    %select_n3A_826 = arith.select %eq3A_822, %broadcast_in_dim3A_823, %broadcast_in_dim3A_825 : vector<16xi1>, vector<16xf32>
    %select_n3A_827 = arith.select %eq3A_818, %broadcast_in_dim3A_819, %select_n3A_826 : vector<16xi1>, vector<16xf32>
    %swap3A_828 = arith.constant 0 : i32
    %swap3A_829 = arith.index_cast %swap3A_828 : i32 to index
    %swap3A_830 = arith.constant 0 : index
    %swap3A_831 = tpu.vector_load %arg13[%swap3A_829, %swap3A_830] {strides = array<i32>} : memref<1x128xf32, #tpu.memory_space<vmem>>, vector<16xf32>,
    tpu.vector_store %arg13[%swap3A_829, %swap3A_830], %select_n3A_827 {strides = array<i32>} : memref<1x128xf32, #tpu.memory_space<vmem>>, vector<16xf32>,
    %broadcast_in_dim3A_832 = arith.constant 0.000000e+00 : f32
    %broadcast_in_dim3A_833 = vector.broadcast %broadcast_in_dim3A_832 : f32 to vector<16xf32>
    %swap3A_834 = arith.constant 0 : i32
    %swap3A_835 = arith.index_cast %swap3A_834 : i32 to index
    %swap3A_836 = arith.constant 16 : index
    %swap3A_837 = tpu.vector_load %arg13[%swap3A_835, %swap3A_836] {strides = array<i32>} : memref<1x128xf32, #tpu.memory_space<vmem>>, vector<16xf32>,
    tpu.vector_store %arg13[%swap3A_835, %swap3A_836], %broadcast_in_dim3A_833 {strides = array<i32>} : memref<1x128xf32, #tpu.memory_space<vmem>>, vector<16xf32>,
    %broadcast_in_dim3A_838 = arith.constant 0.000000e+00 : f32
    %broadcast_in_dim3A_839 = vector.broadcast %broadcast_in_dim3A_838 : f32 to vector<16xf32>
    %swap3A_840 = arith.constant 0 : i32
    %swap3A_841 = arith.index_cast %swap3A_840 : i32 to index
    %swap3A_842 = arith.constant 32 : index
    %swap3A_843 = tpu.vector_load %arg13[%swap3A_841, %swap3A_842] {strides = array<i32>} : memref<1x128xf32, #tpu.memory_space<vmem>>, vector<16xf32>,
    tpu.vector_store %arg13[%swap3A_841, %swap3A_842], %broadcast_in_dim3A_839 {strides = array<i32>} : memref<1x128xf32, #tpu.memory_space<vmem>>, vector<16xf32>,
    %broadcast_in_dim3A_844 = arith.constant 0.000000e+00 : f32
    %broadcast_in_dim3A_845 = vector.broadcast %broadcast_in_dim3A_844 : f32 to vector<16xf32>
    %swap3A_846 = arith.constant 0 : i32
    %swap3A_847 = arith.index_cast %swap3A_846 : i32 to index
    %swap3A_848 = arith.constant 48 : index
    %swap3A_849 = tpu.vector_load %arg13[%swap3A_847, %swap3A_848] {strides = array<i32>} : memref<1x128xf32, #tpu.memory_space<vmem>>, vector<16xf32>,
    tpu.vector_store %arg13[%swap3A_847, %swap3A_848], %broadcast_in_dim3A_845 {strides = array<i32>} : memref<1x128xf32, #tpu.memory_space<vmem>>, vector<16xf32>,
    %broadcast_in_dim3A_850 = arith.constant 0.000000e+00 : f32
    %broadcast_in_dim3A_851 = vector.broadcast %broadcast_in_dim3A_850 : f32 to vector<16xf32>
    %swap3A_852 = arith.constant 0 : i32
    %swap3A_853 = arith.index_cast %swap3A_852 : i32 to index
    %swap3A_854 = arith.constant 64 : index
    %swap3A_855 = tpu.vector_load %arg13[%swap3A_853, %swap3A_854] {strides = array<i32>} : memref<1x128xf32, #tpu.memory_space<vmem>>, vector<16xf32>,
    tpu.vector_store %arg13[%swap3A_853, %swap3A_854], %broadcast_in_dim3A_851 {strides = array<i32>} : memref<1x128xf32, #tpu.memory_space<vmem>>, vector<16xf32>,
    %broadcast_in_dim3A_856 = arith.constant 0.000000e+00 : f32
    %broadcast_in_dim3A_857 = vector.broadcast %broadcast_in_dim3A_856 : f32 to vector<16xf32>
    %swap3A_858 = arith.constant 0 : i32
    %swap3A_859 = arith.index_cast %swap3A_858 : i32 to index
    %swap3A_860 = arith.constant 80 : index
    %swap3A_861 = tpu.vector_load %arg13[%swap3A_859, %swap3A_860] {strides = array<i32>} : memref<1x128xf32, #tpu.memory_space<vmem>>, vector<16xf32>,
    tpu.vector_store %arg13[%swap3A_859, %swap3A_860], %broadcast_in_dim3A_857 {strides = array<i32>} : memref<1x128xf32, #tpu.memory_space<vmem>>, vector<16xf32>,
    %broadcast_in_dim3A_862 = arith.constant 0.000000e+00 : f32
    %broadcast_in_dim3A_863 = vector.broadcast %broadcast_in_dim3A_862 : f32 to vector<16xf32>
    %swap3A_864 = arith.constant 0 : i32
    %swap3A_865 = arith.index_cast %swap3A_864 : i32 to index
    %swap3A_866 = arith.constant 96 : index
    %swap3A_867 = tpu.vector_load %arg13[%swap3A_865, %swap3A_866] {strides = array<i32>} : memref<1x128xf32, #tpu.memory_space<vmem>>, vector<16xf32>,
    tpu.vector_store %arg13[%swap3A_865, %swap3A_866], %broadcast_in_dim3A_863 {strides = array<i32>} : memref<1x128xf32, #tpu.memory_space<vmem>>, vector<16xf32>,
    %broadcast_in_dim3A_868 = arith.constant 0.000000e+00 : f32
    %broadcast_in_dim3A_869 = vector.broadcast %broadcast_in_dim3A_868 : f32 to vector<16xf32>
    %swap3A_870 = arith.constant 0 : i32
    %swap3A_871 = arith.index_cast %swap3A_870 : i32 to index
    %swap3A_872 = arith.constant 112 : index
    %swap3A_873 = tpu.vector_load %arg13[%swap3A_871, %swap3A_872] {strides = array<i32>} : memref<1x128xf32, #tpu.memory_space<vmem>>, vector<16xf32>,
    tpu.vector_store %arg13[%swap3A_871, %swap3A_872], %broadcast_in_dim3A_869 {strides = array<i32>} : memref<1x128xf32, #tpu.memory_space<vmem>>, vector<16xf32>,
    "tpu.region"() ({
      %run_scoped3A = tpu.sem_alloc : memref<!tpu.dma_semaphore, #tpu.memory_space<semaphore_mem>>
      %dma_start3A_874 = arith.constant 0 : i32
      %dma_start3A_875 = arith.constant 0 : i32
      %dma_start3A_876 = tpu.memref_slice %arg6[%add3A, %dma_start3A_874, %dma_start3A_875] : memref<32x1x128xf32, #tpu.memory_space<hbm>> -> memref<1x1x128xf32, #tpu.memory_space<hbm>>
      %dma_start3A_877 = tpu.memref_squeeze %dma_start3A_876 : memref<1x1x128xf32, #tpu.memory_space<hbm>> -> memref<1x128xf32, #tpu.memory_space<hbm>>
      %dma_start3A_878 = arith.constant 0 : i32
      %dma_start3A_879 = arith.constant 0 : i32
      %dma_start3A_880 = tpu.memref_slice %arg6[%add3A, %dma_start3A_878, %dma_start3A_879] : memref<32x1x128xf32, #tpu.memory_space<hbm>> -> memref<1x1x128xf32, #tpu.memory_space<hbm>>
      %dma_start3A_881 = tpu.memref_squeeze %dma_start3A_880 : memref<1x1x128xf32, #tpu.memory_space<hbm>> -> memref<1x128xf32, #tpu.memory_space<hbm>>
      tpu.enqueue_dma source(%arg13 : memref<1x128xf32, #tpu.memory_space<vmem>>) target(%dma_start3A_881 : memref<1x128xf32, #tpu.memory_space<hbm>>) target_semaphore(%run_scoped3A : memref<!tpu.dma_semaphore, #tpu.memory_space<semaphore_mem>>)
      %dma_wait3A = arith.constant 0 : i32
      %dma_wait3A_882 = arith.constant 0 : i32
      %dma_wait3A_883 = tpu.memref_slice %arg6[%add3A, %dma_wait3A, %dma_wait3A_882] : memref<32x1x128xf32, #tpu.memory_space<hbm>> -> memref<1x1x128xf32, #tpu.memory_space<hbm>>
      %dma_wait3A_884 = tpu.memref_squeeze %dma_wait3A_883 : memref<1x1x128xf32, #tpu.memory_space<hbm>> -> memref<1x128xf32, #tpu.memory_space<hbm>>
      %dma_wait3A_885 = arith.constant 0 : i32
      %dma_wait3A_886 = arith.constant 0 : i32
      %dma_wait3A_887 = tpu.memref_slice %arg6[%add3A, %dma_wait3A_885, %dma_wait3A_886] : memref<32x1x128xf32, #tpu.memory_space<hbm>> -> memref<1x1x128xf32, #tpu.memory_space<hbm>>
      %dma_wait3A_888 = tpu.memref_squeeze %dma_wait3A_887 : memref<1x1x128xf32, #tpu.memory_space<hbm>> -> memref<1x128xf32, #tpu.memory_space<hbm>>
      tpu.wait_dma2 semaphore(%run_scoped3A : memref<!tpu.dma_semaphore, #tpu.memory_space<semaphore_mem>>) src(%arg13 : memref<1x128xf32, #tpu.memory_space<vmem>>) dst(%dma_wait3A_888 : memref<1x128xf32, #tpu.memory_space<hbm>>)
      tpu.yield
    }) : () -> ()
    return
  }
}

module attributes {stable_mosaic.version = 14 : i64} {
  func.func @_combine_body(%arg0: memref<32x128xf32, #tpu.memory_space<vmem>>, %arg1: memref<1x1xf32, #tpu.memory_space<vmem>>) attributes {dimension_semantics = [], scalar_prefetch = 0 : i64, scratch_operands = 0 : i64, tpu.core_type = #tpu.core_type<tc>} {
    %get3A = arith.constant 0 : index
    %get3A_0 = arith.constant 0 : index
    %get3A_1 = vector.load %arg0[%get3A, %get3A_0] : memref<32x128xf32, #tpu.memory_space<vmem>>, vector<32x128xf32>
    %slice3A = vector.extract_strided_slice %get3A_1 {offsets = [0, 0], sizes = [32, 1], strides = [1, 1]} : vector<32x128xf32> to vector<32x1xf32>
    %squeeze3A = vector.shape_cast %slice3A : vector<32x1xf32> to vector<32xf32>
    %reduce_sum3A = vector.shape_cast %squeeze3A : vector<32xf32> to vector<1x32xf32>
    %reduce_sum3A_2 = arith.constant dense<0.000000e+00> : vector<1xf32>
    %reduce_sum3A_3 = vector.multi_reduction <add>, %reduce_sum3A, %reduce_sum3A_2 [1] : vector<1x32xf32> to vector<1xf32>
    %reduce_sum3A_4 = vector.shape_cast %reduce_sum3A_3 : vector<1xf32> to vector<1x1xf32>
    %reduce_sum3A_5 = vector.extract %reduce_sum3A_4[0, 0] : f32 from vector<1x1xf32>
    %slice3A_6 = vector.extract_strided_slice %get3A_1 {offsets = [0, 1], sizes = [32, 1], strides = [1, 1]} : vector<32x128xf32> to vector<32x1xf32>
    %squeeze3A_7 = vector.shape_cast %slice3A_6 : vector<32x1xf32> to vector<32xf32>
    %reduce_sum3A_8 = vector.shape_cast %squeeze3A_7 : vector<32xf32> to vector<1x32xf32>
    %reduce_sum3A_9 = arith.constant dense<0.000000e+00> : vector<1xf32>
    %reduce_sum3A_10 = vector.multi_reduction <add>, %reduce_sum3A_8, %reduce_sum3A_9 [1] : vector<1x32xf32> to vector<1xf32>
    %reduce_sum3A_11 = vector.shape_cast %reduce_sum3A_10 : vector<1xf32> to vector<1x1xf32>
    %reduce_sum3A_12 = vector.extract %reduce_sum3A_11[0, 0] : f32 from vector<1x1xf32>
    %div3A = arith.divf %reduce_sum3A_5, %reduce_sum3A_12 : f32
    %neg3A = arith.constant 0.000000e+00 : f32
    %neg3A_13 = arith.subf %neg3A, %div3A : f32
    %broadcast_in_dim3A = vector.broadcast %neg3A_13 : f32 to vector<1x1xf32>
    %swap3A = arith.constant 0 : index
    %swap3A_14 = arith.constant 0 : index
    %swap3A_15 = vector.load %arg1[%swap3A, %swap3A_14] : memref<1x1xf32, #tpu.memory_space<vmem>>, vector<1x1xf32>
    tpu.vector_store %arg1[%swap3A, %swap3A_14], %broadcast_in_dim3A {strides = array<i32>} : memref<1x1xf32, #tpu.memory_space<vmem>>, vector<1x1xf32>,
    return
  }
}

</mosaic_0001>

<sc_bundles>
// kernel: kernel.4.cloned.1.call-start
scs
__scs_entry_jumppad:
0x0: {  	(pc) =	sbr.rel $0x88, $3  }
0x1: {  	(tag) =	ssettag $0x0;
	lr =	simm.s32 $0x1  }
0x2: {  	[smem:$0x3F9D] =	sst lr;
	_ =	strace $0xD0000000  }
0x3: {  	_ = 	snop  }
0x4: {  	_ = 	snop  }
0x5: {  	_ = 	snop  }
0x6: {  	_ = 	snop  }
0x7: {  	_ = 	snop  }
__scs_overlays_trampoline_lowered:
0x8: {  	[smem:$0x3FAC] =	sst s0  }
0x9: {  	[smem:$0x3FAD] =	sst s1  }
0xa: {  	[smem:$0x3FAE] =	sst s2  }
0xb: {  	[smem:$0x3FAF] =	sst s3  }
0xc: {  	[smem:$0x3FB0] =	sst s4  }
0xd: {  	[smem:$0x3FB1] =	sst s5  }
0xe: {  	[smem:$0x3FB2] =	sst s6  }
0xf: {  	[smem:$0x3FB3] =	sst s7  }
0x10: {  	[smem:$0x3FB4] =	sst s8  }
0x11: {  	[smem:$0x3FB5] =	sst s9;
	s0 =	simm.s32 @!p0 $0x0  }
0x12: {  	s1 =	sld [smem:$0x3F9B];
	s0 =	simm.s32 @p0 $0x1  }
0x13: {  	[smem:$0x3FB6] =	sst s0;
	s0 =	simm.s32 @!p1 $0x0  }
0x14: {  	s2 =	sld [smem:$0x3F9A];
	s0 =	simm.s32 @p1 $0x1  }
0x15: {  	[smem:$0x3FB7] =	sst s0;
	s0 =	simm.s32 @!p2 $0x0  }
0x16: {  	s3 =	sld [smem:$0x3FDB];
	s0 =	simm.s32 @p2 $0x1  }
0x17: {  	s4 =	simm.s32 $0x1BF5;
	[smem:$0x3FB9] =	sst s0  }
0x18: {  	s0 =	sld [smem:$0x3F9C];
	_ =	swait.ge [sflag:s4], $0x0  }
0x19: {  	s7 =	sld [smem:$0x3F9D]  }
0x1a: {  	s8 =	sadd.s32 $0xFFFFE003, lr  }
0x1b: {  	s9 =	sadd.s32 $0xFFFFFEF7, lr;
	s5 =	simm.s32 $0xFFFFFFFF;
	p2 =	slt.u32 s8, $0xFFFFF086  }
0x1c: {  	p1 =	slt.u32 s9, $0xF7A;
	s5 =	simm.s32 @!p2 $0x0  }
0x1d: {  	s5 =	simm.s32 @p1 $0x1;
	p0 =	seq.s32 s7, s2  }
0x1e: {  	s7 =	smul.u32 @!p0 $0xF7A, s2;
	p2 =	seq.s32 @!p0 s5, $0x0  }
0x1f: {  	s9 =	smul.u32 $0xF7A, s1;
	s8 =	simm.s32 @!p0 $0x1BF5;
	p2 =	por !p2, p0  }
0x20: {  	[sflag:s8] =	ssyncset.s32 @!p0 $0xFFFFF086;
	s6 =	sadd.s32 @!p0 s3, s7;
	s7 =	simm.s32 @!p0 $0x108  }
0x21: {  	s3 =	sadd.s32 s3, s9;
	s6 =	sadd.s32 @!p0 $0x88, s6;
	s7 =	simm.s32 @p2 $0x1082  }
0x22: {  	[simem:s7], [sflag:s8] =	dma.local @!p0 [hbm:s6], $0xF7A  }
0x23: {  	s9 =	sor.u32 $0xD0000000, s2;
	s6 =	simm.s32 $0x108;
	_ =	swait.ge @!p0 [sflag:s8], $0x0  }
0x24: {  	s3 =	sadd.s32 $0x88, s3;
	s6 =	simm.s32 @!p1 $0x1082;
	[sflag:s4] =	ssyncset.s32 $0xFFFFF086  }
0x25: {  	[simem:s6], [sflag:s4] =	dma.local [hbm:s3], $0xF7A  }
0x26: {  	[smem:$0x3F9D] =	sst s1;
	(tag) =	ssettag s2;
	_ =	strace s9  }
0x27: {  	s1 =	sld [smem:$0x3FAD]  }
0x28: {  	s2 =	sld [smem:$0x3FAE]  }
0x29: {  	s4 =	sld [smem:$0x3FB0]  }
0x2a: {  	p0 =	seq.s32 s5, $0x0;
	s5 =	sld [smem:$0x3FB1]  }
0x2b: {  	s6 =	sld [smem:$0x3FB2]  }
0x2c: {  	s7 =	sld [smem:$0x3FB3]  }
0x2d: {  	s3 =	simm.s32 $0x108;
	s8 =	sld [smem:$0x3FB4]  }
0x2e: {  	s3 =	simm.s32 @!p0 $0x1082;
	s9 =	sld [smem:$0x3FB5]  }
0x2f: {  	lr =	sadd.s32 s0, s3;
	s0 =	sld [smem:$0x3FAC]  }
0x30: {  	s3 =	sld [smem:$0x3FAF]  }
0x31: {  	[smem:$0x3FB8] =	sst s10  }
0x32: {  	s10 =	sld [smem:$0x3FB6];
	_ =	sdelay $0x3  }
0x33: {  	p0 =	seq.s32 s10, $0x1;
	s10 =	sld [smem:$0x3FB8];
	_ =	sdelay $0x3  }
0x34: {  	[smem:$0x3FB8] =	sst s10  }
0x35: {  	s10 =	sld [smem:$0x3FB7];
	_ =	sdelay $0x3  }
0x36: {  	p1 =	seq.s32 s10, $0x1;
	s10 =	sld [smem:$0x3FB8];
	_ =	sdelay $0x3  }
0x37: {  	[smem:$0x3FB8] =	sst s10  }
0x38: {  	s10 =	sld [smem:$0x3FB9]  }
0x39: {  	_ = 	snop;
	(pc) =	sbr.ind lr, $3  }
0x3a: {  	_ = 	snop  }
0x3b: {  	_ = 	snop  }
0x3c: {  	p2 =	seq.s32 s10, $0x1;
	s10 =	sld [smem:$0x3FB8]  }
0x3d: {  	_ =	shalt  }
0x3e: {  	_ =	shalt  }
0x3f: {  	_ =	shalt  }
0x40: {  	_ =	shalt  }
0x41: {  	_ =	shalt  }
0x42: {  	_ =	shalt  }
0x43: {  	_ =	shalt  }
0x44: {  	_ =	shalt  }
0x45: {  	_ =	shalt  }
0x46: {  	_ =	shalt  }
0x47: {  	_ =	shalt  }
0x48: {  	_ =	shalt  }
0x49: {  	_ =	shalt  }
0x4a: {  	_ =	shalt  }
0x4b: {  	_ =	shalt  }
0x4c: {  	_ =	shalt  }
0x4d: {  	_ =	shalt  }
0x4e: {  	_ =	shalt  }
0x4f: {  	_ =	shalt  }
0x50: {  	_ =	shalt  }
0x51: {  	_ =	shalt  }
0x52: {  	_ =	shalt  }
0x53: {  	_ =	shalt  }
0x54: {  	_ =	shalt  }
0x55: {  	_ =	shalt  }
0x56: {  	_ =	shalt  }
0x57: {  	_ =	shalt  }
0x58: {  	_ =	shalt  }
0x59: {  	_ =	shalt  }
0x5a: {  	_ =	shalt  }
0x5b: {  	_ =	shalt  }
0x5c: {  	_ =	shalt  }
0x5d: {  	_ =	shalt  }
0x5e: {  	_ =	shalt  }
0x5f: {  	_ =	shalt  }
0x60: {  	_ =	shalt  }
0x61: {  	_ =	shalt  }
0x62: {  	_ =	shalt  }
0x63: {  	_ =	shalt  }
0x64: {  	_ =	shalt  }
0x65: {  	_ =	shalt  }
0x66: {  	_ =	shalt  }
0x67: {  	_ =	shalt  }
0x68: {  	_ =	shalt  }
0x69: {  	_ =	shalt  }
0x6a: {  	_ =	shalt  }
0x6b: {  	_ =	shalt  }
0x6c: {  	_ =	shalt  }
0x6d: {  	_ =	shalt  }
0x6e: {  	_ =	shalt  }
0x6f: {  	_ =	shalt  }
0x70: {  	_ =	shalt  }
0x71: {  	_ =	shalt  }
0x72: {  	_ =	shalt  }
0x73: {  	_ =	shalt  }
0x74: {  	_ =	shalt  }
0x75: {  	_ =	shalt  }
0x76: {  	_ =	shalt  }
0x77: {  	_ =	shalt  }
0x78: {  	_ =	shalt  }
0x79: {  	_ =	shalt  }
0x7a: {  	_ =	shalt  }
0x7b: {  	_ =	shalt  }
0x7c: {  	_ =	shalt  }
0x7d: {  	_ =	shalt  }
0x7e: {  	_ =	shalt  }
0x7f: {  	_ =	shalt  }
0x80: {  	_ =	shalt  }
0x81: {  	_ =	shalt  }
0x82: {  	_ =	shalt  }
0x83: {  	_ =	shalt  }
0x84: {  	_ =	shalt  }
0x85: {  	_ =	shalt  }
0x86: {  	_ =	shalt  }
0x87: {  	_ =	shalt  }
.Lfunc_end0:
.L_simem_size_0:
called_computation_lowered:
.L_overlay_start_0:
0x88: {  	s2 =	sld [smem:$0x3FD9]  }
0x89: {  	s3 =	sld [smem:$0x3FFE];
	_ =	sdelay $0x1  }
0x8a: {  	s1 =	srdreg.scid  }
0x8b: {  	s0 =	sand.u32 $0x1, s1  }
0x8c: {  	s16 =	sshll.u32 s0, $0xA;
	s2 =	sadd.s32 s3, s2  }
0x8d: {  	s2 =	sadd.s32 s2, s16  }
0x8e: {  	[smem:$0x3FC4] =	sst s2  }
0x8f: {  	_ = 	snop  }
0x90: {  	(tm) =	ssettm $0x1  }
0x91: {  	s17 =	sld [smem:$0x3FFB];
	_ =	sdelay $0x3  }
0x92: {  	_ =	strace s17  }
0x93: {  	s2 =	sld [smem:$0x3FFC];
	_ =	sdelay $0x3  }
0x94: {  	_ =	strace s2  }
0x95: {  	s2 =	sld [smem:$0x3FFD];
	_ =	sdelay $0x3  }
0x96: {  	_ =	strace s2  }
0x97: {  	_ =	strace $0x8FFFFFFF  }
0x98: {  	s18 =	sld [smem:$0x3FDB];
	_ =	sdelay $0x1  }
0x99: {  	s19 =	simm.s32 $_scs_section_size  }
0x9a: {  	s4 =	simm.s32 $_size__tile_overlayer_lowered;
	s5 =	simm.s32 $_tile_overlayer_lowered  }
0x9b: {  	s22 =	simm.s32 $0x1BFF;
	s21 =	sshll.u32 s5, $0x1;
	s2 =	sadd.s32 s19, s18  }
0x9c: {  	s6 =	simm.s32 $0x0;
	s20 =	sshll.u32 s4, $0x1;
	s4 =	sadd.s32 s21, s2  }
0x9d: {  	[timem:s6], [sflag:s22] =	dma.local [hbm:s4], s20  }
0x9e: {  	_ =	swait.ge [sflag:s22], s20  }
0x9f: {  	s3 =	ssub.s32 $0x0, s20;
	[sflag:s22] =	ssyncset.done $0x0  }
0xa0: {  	[sflag:s22] =	ssyncadd.s32 s3;
	_ =	sdelay $0x1  }
0xa1: {  	s23 =	simm.s32 $0x1B8B  }
0xa2: {  	_ =	swait.ge [sflag:s23], $0x1  }
0xa3: {  	[sflag:s23] =	ssyncset.done $0x0  }
0xa4: {  	s25 =	simm.s32 $0x1B8E;
	s24 =	sld [smem:$0x3FFE];
	[sflag:s23] =	ssyncadd.s32 $0xFFFFFFFF  }
0xa5: {  	s26 =	simm.s32 $execute0_lowered;
	[smem:$0x3FD2] =	sst s25  }
0xa6: {  	s4 =	sshll.u32 s26, $0x1;
	_ =	strace $0x80000046;
	[dreg:$0x1] =	wrdreg $0xFFFFFFFF  }
0xa7: {  	s28 =	simm.s32 $_size_execute0_lowered;
	s2 =	sadd.s32 s2, s4;
	[dreg:$0x0] =	wrdreg $0x0  }
0xa8: {  	s4 =	sshll.u32 s28, $0x1;
	[dreg:$0x2] =	wrdreg s2  }
0xa9: {  	[dreg:$0x3] =	wrdreg s4  }
0xaa: {  	[dreg:$0x4] =	wrdreg $0xC0  }
0xab: {  	_ =	task [dreg:s6], $0x5FFFF  }
0xac: {  	[dreg:$0x1] =	wrdreg $0xFFFFFFFF  }
0xad: {  	[dreg:$0x0] =	wrdreg $0x60  }
0xae: {  	[dreg:$0x2] =	wrdreg s24  }
0xaf: {  	[dreg:$0x3] =	wrdreg $0x9  }
0xb0: {  	_ =	task.clear_ibuf [dreg:s6], $0x4FFFF;
	_ =	strace $0x90000046  }
0xb1: {  	s29 =	simm.s32 $0x9;
	_ =	strace $0x80000048  }
0xb2: {  	_ =	swait.ge [sflag:s29], $0x1  }
0xb3: {  	[sflag:s29] =	ssyncadd.s32 $0xFFFFFFFF  }
0xb4: {  	_ =	strace $0x90000048  }
0xb5: {  	_ =	sfence  }
0xb6: {  	s30 =	sld [smem:$0x0];
	_ =	sdelay $0x2  }
0xb7: {  	s31 =	sshll.u32 s1, $0xD;
	s1 =	sshrl.u32 s1, $0x2  }
0xb8: {  	s3 =	sand.u32 $0x4000, s31;
	s1 =	sadd.s32 s1, s30  }
0xb9: {  	s0 =	sor.u32 s3, s0;
	s1 =	sshll.u32 s1, $0x11  }
0xba: {  	s0 =	sor.u32 s1, s0  }
0xbb: {  	s0 =	sadd.s32 $0x8F2B, s0  }
0xbc: {  	[sflag:s0] =	ssyncadd.remote.s32 $0x1  }
0xbd: {  	_ =	sfence.sel $0xFFFF  }
0xbe: {  	[dreg:$0x0] =	wrdreg $0xFFFFFFFF;
	(pc) =	sbr.abs _section_cstart, $3  }
0xbf: {  	[dreg:$0x1] =	wrdreg $0xFFFFFFFF  }
0xc0: {  	_ =	task.clear_ibuf [dreg:s6], $0x2FFFF;
	_ =	strace $0x9FFFFFFF  }
0xc1: {  	(tm) =	ssettm $0x7FFFFFFF  }
tec
execute0_lowered:
.L_overlay_start_1:
0x0: {  	(tag) =	ssettag $0x1  }
0x1: {  	s0 =	rddreg [dreg:$0x0]  }
0x2: {  	s2 =	simm.s32 $0x0;
	s1 =	srdreg.scid;
	s8 =	stileid.u32  }
0x3: {  	s31 =	simm.s32 $0x1;
	[smem:$0x7FF] =	sst s2;
	s1 =	sand.u32 $0x1, s1  }
0x4: {  	s4 =	sshll.u32 s8, $0x1;
	s3 =	sadd.s32 $0x1E00, s0;
	s30 =	sshll.u32 s8, $0x7  }
0x5: {  	_ =	strace $0x80000047;
	s4 =	sor.u32 s1, s4;
	s7 =	ssub.s32 $0x2, s1  }
0x6: {  	s5 =	sshll.u32 s4, $0x7;
	s6 =	sshll.u32 s4, $0x4;
	s4 =	smul.u32 $0x61C000, s4  }
0x7: {  	s1 =	sshll.u32 s1, $0x6;
	s25 =	sshrl.u32 s7, $0x1;
	s5 =	sadd.s32 s5, s0  }
0x8: {  	s0 =	sadd.s32 s6, s0;
	s26 =	sadd.s32 $0x1871E00, s5;
	[dreg:$0x5] =	wrdreg s4  }
.Ltmp0:
0x9: {  	s5 =	sadd.s32 $0xE00, s5;
	[dreg:$0x2] =	wrdreg s26;
	(pc) =	sbr.rel .LBB2_1-.Ltmp0, $4  }
0xa: {  	s10 =	sor.u32 s1, s30;
	s28 =	sadd.s32 $0xC00, s0;
	[dreg:$0x3] =	wrdreg s5  }
0xb: {  	s6 =	ssub.s32 s7, s25;
	s0 =	sadd.s32 $0x400, s0;
	[dreg:$0x4] =	wrdreg s28  }
0xc: {  	vm0 =	vmmov $0xff;
	v0 =	vlaneseq.u32;
	s29 =	smax.u32 s6, $0x1;
	s4 =	simm.s32 $0x3;
	[dreg:$0x6] =	wrdreg s0  }
0xd: {  	vm1 =	vcmask $0x704;
	v1 =	vimm.f32 $0.0e+00;
	vm2 =	vcmask $0x3F04;
	[dreg:$0x7] =	wrdreg s29;
	s0 =	simm.s32 $0x2;
	s5 =	simm.s32 $0x0  }
.LBB2_5:
0xe: {  	v2 =	vld [tilespmem:$0xC00];
	_ =	sdelay $0x1  }
0xf: {  	v4 =	vld [tilespmem:$0xC10];
	_ =	sdelay $0x1  }
0x10: {  	v5 =	vld [tilespmem:$0xC20]  }
0x11: {  	v2 =	vadd.f32 $0.0e+00, v2  }
0x12: {  	v6 =	vld [tilespmem:$0xC30]  }
0x13: {  	v2 =	vadd.f32 v4, v2;
	_ =	sdelay $0x1  }
0x14: {  	v2 =	vadd.f32 v5, v2;
	_ =	sdelay $0x1  }
0x15: {  	v2 =	vadd.f32 v6, v2  }
0x16: {  	(xrf2) =	vadd.scan.msk.f32 $0xffff, v3  }
0x17: {  	(xrf2) =	vadd.scan.msk.f32 $0xffff, v2;
	_ =	sdelay $0x7  }
0x18: {  	[tilespmem:$0x4C90] =	vst v1  }
0x19: {  	[tilespmem:$0x4CA0] =	vst v1;
	v2, _, _ =	vpop (xrf2)  }
0x1a: {  	[tilespmem:$0x4CB0] =	vst v1;
	v3, _, _ =	vpop (xrf2)  }
0x1b: {  	[tilespmem:$0x4CC0] =	vst v1;
	v3 =	vbroadcast v3, $0xF  }
0x1c: {  	[tilespmem:$0x4CD0] =	vst v1;
	v2 =	vbroadcast v2, $0xF  }
0x1d: {  	[tilespmem:$0x4CE0] =	vst v1;
	v3 =	vnsel vm1, $0x0, v3  }
0x1e: {  	[tilespmem:$0x4CF0] =	vst v1;
	v2 =	vsel vm2, v3, v2  }
0x1f: {  	s1 =	rddreg [dreg:$0x6];
	s4 =	simm.s32 $0x4C80;
	[tilespmem:$0x4C80] =	vst v2  }
0x20: {  	[hbm4b:s1+s2] =	stream.linear.scatter [tilespmem:s4], [sflag:$0x3], $0x80, $0x38;
	[tilespmem:$0x4D00] =	vst v63  }
0x21: {  	s4 =	simm.s32 $0x3  }
0x22: {  	_ =	swait.ge [sflag:s4], $0x80  }
0x23: {  	s5 =	rddreg [dreg:$0x8]  }
0x24: {  	s30 =	rddreg [dreg:$0x7];
	s5 =	sadd.s32 $0x1, s5  }
0x25: {  	p0 =	sne.s32 s5, s30  }
.Ltmp1:
0x26: {  	_ = 	snop;
	(pc) =	sbr.rel @!p0 .LBB2_6-.Ltmp1, $3  }
0x27: {  	_ =	sdelay $0x1  }
0x28: {  	[sflag:s4] =	ssyncset.done $0x0  }
0x29: {  	[sflag:s4] =	ssyncadd.s32 $0xFFFFFF80  }
.LBB2_1:
0x2a: {  	[dreg:$0x8] =	wrdreg s5  }
0x2b: {  	s1 =	rddreg [dreg:$0x2]  }
0x2c: {  	[tilespmem:s2], [sflag:$0x3] =	stream.linear.gather [hbm4b:s1+s2], $0x400, $0x38;
	[tilespmem:$0x4D00] =	vst v63  }
0x2d: {  	_ =	swait.ge [sflag:s4], $0x400  }
0x2e: {  	[sflag:s4] =	ssyncset.done $0x0  }
0x2f: {  	s8 =	simm.s32 $0x400;
	s7 =	rddreg [dreg:$0x3];
	[sflag:s4] =	ssyncadd.s32 $0xFFFFFC00  }
0x30: {  	[tilespmem:s8], [sflag:$0x3] =	stream.linear.gather [hbm4b:s7+s2], $0x400, $0x38;
	[tilespmem:$0x4D00] =	vst v63  }
0x31: {  	_ =	swait.ge [sflag:s4], $0x400  }
0x32: {  	[sflag:s4] =	ssyncset.done $0x0  }
0x33: {  	s11 =	simm.s32 $0xC00;
	s9 =	rddreg [dreg:$0x4];
	[sflag:s4] =	ssyncadd.s32 $0xFFFFFC00  }
0x34: {  	[tilespmem:s11], [sflag:$0x3] =	stream.linear.gather [hbm4b:s9+s2], $0x80, $0x38;
	[tilespmem:$0x4D00] =	vst v63  }
0x35: {  	_ =	swait.ge [sflag:s4], $0x80  }
0x36: {  	[sflag:s4] =	ssyncset.done $0x0  }
0x37: {  	[sflag:s4] =	ssyncadd.s32 $0xFFFFFF80  }
0x38: {  	v2 =	vld [tilespmem:$0xC00];
	_ =	sdelay $0x4  }
0x39: {  	v5 =	vbroadcast v2, $0x0;
	v6 =	vbroadcast v2, $0x1  }
0x3a: {  	v7 =	vbroadcast v2, $0x2;
	v8 =	vbroadcast v2, $0x3  }
0x3b: {  	v22 =	vbroadcast v2, $0x4;
	v23 =	vbroadcast v2, $0x5  }
0x3c: {  	v18 =	vld [tilespmem:$0xC10];
	v10 =	vbroadcast v2, $0x6;
	v11 =	vbroadcast v2, $0x7  }
0x3d: {  	v13 =	vbroadcast v2, $0x8;
	v14 =	vbroadcast v2, $0x9  }
0x3e: {  	v24 =	vbroadcast v2, $0xA;
	v16 =	vbroadcast v2, $0xB  }
0x3f: {  	v25 =	vbroadcast v2, $0xC;
	v17 =	vbroadcast v2, $0xD  }
0x40: {  	v30 =	vbroadcast v2, $0xE;
	v2 =	vbroadcast v2, $0xF  }
0x41: {  	v43 =	vld [tilespmem:$0xC20];
	v32 =	vbroadcast v18, $0x0;
	v33 =	vbroadcast v18, $0x1  }
0x42: {  	v35 =	vbroadcast v18, $0x2;
	v19 =	vbroadcast v18, $0x3  }
0x43: {  	v3 =	vld [tilespmem:$0x400];
	v36 =	vbroadcast v18, $0x4;
	v37 =	vbroadcast v18, $0x6  }
0x44: {  	v4 =	vld [tilespmem:$0x410];
	v44 =	vbroadcast v18, $0x8;
	v45 =	vbroadcast v18, $0x9  }
0x45: {  	v21 =	vld [tilespmem:$0x420];
	v47 =	vbroadcast v18, $0xA;
	v48 =	vbroadcast v18, $0xB  }
0x46: {  	v9 =	vld [tilespmem:$0x440];
	v49 =	vbroadcast v18, $0xE;
	v50 =	vbroadcast v43, $0x0  }
0x47: {  	v12 =	vld [tilespmem:$0x450];
	v51 =	vbroadcast v43, $0x1;
	v58 =	vbroadcast v43, $0x2  }
0x48: {  	v15 =	vld [tilespmem:$0x460];
	v59 =	vbroadcast v43, $0x3;
	v61 =	vbroadcast v43, $0x4  }
0x49: {  	v28 =	vld [tilespmem:$0x470];
	v62 =	vbroadcast v43, $0x5;
	v5 =	vsel vm0, v5, v6;
	v20 =	vsel vm0, v7, v8  }
0x4a: {  	v29 =	vld [tilespmem:$0x480];
	v6 =	vsel vm0, v22, v23;
	v26 =	vsel vm0, v13, v14;
	v8 =	vsel vm0, v24, v16  }
0x4b: {  	v31 =	vld [tilespmem:$0x490];
	v27 =	vsel vm0, v25, v17;
	v22 =	vbroadcast v18, $0x7;
	v24 =	vbroadcast v18, $0xC  }
0x4c: {  	v34 =	vld [tilespmem:$0x4A0];
	v14 =	vsel vm0, v32, v33;
	v25 =	vbroadcast v18, $0xD;
	v32 =	vbroadcast v43, $0xB  }
0x4d: {  	v40 =	vld [tilespmem:$0x4C0];
	v39 =	vsel vm0, v35, v19;
	v35 =	vbroadcast v43, $0xD;
	v16 =	vbroadcast v43, $0xF  }
0x4e: {  	v42 =	vld [tilespmem:$0x4D0];
	v3 =	vmul.f32 v5, v3;
	v4 =	vmul.f32 v4, v20  }
0x4f: {  	v46 =	vld [tilespmem:$0x4E0];
	v6 =	vmul.f32 v21, v6;
	v7 =	vmul.f32 v9, v26  }
0x50: {  	v55 =	vld [tilespmem:$0x510];
	v2 =	vsel vm0, v30, v2;
	v8 =	vmul.f32 v12, v8;
	v9 =	vmul.f32 v15, v27;
	[tilespmem:$0x800] =	vst v3  }
0x51: {  	v57 =	vld [tilespmem:$0x520];
	v21 =	vbroadcast v18, $0x5;
	v2 =	vmul.f32 v28, v2;
	[tilespmem:$0x810] =	vst v4  }
0x52: {  	v63 =	vld [tilespmem:$0x0];
	v10 =	vsel vm0, v10, v11;
	v38 =	vmul.f32 v14, v29;
	v11 =	vmul.f32 v31, v39;
	[tilespmem:$0x820] =	vst v6  }
0x53: {  	v23 =	vld [tilespmem:$0x4F0];
	v54 =	vsel vm0, v50, v51;
	v18 =	vbroadcast v18, $0xF;
	v27 =	vbroadcast v43, $0x8;
	[tilespmem:$0x840] =	vst v7  }
0x54: {  	v5 =	vld [tilespmem:$0x430];
	v28 =	vbroadcast v43, $0x9;
	v31 =	vbroadcast v43, $0xA;
	v41 =	vsel vm0, v37, v22;
	[tilespmem:$0x850] =	vst v8  }
0x55: {  	v20 =	vld [tilespmem:$0x4B0];
	v52 =	vsel vm0, v24, v25;
	v24 =	vbroadcast v43, $0x6;
	v25 =	vbroadcast v43, $0x7;
	[tilespmem:$0x860] =	vst v9  }
0x56: {  	v26 =	vld [tilespmem:$0x500];
	v12 =	vsel vm0, v36, v21;
	v3 =	vsel vm0, v44, v45;
	v4 =	vsel vm0, v47, v48;
	[tilespmem:$0x870] =	vst v2  }
0x57: {  	v60 =	vld [tilespmem:$0x530];
	v2 =	vsel vm0, v58, v59;
	[tilespmem:$0x880] =	vst v38;
	v12 =	vmul.f32 v34, v12;
	v3 =	vmul.f32 v40, v3  }
0x58: {  	v30 =	vld [tilespmem:$0x560];
	v9 =	vsel vm0, v61, v62;
	[tilespmem:$0x890] =	vst v11;
	v4 =	vmul.f32 v42, v4;
	v2 =	vmul.f32 v55, v2  }
0x59: {  	v53 =	vsel vm0, v49, v18;
	v36 =	vld [tilespmem:$0xC30];
	v9 =	vmul.f32 v57, v9;
	v34 =	vbroadcast v43, $0xC;
	[tilespmem:$0x8A0] =	vst v12  }
0x5a: {  	v8 =	vsel vm0, v24, v25;
	v6 =	vmul.f32 v23, v53;
	v5 =	vmul.f32 v5, v10;
	[tilespmem:$0x8C0] =	vst v3  }
0x5b: {  	v13 =	vmul.f32 v20, v41;
	v56 =	vmul.f32 v54, v26;
	v20 =	vshll.u32 v63, $0x3;
	[tilespmem:$0x8D0] =	vst v4  }
0x5c: {  	v3 =	vbroadcast v43, $0xE;
	v39 =	vsel vm0, v34, v35;
	[tilespmem:$0x910] =	vst v2;
	(v2sf) =	vpush v20, $0x0  }
0x5d: {  	v4 =	vmul.f32 v60, v8;
	[tilespmem:$0x920] =	vst v9;
	v41 =	vmul.f32 v30, v39  }
0x5e: {  	v33 =	vld [tilespmem:$0x570];
	[tilespmem:$0x830] =	vst v5;
	v5 =	vmul.f32 v46, v52;
	v43 =	vbroadcast v36, $0x0  }
0x5f: {  	v29 =	vld [tilespmem:$0x550];
	[tilespmem:$0x8F0] =	vst v6;
	v44 =	vbroadcast v36, $0x1;
	v2 =	vbroadcast v36, $0x2  }
0x60: {  	v26 =	vld [tilespmem:$0x540];
	[tilespmem:$0x8B0] =	vst v13;
	v46 =	vbroadcast v36, $0x3;
	v48 =	vbroadcast v36, $0x4;
	(v2sf) =	vpush v20, $0x1  }
0x61: {  	v40 =	vld [tilespmem:$0x580];
	[tilespmem:$0x900] =	vst v56;
	v49 =	vbroadcast v36, $0x5;
	v51 =	vbroadcast v36, $0x6  }
0x62: {  	v42 =	vld [tilespmem:$0x590];
	v3 =	vsel vm0, v3, v16;
	[tilespmem:$0x930] =	vst v4;
	v52 =	vbroadcast v36, $0x7;
	v53 =	vbroadcast v36, $0x8  }
0x63: {  	v38 =	vsel vm0, v31, v32;
	v45 =	vld [tilespmem:$0x5A0];
	v54 =	vbroadcast v36, $0x9;
	v3 =	vmul.f32 v33, v3;
	[tilespmem:$0x960] =	vst v41  }
0x64: {  	v47 =	vld [tilespmem:$0x5B0];
	v10 =	vsel vm0, v27, v28;
	v60 =	vbroadcast v36, $0xB;
	[tilespmem:$0x8E0] =	vst v5;
	v5 =	vmul.f32 v29, v38  }
0x65: {  	v50 =	vld [tilespmem:$0x5C0];
	(v2sf) =	vpush v20, $0x2;
	v4 =	vsel vm0, v43, v44;
	v37 =	vmul.f32 v26, v10;
	[tilespmem:$0x970] =	vst v3  }
0x66: {  	v57 =	vld [tilespmem:$0x5D0];
	v62 =	vbroadcast v36, $0xD;
	v2 =	vsel vm0, v2, v46;
	v4 =	vmul.f32 v4, v40;
	[tilespmem:$0x950] =	vst v5  }
0x67: {  	v59 =	vld [tilespmem:$0x5E0];
	v63 =	vbroadcast v36, $0xF;
	v2 =	vmul.f32 v42, v2;
	v5 =	vsel vm0, v48, v49;
	[tilespmem:$0x940] =	vst v37  }
0x68: {  	v61 =	vld [tilespmem:$0x5F0];
	v55 =	vsel vm0, v51, v52;
	v5 =	vmul.f32 v45, v5;
	[tilespmem:$0x980] =	vst v4;
	v4 =	vbroadcast v36, $0xA  }
0x69: {  	v56 =	vsel vm0, v53, v54;
	v3 =	vmul.f32 v47, v55;
	[tilespmem:$0x990] =	vst v2;
	v2 =	vbroadcast v36, $0xC  }
0x6a: {  	v58 =	vmul.f32 v50, v56;
	[tilespmem:$0x9A0] =	vst v5;
	v4 =	vsel vm0, v4, v60;
	v5 =	vbroadcast v36, $0xE  }
0x6b: {  	[tilespmem:$0x9B0] =	vst v3;
	v2 =	vsel vm0, v2, v62;
	v3 =	vmul.f32 v57, v4;
	s12 =	spop (v2sf)  }
0x6c: {  	s13 =	rddreg [dreg:$0x5];
	[tilespmem:$0x9C0] =	vst v58;
	v2 =	vmul.f32 v59, v2;
	v4 =	vsel vm0, v5, v63;
	(v2sf) =	vpush v20, $0x3;
	s1 =	sand.u32 $0x7FFFFC00, s12  }
0x6d: {  	[tilespmem:$0x9D0] =	vst v3;
	v3 =	vmul.f32 v61, v4;
	s1 =	sadd.s32 s13, s1  }
0x6e: {  	[tilespmem:$0x9E0] =	vst v2;
	s1 =	sshrl.u32 s1, $0x3  }
0x6f: {  	s14 =	simm.s32 $0xC80;
	[tilespmem:$0x9F0] =	vst v3;
	s15 =	spop (v2sf);
	s1 =	sadd.s32 s3, s1  }
0x70: {  	(v2sf) =	vpush v20, $0x4;
	[tilespmem:s14], [sflag:$0x1] =	stream.linear.gather [hbm4b:s1+s2], $0x400, $0x38;
	[tilespmem:$0x4D00] =	vst v63  }
0x71: {  	s1 =	sand.u32 $0x7FFFFC00, s15  }
0x72: {  	s1 =	sadd.s32 s13, s1  }
0x73: {  	s1 =	sshrl.u32 s1, $0x3  }
0x74: {  	s16 =	simm.s32 $0x1080;
	s17 =	spop (v2sf);
	(v2sf) =	vpush v20, $0x5;
	s1 =	sadd.s32 s3, s1  }
0x75: {  	[tilespmem:s16], [sflag:$0x1] =	stream.linear.gather [hbm4b:s1+s2], $0x400, $0x38;
	[tilespmem:$0x4D00] =	vst v63  }
0x76: {  	s1 =	sand.u32 $0x7FFFFC00, s17  }
0x77: {  	s1 =	sadd.s32 s13, s1  }
0x78: {  	s1 =	sshrl.u32 s1, $0x3  }
0x79: {  	s18 =	simm.s32 $0x1480;
	s1 =	sadd.s32 s3, s1  }
0x7a: {  	[tilespmem:s18], [sflag:$0x1] =	stream.linear.gather [hbm4b:s1+s2], $0x400, $0x38;
	[tilespmem:$0x4D00] =	vst v63  }
0x7b: {  	s19 =	spop (v2sf);
	(v2sf) =	vpush v20, $0x6  }
0x7c: {  	s1 =	sand.u32 $0x7FFFFC00, s19  }
0x7d: {  	s1 =	sadd.s32 s13, s1  }
0x7e: {  	s1 =	sshrl.u32 s1, $0x3  }
0x7f: {  	s20 =	simm.s32 $0x1880;
	s21 =	spop (v2sf);
	(v2sf) =	vpush v20, $0x7;
	s1 =	sadd.s32 s3, s1  }
0x80: {  	[tilespmem:s20], [sflag:$0x1] =	stream.linear.gather [hbm4b:s1+s2], $0x400, $0x38;
	[tilespmem:$0x4D00] =	vst v63  }
0x81: {  	s1 =	sand.u32 $0x7FFFFC00, s21  }
0x82: {  	s1 =	sadd.s32 s13, s1  }
0x83: {  	s22 =	spop (v2sf);
	s1 =	sshrl.u32 s1, $0x3  }
0x84: {  	s6 =	simm.s32 $0x1C80;
	s23 =	sand.u32 $0x7FFFFC00, s22;
	s1 =	sadd.s32 s3, s1  }
0x85: {  	[tilespmem:s6], [sflag:$0x1] =	stream.linear.gather [hbm4b:s1+s2], $0x400, $0x38;
	[tilespmem:$0x4D00] =	vst v63  }
0x86: {  	s1 =	sadd.s32 s13, s23  }
0x87: {  	s1 =	sshrl.u32 s1, $0x3  }
0x88: {  	s25 =	simm.s32 $0x2080;
	s1 =	sadd.s32 s3, s1  }
0x89: {  	[tilespmem:s25], [sflag:$0x1] =	stream.linear.gather [hbm4b:s1+s2], $0x400, $0x38;
	[tilespmem:$0x4D00] =	vst v63  }
0x8a: {  	s24 =	spop (v2sf)  }
0x8b: {  	s26 =	sand.u32 $0x7FFFFC00, s24  }
0x8c: {  	s1 =	sadd.s32 s13, s26  }
0x8d: {  	s1 =	sshrl.u32 s1, $0x3  }
0x8e: {  	s28 =	simm.s32 $0x2480;
	s29 =	spop (v2sf);
	s1 =	sadd.s32 s3, s1  }
0x8f: {  	[tilespmem:s28], [sflag:$0x1] =	stream.linear.gather [hbm4b:s1+s2], $0x400, $0x38;
	[tilespmem:$0x4D00] =	vst v63  }
0x90: {  	s1 =	sand.u32 $0x7FFFFC00, s29  }
.Ltmp2:
0x91: {  	s1 =	sadd.s32 s13, s1;
	(pc) =	sbr.rel .LBB2_2-.Ltmp2, $4  }
0x92: {  	s30 =	simm.s32 $0x2880;
	s1 =	sshrl.u32 s1, $0x3  }
0x93: {  	s5 =	simm.s32 $0x0;
	s4 =	simm.s32 $0x0;
	s1 =	sadd.s32 s3, s1  }
0x94: {  	[tilespmem:s30], [sflag:$0x1] =	stream.linear.gather [hbm4b:s1+s2], $0x400, $0x38;
	[tilespmem:$0x4D00] =	vst v63  }
0x95: {  	v3 =	vimm.f32 $0.0e+00;
	s6 =	simm.s32 $0x0;
	s13 =	simm.s32 $0x10;
	s1 =	simm.s32 $0x800  }
.LBB2_4:
0x96: {  	_ =	swait.ge [sflag:s0], $0x400  }
0x97: {  	[sflag:s0] =	ssyncset.done $0x0  }
0x98: {  	[sflag:s0] =	ssyncadd.s32 $0xFFFFFC00  }
0x99: {  	_ =	swait.ge [sflag:s0], $0x400  }
0x9a: {  	[sflag:s0] =	ssyncset.done $0x0  }
0x9b: {  	[sflag:s0] =	ssyncadd.s32 $0xFFFFFC00  }
0x9c: {  	_ =	swait.ge [sflag:s0], $0x400  }
0x9d: {  	[sflag:s0] =	ssyncset.done $0x0  }
0x9e: {  	[sflag:s0] =	ssyncadd.s32 $0xFFFFFC00  }
0x9f: {  	_ =	swait.ge [sflag:s0], $0x400  }
0xa0: {  	v12 =	vbroadcast v2, $0x0;
	[sflag:s0] =	ssyncset.done $0x0  }
0xa1: {  	s20 =	sand.u32 $0xF, s26;
	[sflag:s0] =	ssyncadd.s32 $0xFFFFFC00  }
0xa2: {  	v13 =	vbroadcast v2, $0x1;
	v35 =	vmov s20;
	v11 =	vmul.f32 v11, v12;
	_ =	swait.ge [sflag:s0], $0x400  }
0xa3: {  	s26 =	sand.u32 $0xF, s25;
	v37 =	vbroadcast v2, $0x2;
	vm3 =	veq.s32 v35, v0;
	[sflag:s0] =	ssyncset.done $0x0  }
0xa4: {  	v36 =	vmov s26;
	v10 =	vmul.f32 v10, v13;
	v11 =	vnsel vm3, $0x0, v11;
	[sflag:s0] =	ssyncadd.s32 $0xFFFFFC00  }
0xa5: {  	s28 =	sand.u32 $0xF, s23;
	v39 =	vbroadcast v2, $0x3;
	vm3 =	veq.s32 v36, v0;
	v3 =	vadd.f32 v11, v3;
	_ =	swait.ge [sflag:s0], $0x400  }
0xa6: {  	v38 =	vmov s28;
	v9 =	vmul.f32 v9, v37;
	v10 =	vnsel vm3, $0x0, v10;
	[sflag:s0] =	ssyncset.done $0x0  }
0xa7: {  	s29 =	sand.u32 $0xF, s24;
	v41 =	vbroadcast v2, $0x4;
	vm3 =	veq.s32 v38, v0;
	v3 =	vadd.f32 v10, v3;
	[sflag:s0] =	ssyncadd.s32 $0xFFFFFC00  }
0xa8: {  	v40 =	vmov s29;
	v8 =	vmul.f32 v8, v39;
	v9 =	vnsel vm3, $0x0, v9;
	_ =	swait.ge [sflag:s0], $0x400  }
0xa9: {  	s30 =	sand.u32 $0xF, s22;
	v42 =	vbroadcast v2, $0x5;
	vm3 =	veq.s32 v40, v0;
	v3 =	vadd.f32 v9, v3;
	[sflag:s0] =	ssyncset.done $0x0  }
0xaa: {  	v43 =	vmov s30;
	v7 =	vmul.f32 v7, v41;
	v8 =	vnsel vm3, $0x0, v8;
	[sflag:s0] =	ssyncadd.s32 $0xFFFFFC00  }
0xab: {  	s21 =	sand.u32 $0xF, s21;
	s22 =	sand.u32 $0xF, s19;
	v45 =	vbroadcast v2, $0x6;
	vm3 =	veq.s32 v43, v0;
	v3 =	vadd.f32 v8, v3;
	_ =	swait.ge [sflag:s0], $0x400  }
0xac: {  	s23 =	sand.u32 $0x70, s14;
	s19 =	sadd.s32 $0x2C80, s17;
	v44 =	vmov s21;
	v6 =	vmul.f32 v6, v42;
	v7 =	vnsel vm3, $0x0, v7;
	[sflag:s0] =	ssyncset.done $0x0  }
0xad: {  	s25 =	sand.u32 $0x70, s16;
	v47 =	vbroadcast v2, $0x7;
	s24 =	sadd.s32 s23, s17;
	vm3 =	veq.s32 v44, v0;
	v3 =	vadd.f32 v7, v3;
	[sflag:s0] =	ssyncadd.s32 $0xFFFFFC00  }
0xae: {  	v46 =	vmov s22;
	s26 =	sadd.s32 s25, s19;
	v5 =	vmul.f32 v5, v45;
	v6 =	vnsel vm3, $0x0, v6;
	v48 =	vld [tilespmem:s24+$0x2D00]  }
0xaf: {  	s18 =	sand.u32 $0xF, s18;
	vm3 =	veq.s32 v46, v0;
	v3 =	vadd.f32 v6, v3;
	v49 =	vld [tilespmem:s26+$0x480]  }
0xb0: {  	v50 =	vmov s18;
	s28 =	sand.u32 $0x70, s15;
	v4 =	vmul.f32 v4, v47;
	v5 =	vnsel vm3, $0x0, v5  }
0xb1: {  	s17 =	sadd.s32 s28, s19;
	vm3 =	veq.s32 v50, v0;
	v3 =	vadd.f32 v5, v3;
	v5 =	vbroadcast v2, $0x8  }
0xb2: {  	v51 =	vbroadcast v2, $0x9;
	s29 =	sand.u32 $0xF, s14;
	v4 =	vnsel vm3, $0x0, v4;
	v52 =	vld [tilespmem:s17+$0x880]  }
0xb3: {  	s16 =	sand.u32 $0xF, s16;
	s30 =	sand.u32 $0x70, s7;
	v3 =	vadd.f32 v4, v3;
	v4 =	vmov s29;
	v5 =	vmul.f32 v48, v5  }
0xb4: {  	vm3 =	veq.s32 v4, v0;
	v4 =	vmov s16;
	s17 =	sadd.s32 s30, s19;
	v6 =	vmul.f32 v49, v51  }
0xb5: {  	s18 =	sand.u32 $0x70, s11;
	v53 =	vld [tilespmem:s17+$0xC80];
	v5 =	vnsel vm3, $0x0, v5;
	vm3 =	veq.s32 v4, v0;
	v4 =	vbroadcast v2, $0xA  }
0xb6: {  	s20 =	sand.u32 $0xF, s15;
	s14 =	sadd.s32 s18, s19;
	v3 =	vadd.f32 v5, v3  }
0xb7: {  	s21 =	sand.u32 $0x70, s12;
	v54 =	vmov s20;
	v56 =	vld [tilespmem:s14+$0x1080];
	v5 =	vnsel vm3, $0x0, v6;
	v4 =	vmul.f32 v52, v4  }
0xb8: {  	v55 =	vbroadcast v2, $0xB;
	s23 =	sand.u32 $0xF, s7;
	s22 =	sadd.s32 s21, s19;
	vm3 =	veq.s32 v54, v0;
	v3 =	vadd.f32 v5, v3  }
0xb9: {  	v57 =	vmov s23;
	s24 =	sand.u32 $0x70, s8;
	v5 =	vld [tilespmem:s22+$0x1480];
	v4 =	vnsel vm3, $0x0, v4  }
0xba: {  	s7 =	sadd.s32 s24, s19;
	v7 =	vmul.f32 v53, v55;
	v3 =	vadd.f32 v4, v3;
	v4 =	vbroadcast v2, $0xC  }
0xbb: {  	v58 =	vbroadcast v2, $0xD;
	s25 =	sand.u32 $0xF, s11;
	s26 =	sand.u32 $0x70, s9;
	v59 =	vld [tilespmem:s7+$0x1880];
	vm3 =	veq.s32 v57, v0  }
0xbc: {  	v60 =	vmov s25;
	s7 =	sadd.s32 s26, s19;
	v6 =	vnsel vm3, $0x0, v7;
	v4 =	vmul.f32 v56, v4  }
0xbd: {  	v63 =	vbroadcast v2, $0xE;
	s28 =	sand.u32 $0xF, s12;
	v62 =	vld [tilespmem:s7+$0x1C80];
	vm3 =	veq.s32 v60, v0;
	v3 =	vadd.f32 v6, v3  }
0xbe: {  	v61 =	vmov s28;
	v5 =	vmul.f32 v5, v58;
	v4 =	vnsel vm3, $0x0, v4  }
0xbf: {  	s6 =	sadd.s32 $0x2, s6;
	s29 =	sand.u32 $0xF, s8;
	v2 =	vbroadcast v2, $0xF;
	vm3 =	veq.s32 v61, v0;
	v3 =	vadd.f32 v4, v3  }
0xc0: {  	p0 =	sne.s32 s6, $0x40;
	v6 =	vmul.f32 v59, v63;
	v4 =	vnsel vm3, $0x0, v5;
	v5 =	vmov s29  }
.Ltmp3:
0xc1: {  	s30 =	sand.u32 $0xF, s9;
	vm3 =	veq.s32 v5, v0;
	v3 =	vadd.f32 v4, v3;
	(pc) =	sbr.rel @!p0 .LBB2_5-.Ltmp3, $4  }
0xc2: {  	v2 =	vmul.f32 v62, v2;
	v5 =	vmov s30;
	v4 =	vnsel vm3, $0x0, v6  }
0xc3: {  	vm3 =	veq.s32 v5, v0;
	v3 =	vadd.f32 v4, v3  }
0xc4: {  	s5 =	sadd.s32 $0x100, s5;
	v2 =	vnsel vm3, $0x0, v2  }
0xc5: {  	s13 =	sadd.s32 $0x10, s13;
	s4 =	sadd.s32 $0x10, s4;
	s1 =	sadd.s32 $0x10, s1;
	v3 =	vadd.f32 v2, v3  }
.LBB2_2:
0xc6: {  	v4 =	vld [tilespmem:s4+$0x0];
	_ =	sdelay $0x4  }
0xc7: {  	(v2sf) =	vpush v4, $0x8;
	_ =	sdelay $0x3  }
0xc8: {  	(v2sf) =	vpush v4, $0x9;
	_ =	sdelay $0x4  }
0xc9: {  	(v2sf) =	vpush v4, $0xA;
	_ =	sdelay $0x4  }
0xca: {  	s20 =	sadd.s32 s6, s10  }
0xcb: {  	s7 =	sshrl.u32 s20, $0x3;
	s14 =	spop (v2sf)  }
0xcc: {  	s17 =	smul.u32 $0xC3800, s7;
	s24 =	sshll.u32 s14, $0x3  }
0xcd: {  	(v2sf) =	vpush v4, $0xB;
	s7 =	sand.u32 $0x7FFFFC00, s24  }
0xce: {  	s7 =	sadd.s32 s17, s7  }
0xcf: {  	s16 =	spop (v2sf);
	s7 =	sshrl.u32 s7, $0x3  }
0xd0: {  	s8 =	simm.s32 $0x2C80;
	s25 =	sshll.u32 s16, $0x3;
	s7 =	sadd.s32 s3, s7  }
0xd1: {  	v2 =	vld [tilespmem:s1+$0x0];
	[tilespmem:s8], [sflag:$0x2] =	stream.linear.gather [hbm4b:s7+s2], $0x400, $0x38  }
0xd2: {  	(v2sf) =	vpush v4, $0xC;
	s7 =	sand.u32 $0x7FFFFC00, s25  }
0xd3: {  	s7 =	sadd.s32 s17, s7  }
0xd4: {  	s15 =	spop (v2sf);
	s7 =	sshrl.u32 s7, $0x3  }
0xd5: {  	s26 =	simm.s32 $0x3080;
	s28 =	sshll.u32 s15, $0x3;
	s7 =	sadd.s32 s3, s7  }
0xd6: {  	[tilespmem:s26], [sflag:$0x2] =	stream.linear.gather [hbm4b:s7+s2], $0x400, $0x38;
	[tilespmem:$0x4D00] =	vst v63  }
0xd7: {  	s7 =	sand.u32 $0x7FFFFC00, s28  }
0xd8: {  	s7 =	sadd.s32 s17, s7  }
0xd9: {  	s7 =	sshrl.u32 s7, $0x3  }
0xda: {  	s29 =	simm.s32 $0x3480;
	(v2sf) =	vpush v4, $0xD;
	s7 =	sadd.s32 s3, s7  }
0xdb: {  	[tilespmem:s29], [sflag:$0x2] =	stream.linear.gather [hbm4b:s7+s2], $0x400, $0x38;
	[tilespmem:$0x4D00] =	vst v63  }
0xdc: {  	s7 =	spop (v2sf)  }
0xdd: {  	s30 =	sshll.u32 s7, $0x3  }
0xde: {  	s8 =	sand.u32 $0x7FFFFC00, s30  }
0xdf: {  	s8 =	sadd.s32 s17, s8  }
0xe0: {  	s8 =	sshrl.u32 s8, $0x3  }
0xe1: {  	s9 =	simm.s32 $0x3880;
	(v2sf) =	vpush v4, $0xE;
	s11 =	spop (v2sf);
	s8 =	sadd.s32 s3, s8  }
0xe2: {  	[tilespmem:s9], [sflag:$0x2] =	stream.linear.gather [hbm4b:s8+s2], $0x400, $0x38;
	[tilespmem:$0x4D00] =	vst v63  }
0xe3: {  	s9 =	sshll.u32 s11, $0x3  }
0xe4: {  	s8 =	sand.u32 $0x7FFFFC00, s9  }
0xe5: {  	s8 =	sadd.s32 s17, s8  }
0xe6: {  	s8 =	sshrl.u32 s8, $0x3  }
0xe7: {  	s12 =	simm.s32 $0x3C80;
	s8 =	sadd.s32 s3, s8  }
0xe8: {  	(v2sf) =	vpush v4, $0xF;
	[tilespmem:s12], [sflag:$0x2] =	stream.linear.gather [hbm4b:s8+s2], $0x400, $0x38;
	[tilespmem:$0x4D00] =	vst v63  }
0xe9: {  	s12 =	spop (v2sf)  }
0xea: {  	s18 =	sshll.u32 s12, $0x3  }
0xeb: {  	s8 =	sand.u32 $0x7FFFFC00, s18  }
0xec: {  	s8 =	sadd.s32 s17, s8  }
0xed: {  	s8 =	sshrl.u32 s8, $0x3  }
0xee: {  	s19 =	simm.s32 $0x4080;
	s8 =	sadd.s32 s3, s8  }
0xef: {  	[tilespmem:s19], [sflag:$0x2] =	stream.linear.gather [hbm4b:s8+s2], $0x400, $0x38;
	[tilespmem:$0x4D00] =	vst v63  }
0xf0: {  	s8 =	spop (v2sf)  }
0xf1: {  	s21 =	sshll.u32 s8, $0x3  }
0xf2: {  	s9 =	sand.u32 $0x7FFFFC00, s21  }
0xf3: {  	s9 =	sadd.s32 s17, s9  }
0xf4: {  	s9 =	sshrl.u32 s9, $0x3  }
0xf5: {  	s18 =	simm.s32 $0x4480;
	s9 =	sadd.s32 s3, s9  }
0xf6: {  	[tilespmem:s18], [sflag:$0x2] =	stream.linear.gather [hbm4b:s9+s2], $0x400, $0x38;
	[tilespmem:$0x4D00] =	vst v63  }
0xf7: {  	s9 =	spop (v2sf)  }
0xf8: {  	s22 =	sshll.u32 s9, $0x3  }
0xf9: {  	s18 =	sand.u32 $0x7FFFFC00, s22  }
0xfa: {  	s17 =	sadd.s32 s17, s18  }
0xfb: {  	s17 =	sshrl.u32 s17, $0x3  }
0xfc: {  	s23 =	simm.s32 $0x4880;
	s17 =	sadd.s32 s3, s17  }
0xfd: {  	[tilespmem:s23], [sflag:$0x2] =	stream.linear.gather [hbm4b:s17+s2], $0x400, $0x38;
	[tilespmem:$0x4D00] =	vst v63  }
0xfe: {  	_ =	swait.ge [sflag:s31], $0x400  }
0xff: {  	[sflag:s31] =	ssyncset.done $0x0  }
0x100: {  	[sflag:s31] =	ssyncadd.s32 $0xFFFFFC00  }
0x101: {  	_ =	swait.ge [sflag:s31], $0x400  }
0x102: {  	[sflag:s31] =	ssyncset.done $0x0  }
0x103: {  	[sflag:s31] =	ssyncadd.s32 $0xFFFFFC00  }
0x104: {  	_ =	swait.ge [sflag:s31], $0x400  }
0x105: {  	[sflag:s31] =	ssyncset.done $0x0  }
0x106: {  	[sflag:s31] =	ssyncadd.s32 $0xFFFFFC00  }
0x107: {  	_ =	swait.ge [sflag:s31], $0x400  }
0x108: {  	[sflag:s31] =	ssyncset.done $0x0  }
0x109: {  	[sflag:s31] =	ssyncadd.s32 $0xFFFFFC00  }
0x10a: {  	_ =	swait.ge [sflag:s31], $0x400  }
0x10b: {  	[sflag:s31] =	ssyncset.done $0x0  }
0x10c: {  	[sflag:s31] =	ssyncadd.s32 $0xFFFFFC00  }
0x10d: {  	_ =	swait.ge [sflag:s31], $0x400  }
0x10e: {  	[sflag:s31] =	ssyncset.done $0x0  }
0x10f: {  	[sflag:s31] =	ssyncadd.s32 $0xFFFFFC00  }
0x110: {  	_ =	swait.ge [sflag:s31], $0x400  }
0x111: {  	[sflag:s31] =	ssyncset.done $0x0  }
0x112: {  	[sflag:s31] =	ssyncadd.s32 $0xFFFFFC00  }
0x113: {  	_ =	swait.ge [sflag:s31], $0x400  }
0x114: {  	(v2sf) =	vpush v4, $0x0  }
0x115: {  	(v2sf) =	vpush v4, $0x1  }
0x116: {  	(v2sf) =	vpush v4, $0x2  }
0x117: {  	(v2sf) =	vpush v4, $0x3  }
0x118: {  	(v2sf) =	vpush v4, $0x4  }
0x119: {  	(v2sf) =	vpush v4, $0x5  }
0x11a: {  	(v2sf) =	vpush v4, $0x6;
	_ =	sdelay $0x1  }
0x11b: {  	(v2sf) =	vpush v4, $0x7;
	_ =	sdelay $0x6  }
0x11c: {  	p0 =	seq.s32 s6, $0x3E;
	s17 =	sand.u32 $0x300, s5;
	s26 =	spop (v2sf)  }
0x11d: {  	s28 =	sor.u32 $0xC80, s17;
	[sflag:s31] =	ssyncset.done $0x0;
	s25 =	spop (v2sf)  }
0x11e: {  	[sflag:s31] =	ssyncadd.s32 $0xFFFFFC00;
	s24 =	sand.u32 $0x70, s26;
	s23 =	spop (v2sf)  }
0x11f: {  	s18 =	sor.u32 s24, s28;
	s19 =	sand.u32 $0x70, s25;
	s24 =	spop (v2sf)  }
0x120: {  	v11 =	vld [tilespmem:s18+$0x0];
	s29 =	sor.u32 s19, s28;
	s30 =	sand.u32 $0x70, s23;
	s22 =	spop (v2sf)  }
0x121: {  	v10 =	vld [tilespmem:s29+$0x400];
	s19 =	sor.u32 s30, s28;
	s29 =	sand.u32 $0x70, s24;
	s21 =	spop (v2sf)  }
0x122: {  	v9 =	vld [tilespmem:s19+$0x800];
	s30 =	sor.u32 s29, s28;
	s29 =	sand.u32 $0x70, s22;
	s19 =	spop (v2sf)  }
.Ltmp4:
0x123: {  	v8 =	vld [tilespmem:s30+$0xC00];
	s18 =	sor.u32 s29, s28;
	s30 =	sand.u32 $0x70, s21;
	(pc) =	sbr.rel @p0 .LBB2_4-.Ltmp4, $4  }
0x124: {  	v7 =	vld [tilespmem:s18+$0x1000];
	s29 =	sor.u32 s30, s28;
	s30 =	sand.u32 $0x70, s19;
	s18 =	spop (v2sf)  }
0x125: {  	v6 =	vld [tilespmem:s29+$0x1400];
	s29 =	sor.u32 s30, s28;
	s30 =	sand.u32 $0x70, s18  }
0x126: {  	v5 =	vld [tilespmem:s29+$0x1800];
	s28 =	sor.u32 s30, s28  }
0x127: {  	v4 =	vld [tilespmem:s28+$0x1C00]  }
0x128: {  	s28 =	sand.u32 $0x3F0, s13  }
0x129: {  	v12 =	vld [tilespmem:s28+$0x0];
	_ =	sdelay $0x4  }
0x12a: {  	v12 =	vshll.u32 v12, $0x3  }
0x12b: {  	(v2sf) =	vpush v12, $0x0;
	_ =	sdelay $0x5  }
0x12c: {  	(v2sf) =	vpush v12, $0x1;
	_ =	sdelay $0x3  }
0x12d: {  	(v2sf) =	vpush v12, $0x2;
	_ =	sdelay $0x2  }
0x12e: {  	s20 =	sadd.s32 $0x2, s20  }
0x12f: {  	s20 =	sshrl.u32 s20, $0x3  }
0x130: {  	s20 =	smul.u32 $0xC3800, s20;
	s30 =	spop (v2sf)  }
0x131: {  	s28 =	sand.u32 $0x7FFFFC00, s30  }
0x132: {  	(v2sf) =	vpush v12, $0x3;
	s28 =	sadd.s32 s20, s28  }
0x133: {  	s28 =	sshrl.u32 s28, $0x3  }
0x134: {  	s29 =	simm.s32 $0xC80;
	s28 =	sadd.s32 s3, s28  }
0x135: {  	[tilespmem:s29], [sflag:$0x1] =	stream.linear.gather [hbm4b:s28+s2], $0x400, $0x38;
	[tilespmem:$0x4D00] =	vst v63  }
0x136: {  	s29 =	spop (v2sf)  }
0x137: {  	s28 =	sand.u32 $0x7FFFFC00, s29  }
0x138: {  	(v2sf) =	vpush v12, $0x4;
	s28 =	sadd.s32 s20, s28  }
0x139: {  	s28 =	sshrl.u32 s28, $0x3  }
0x13a: {  	s30 =	simm.s32 $0x1080;
	s29 =	spop (v2sf);
	s28 =	sadd.s32 s3, s28  }
0x13b: {  	[tilespmem:s30], [sflag:$0x1] =	stream.linear.gather [hbm4b:s28+s2], $0x400, $0x38;
	[tilespmem:$0x4D00] =	vst v63  }
0x13c: {  	(v2sf) =	vpush v12, $0x5;
	s28 =	sand.u32 $0x7FFFFC00, s29  }
0x13d: {  	s28 =	sadd.s32 s20, s28  }
0x13e: {  	s28 =	sshrl.u32 s28, $0x3  }
0x13f: {  	s30 =	simm.s32 $0x1480;
	s28 =	sadd.s32 s3, s28  }
0x140: {  	[tilespmem:s30], [sflag:$0x1] =	stream.linear.gather [hbm4b:s28+s2], $0x400, $0x38;
	[tilespmem:$0x4D00] =	vst v63  }
0x141: {  	s29 =	spop (v2sf)  }
0x142: {  	s28 =	sand.u32 $0x7FFFFC00, s29  }
0x143: {  	(v2sf) =	vpush v12, $0x6;
	s28 =	sadd.s32 s20, s28  }
0x144: {  	s28 =	sshrl.u32 s28, $0x3  }
0x145: {  	s30 =	simm.s32 $0x1880;
	s28 =	sadd.s32 s3, s28  }
0x146: {  	[tilespmem:s30], [sflag:$0x1] =	stream.linear.gather [hbm4b:s28+s2], $0x400, $0x38;
	[tilespmem:$0x4D00] =	vst v63  }
0x147: {  	s29 =	spop (v2sf)  }
0x148: {  	s28 =	sand.u32 $0x7FFFFC00, s29  }
0x149: {  	(v2sf) =	vpush v12, $0x7;
	s28 =	sadd.s32 s20, s28  }
0x14a: {  	s28 =	sshrl.u32 s28, $0x3  }
0x14b: {  	s30 =	simm.s32 $0x1C80;
	s29 =	spop (v2sf);
	s28 =	sadd.s32 s3, s28  }
0x14c: {  	[tilespmem:s30], [sflag:$0x1] =	stream.linear.gather [hbm4b:s28+s2], $0x400, $0x38;
	[tilespmem:$0x4D00] =	vst v63  }
0x14d: {  	s28 =	sand.u32 $0x7FFFFC00, s29  }
0x14e: {  	s28 =	sadd.s32 s20, s28  }
0x14f: {  	s28 =	sshrl.u32 s28, $0x3  }
0x150: {  	s30 =	simm.s32 $0x2080;
	s28 =	sadd.s32 s3, s28  }
0x151: {  	[tilespmem:s30], [sflag:$0x1] =	stream.linear.gather [hbm4b:s28+s2], $0x400, $0x38;
	[tilespmem:$0x4D00] =	vst v63  }
0x152: {  	s29 =	spop (v2sf)  }
0x153: {  	s28 =	sand.u32 $0x7FFFFC00, s29  }
0x154: {  	s28 =	sadd.s32 s20, s28  }
0x155: {  	s28 =	sshrl.u32 s28, $0x3  }
0x156: {  	s30 =	simm.s32 $0x2480;
	s28 =	sadd.s32 s3, s28  }
0x157: {  	[tilespmem:s30], [sflag:$0x1] =	stream.linear.gather [hbm4b:s28+s2], $0x400, $0x38;
	[tilespmem:$0x4D00] =	vst v63  }
0x158: {  	s29 =	spop (v2sf)  }
.Ltmp5:
0x159: {  	s28 =	sand.u32 $0x7FFFFC00, s29;
	(pc) =	sbr.rel .LBB2_4-.Ltmp5, $4  }
0x15a: {  	s20 =	sadd.s32 s20, s28  }
0x15b: {  	s20 =	sshrl.u32 s20, $0x3  }
0x15c: {  	s30 =	simm.s32 $0x2880;
	s20 =	sadd.s32 s3, s20  }
0x15d: {  	[tilespmem:s30], [sflag:$0x1] =	stream.linear.gather [hbm4b:s20+s2], $0x400, $0x38;
	[tilespmem:$0x4D00] =	vst v63  }
.LBB2_6:
0x15e: {  	_ =	sfence.sel $0x180000  }
0x15f: {  	[bflag:$0x0] =	sbarrier.arrive $0xFFFF  }
0x160: {  	_ =	strace $0x90000047  }
0x161: {  	s0 =	stileid.u32;
	[bflag:$0x2] =	sbarrier.arrive $0xFFFF  }
0x162: {  	p0 =	sne.s32 s0, $0x0;
	s0 =	rddreg [dreg:$0x1]  }
0x163: {  	s0 =	sadd.s32 @!p0 $0x100000, s0  }
0x164: {  	[sflag:s0] =	ssyncadd.tile.s32 @!p0 $0x1;
	_ =	shalt  }
.Lfunc_end2:
_tile_overlayer_lowered:
.L_overlay_start_2:
0x165: {  	(tag) =	ssettag $0x2  }
0x166: {  	s0 =	rddreg [dreg:$0x0];
	s2 =	stileid.u32  }
0x167: {  	s1 =	rddreg [dreg:$0x1];
	p0 =	sne.s32 s2, $0x0  }
0x168: {  	s3 =	rddreg [dreg:$0x2];
	[bflag:$0x3] =	sbarrier.arrive $0xFFFF;
	s2 =	simm.s32 @!p0 $0x1C03  }
0x169: {  	[timem:s3], [sflag:s2] =	dma.local @!p0 [hbm:s0], s1  }
0x16a: {  	s0 =	simm.s32 @!p0 $0x3  }
0x16b: {  	_ =	swait.ge @!p0 [sflag:s0], s1  }
0x16c: {  	s1 =	ssub.s32 @!p0 $0x0, s1;
	[sflag:s0] =	ssyncset.done @!p0 $0x0  }
0x16d: {  	[sflag:s0] =	ssyncadd.s32 @!p0 s1  }
0x16e: {  	[bflag:$0x3] =	sbarrier.arrive $0xFFFF  }
0x16f: {  	_ =	shalt  }

</sc_bundles>
